<compile_context>
chip_gen: v7x
topology: tpu7x:2x2x1
jax: 0.10.2.dev20260603
libtpu: 0.0.44.dev20260713+nightly
codegen_flags: <defaults>
</compile_context>

<pallas_src>
import jax
import jax.numpy as jnp
from jax import lax
from jax.experimental import pallas as pl
from jax.experimental.pallas import tpu as pltpu
from jax.experimental.pallas import tpu_sc as plsc

NC = 2
NS = 16
NW = NC * NS
L = 16
BATCH = 16384
DIM = 32
PACK = 128 // DIM
BPW = BATCH // NW
CHUNK = 128
NCHUNK = BPW // CHUNK
HALF = BPW // 2
NGRP = HALF // L

_PARAMS = pltpu.CompilerParams(
    needs_layout_passes=False, use_tc_tiling_on_sc=False)


def _body(rpu_r, rpi_r, offu_r, offi_r, pu, pi, out_hbm,
          uidx_v, iidx_v, offu_v, offi_v, urows_v, irows_v, out_v, sem):
    wid = lax.axis_index("s") * NC + lax.axis_index("c")
    pltpu.sync_copy(rpu_r.at[wid], uidx_v)
    pltpu.sync_copy(rpi_r.at[wid], iidx_v)
    pltpu.sync_copy(offu_r.at[wid], offu_v)
    pltpu.sync_copy(offi_r.at[wid], offi_v)

    iota = lax.iota(jnp.int32, L)

    for h in range(2):
        copies = []
        for j in range(NCHUNK // 2):
            copies.append(pltpu.async_copy(
                pu.at[uidx_v.at[2 * h + j]],
                urows_v.at[pl.ds(j * CHUNK, CHUNK)], sem))
            copies.append(pltpu.async_copy(
                pi.at[iidx_v.at[2 * h + j]],
                irows_v.at[pl.ds(j * CHUNK, CHUNK)], sem))
        for cp in copies:
            cp.wait()

        def grp(g, carry):
            base = h * HALF + g * L
            rows = iota + g * L
            ou = offu_v[pl.ds(base, L)]
            oi = offi_v[pl.ds(base, L)]
            acc = jnp.zeros((L,), jnp.float32)
            for d in range(DIM):
                uv = plsc.load_gather(urows_v, [rows, ou + d])
                iv = plsc.load_gather(irows_v, [rows, oi + d])
                acc = acc + uv * iv
            out_v[pl.ds(base, L)] = 1.0 / (1.0 + jnp.exp(-acc))
            return carry

        lax.fori_loop(0, NGRP, grp, 0)

    pltpu.sync_copy(out_v, out_hbm.at[wid])


@jax.jit
def _run(rpu_r, rpi_r, offu_r, offi_r, pu, pi):
    mesh = plsc.VectorSubcoreMesh(core_axis_name="c", subcore_axis_name="s")
    f = pl.kernel(
        _body,
        out_type=jax.ShapeDtypeStruct((NW, BPW), jnp.float32),
        mesh=mesh,
        scratch_types=[
            pltpu.VMEM((NCHUNK, CHUNK), jnp.int32),
            pltpu.VMEM((NCHUNK, CHUNK), jnp.int32),
            pltpu.VMEM((BPW,), jnp.int32),
            pltpu.VMEM((BPW,), jnp.int32),
            pltpu.VMEM((HALF, 128), jnp.float32),
            pltpu.VMEM((HALF, 128), jnp.float32),
            pltpu.VMEM((BPW,), jnp.float32),
            pltpu.SemaphoreType.DMA,
        ],
        compiler_params=_PARAMS,
    )
    return f(rpu_r, rpi_r, offu_r, offi_r, pu, pi)


def kernel(users, items, user_table, item_table):
    pu = user_table.reshape(1000000 // PACK, DIM * PACK)
    pi = item_table.reshape(1000000 // PACK, DIM * PACK)
    rpu = (users // PACK).reshape(NW, NCHUNK, CHUNK)
    rpi = (items // PACK).reshape(NW, NCHUNK, CHUNK)
    offu = ((users % PACK) * DIM).reshape(NW, BPW)
    offi = ((items % PACK) * DIM).reshape(NW, BPW)
    out = _run(rpu, rpi, offu, offi, pu, pi)
    return out.reshape(BATCH)

# --- scband reference (transcript-rebuilt; emitter-appended) ---
"""Pipeline reference for scband-rec-mf-13056700580258 (READ-ONLY COPY).

The authoritative reference and input builder live on the scoring server;
editing this copy changes nothing except your own understanding.
"""

import jax, jax.numpy as jnp
import numpy as np

NUM_USERS = 1000000
NUM_ITEMS = 1000000
LATENT_DIM = 32
BATCH = 16384

def setup_inputs(seed: int = 0) -> dict:
    key = jax.random.key(seed)
    k1, k2, k3, k4 = jax.random.split(key, 4)
    users = jax.random.randint(k1, (BATCH,), 0, NUM_USERS, dtype=jnp.int64 if jax.config.jax_enable_x64 else jnp.int32).astype(jnp.int32)
    items = jax.random.randint(k2, (BATCH,), 0, NUM_ITEMS, dtype=jnp.int32)
    user_table = jax.random.normal(k3, (NUM_USERS, LATENT_DIM), dtype=jnp.float32)
    item_table = jax.random.normal(k4, (NUM_ITEMS, LATENT_DIM), dtype=jnp.float32)
    return {"users": users, "items": items, "user_table": user_table, "item_table": item_table}

def reference(users, items, user_table, item_table):
    users_emb = jnp.take(user_table, users, axis=0)
    items_emb = jnp.take(item_table, items, axis=0)
    inner_pro = users_emb * items_emb
    rating = jax.nn.sigmoid(jnp.sum(inner_pro, axis=1))
    return rating

if __name__ == "__main__":
    import jax
    _d = setup_inputs()
    print(jax.jit(kernel)(*tuple(_d.values())))

</pallas_src>

<mosaic_0001>
#map = affine_map<(d0, d1) -> (0, 0, 0)>
#map1 = affine_map<(d0, d1) -> (0, 0)>
module attributes {stable_mosaic.version = 14 : i64} {
  func.func @_body(%arg0: i32, %arg1: i32, %arg2: memref<32x4x128xi32, #tpu.memory_space<hbm>>, %arg3: memref<32x4x128xi32, #tpu.memory_space<hbm>>, %arg4: memref<32x512xi32, #tpu.memory_space<hbm>>, %arg5: memref<32x512xi32, #tpu.memory_space<hbm>>, %arg6: memref<250000x128xf32, #tpu.memory_space<hbm>>, %arg7: memref<250000x128xf32, #tpu.memory_space<hbm>>, %arg8: memref<32x512xf32, #tpu.memory_space<hbm>>, %arg9: memref<4x128xi32, #tpu.memory_space<vmem>>, %arg10: memref<4x128xi32, #tpu.memory_space<vmem>>, %arg11: memref<512xi32, #tpu.memory_space<vmem>>, %arg12: memref<512xi32, #tpu.memory_space<vmem>>, %arg13: memref<256x128xf32, #tpu.memory_space<vmem>>, %arg14: memref<256x128xf32, #tpu.memory_space<vmem>>, %arg15: memref<512xf32, #tpu.memory_space<vmem>>, %arg16: memref<!tpu.dma_semaphore, #tpu.memory_space<semaphore_mem>>) attributes {dimension_semantics = [#tpu.dimension_semantics<core_parallel>, #tpu.dimension_semantics<subcore_parallel>], iteration_bounds = array<i64: 2, 16>, scalar_prefetch = 0 : i64, scratch_operands = 8 : i64, tpu.core_type = #tpu.core_type<sc_vector_subcore>, window_params = [{transform_indices = #map}, {transform_indices = #map}, {transform_indices = #map1}, {transform_indices = #map1}, {transform_indices = #map1}, {transform_indices = #map1}, {transform_indices = #map1}]} {
    %mul3A = arith.constant 2 : i32
    %mul3A_0 = arith.muli %arg1, %mul3A : i32
    %add3A = arith.addi %mul3A_0, %arg0 : i32
    "tpu.region"() ({
      %run_scoped3A = tpu.sem_alloc : memref<!tpu.dma_semaphore, #tpu.memory_space<semaphore_mem>>
      %dma_start3A_170 = arith.constant 0 : i32
      %dma_start3A_171 = arith.constant 0 : i32
      %dma_start3A_172 = tpu.memref_slice %arg2[%add3A, %dma_start3A_170, %dma_start3A_171] : memref<32x4x128xi32, #tpu.memory_space<hbm>> -> memref<1x4x128xi32, #tpu.memory_space<hbm>>
      %dma_start3A_173 = tpu.memref_squeeze %dma_start3A_172 : memref<1x4x128xi32, #tpu.memory_space<hbm>> -> memref<4x128xi32, #tpu.memory_space<hbm>>
      %dma_start3A_174 = arith.constant 0 : i32
      %dma_start3A_175 = arith.constant 0 : i32
      %dma_start3A_176 = tpu.memref_slice %arg2[%add3A, %dma_start3A_174, %dma_start3A_175] : memref<32x4x128xi32, #tpu.memory_space<hbm>> -> memref<1x4x128xi32, #tpu.memory_space<hbm>>
      %dma_start3A_177 = tpu.memref_squeeze %dma_start3A_176 : memref<1x4x128xi32, #tpu.memory_space<hbm>> -> memref<4x128xi32, #tpu.memory_space<hbm>>
      tpu.enqueue_dma source(%dma_start3A_177 : memref<4x128xi32, #tpu.memory_space<hbm>>) target(%arg9 : memref<4x128xi32, #tpu.memory_space<vmem>>) target_semaphore(%run_scoped3A : memref<!tpu.dma_semaphore, #tpu.memory_space<semaphore_mem>>)
      %dma_wait3A_178 = arith.constant 0 : i32
      %dma_wait3A_179 = arith.constant 0 : i32
      %dma_wait3A_180 = tpu.memref_slice %arg2[%add3A, %dma_wait3A_178, %dma_wait3A_179] : memref<32x4x128xi32, #tpu.memory_space<hbm>> -> memref<1x4x128xi32, #tpu.memory_space<hbm>>
      %dma_wait3A_181 = tpu.memref_squeeze %dma_wait3A_180 : memref<1x4x128xi32, #tpu.memory_space<hbm>> -> memref<4x128xi32, #tpu.memory_space<hbm>>
      %dma_wait3A_182 = arith.constant 0 : i32
      %dma_wait3A_183 = arith.constant 0 : i32
      %dma_wait3A_184 = tpu.memref_slice %arg2[%add3A, %dma_wait3A_182, %dma_wait3A_183] : memref<32x4x128xi32, #tpu.memory_space<hbm>> -> memref<1x4x128xi32, #tpu.memory_space<hbm>>
      %dma_wait3A_185 = tpu.memref_squeeze %dma_wait3A_184 : memref<1x4x128xi32, #tpu.memory_space<hbm>> -> memref<4x128xi32, #tpu.memory_space<hbm>>
      tpu.wait_dma2 semaphore(%run_scoped3A : memref<!tpu.dma_semaphore, #tpu.memory_space<semaphore_mem>>) src(%dma_wait3A_185 : memref<4x128xi32, #tpu.memory_space<hbm>>) dst(%arg9 : memref<4x128xi32, #tpu.memory_space<vmem>>)
      tpu.yield
    }) : () -> ()
    "tpu.region"() ({
      %run_scoped3A = tpu.sem_alloc : memref<!tpu.dma_semaphore, #tpu.memory_space<semaphore_mem>>
      %dma_start3A_170 = arith.constant 0 : i32
      %dma_start3A_171 = arith.constant 0 : i32
      %dma_start3A_172 = tpu.memref_slice %arg3[%add3A, %dma_start3A_170, %dma_start3A_171] : memref<32x4x128xi32, #tpu.memory_space<hbm>> -> memref<1x4x128xi32, #tpu.memory_space<hbm>>
      %dma_start3A_173 = tpu.memref_squeeze %dma_start3A_172 : memref<1x4x128xi32, #tpu.memory_space<hbm>> -> memref<4x128xi32, #tpu.memory_space<hbm>>
      %dma_start3A_174 = arith.constant 0 : i32
      %dma_start3A_175 = arith.constant 0 : i32
      %dma_start3A_176 = tpu.memref_slice %arg3[%add3A, %dma_start3A_174, %dma_start3A_175] : memref<32x4x128xi32, #tpu.memory_space<hbm>> -> memref<1x4x128xi32, #tpu.memory_space<hbm>>
      %dma_start3A_177 = tpu.memref_squeeze %dma_start3A_176 : memref<1x4x128xi32, #tpu.memory_space<hbm>> -> memref<4x128xi32, #tpu.memory_space<hbm>>
      tpu.enqueue_dma source(%dma_start3A_177 : memref<4x128xi32, #tpu.memory_space<hbm>>) target(%arg10 : memref<4x128xi32, #tpu.memory_space<vmem>>) target_semaphore(%run_scoped3A : memref<!tpu.dma_semaphore, #tpu.memory_space<semaphore_mem>>)
      %dma_wait3A_178 = arith.constant 0 : i32
      %dma_wait3A_179 = arith.constant 0 : i32
      %dma_wait3A_180 = tpu.memref_slice %arg3[%add3A, %dma_wait3A_178, %dma_wait3A_179] : memref<32x4x128xi32, #tpu.memory_space<hbm>> -> memref<1x4x128xi32, #tpu.memory_space<hbm>>
      %dma_wait3A_181 = tpu.memref_squeeze %dma_wait3A_180 : memref<1x4x128xi32, #tpu.memory_space<hbm>> -> memref<4x128xi32, #tpu.memory_space<hbm>>
      %dma_wait3A_182 = arith.constant 0 : i32
      %dma_wait3A_183 = arith.constant 0 : i32
      %dma_wait3A_184 = tpu.memref_slice %arg3[%add3A, %dma_wait3A_182, %dma_wait3A_183] : memref<32x4x128xi32, #tpu.memory_space<hbm>> -> memref<1x4x128xi32, #tpu.memory_space<hbm>>
      %dma_wait3A_185 = tpu.memref_squeeze %dma_wait3A_184 : memref<1x4x128xi32, #tpu.memory_space<hbm>> -> memref<4x128xi32, #tpu.memory_space<hbm>>
      tpu.wait_dma2 semaphore(%run_scoped3A : memref<!tpu.dma_semaphore, #tpu.memory_space<semaphore_mem>>) src(%dma_wait3A_185 : memref<4x128xi32, #tpu.memory_space<hbm>>) dst(%arg10 : memref<4x128xi32, #tpu.memory_space<vmem>>)
      tpu.yield
    }) : () -> ()
    "tpu.region"() ({
      %run_scoped3A = tpu.sem_alloc : memref<!tpu.dma_semaphore, #tpu.memory_space<semaphore_mem>>
      %dma_start3A_170 = arith.constant 0 : i32
      %dma_start3A_171 = tpu.memref_slice %arg4[%add3A, %dma_start3A_170] : memref<32x512xi32, #tpu.memory_space<hbm>> -> memref<1x512xi32, #tpu.memory_space<hbm>>
      %dma_start3A_172 = tpu.memref_squeeze %dma_start3A_171 : memref<1x512xi32, #tpu.memory_space<hbm>> -> memref<512xi32, #tpu.memory_space<hbm>>
      %dma_start3A_173 = arith.constant 0 : i32
      %dma_start3A_174 = tpu.memref_slice %arg4[%add3A, %dma_start3A_173] : memref<32x512xi32, #tpu.memory_space<hbm>> -> memref<1x512xi32, #tpu.memory_space<hbm>>
      %dma_start3A_175 = tpu.memref_squeeze %dma_start3A_174 : memref<1x512xi32, #tpu.memory_space<hbm>> -> memref<512xi32, #tpu.memory_space<hbm>>
      tpu.enqueue_dma source(%dma_start3A_175 : memref<512xi32, #tpu.memory_space<hbm>>) target(%arg11 : memref<512xi32, #tpu.memory_space<vmem>>) target_semaphore(%run_scoped3A : memref<!tpu.dma_semaphore, #tpu.memory_space<semaphore_mem>>)
      %dma_wait3A_176 = arith.constant 0 : i32
      %dma_wait3A_177 = tpu.memref_slice %arg4[%add3A, %dma_wait3A_176] : memref<32x512xi32, #tpu.memory_space<hbm>> -> memref<1x512xi32, #tpu.memory_space<hbm>>
      %dma_wait3A_178 = tpu.memref_squeeze %dma_wait3A_177 : memref<1x512xi32, #tpu.memory_space<hbm>> -> memref<512xi32, #tpu.memory_space<hbm>>
      %dma_wait3A_179 = arith.constant 0 : i32
      %dma_wait3A_180 = tpu.memref_slice %arg4[%add3A, %dma_wait3A_179] : memref<32x512xi32, #tpu.memory_space<hbm>> -> memref<1x512xi32, #tpu.memory_space<hbm>>
      %dma_wait3A_181 = tpu.memref_squeeze %dma_wait3A_180 : memref<1x512xi32, #tpu.memory_space<hbm>> -> memref<512xi32, #tpu.memory_space<hbm>>
      tpu.wait_dma2 semaphore(%run_scoped3A : memref<!tpu.dma_semaphore, #tpu.memory_space<semaphore_mem>>) src(%dma_wait3A_181 : memref<512xi32, #tpu.memory_space<hbm>>) dst(%arg11 : memref<512xi32, #tpu.memory_space<vmem>>)
      tpu.yield
    }) : () -> ()
    "tpu.region"() ({
      %run_scoped3A = tpu.sem_alloc : memref<!tpu.dma_semaphore, #tpu.memory_space<semaphore_mem>>
      %dma_start3A_170 = arith.constant 0 : i32
      %dma_start3A_171 = tpu.memref_slice %arg5[%add3A, %dma_start3A_170] : memref<32x512xi32, #tpu.memory_space<hbm>> -> memref<1x512xi32, #tpu.memory_space<hbm>>
      %dma_start3A_172 = tpu.memref_squeeze %dma_start3A_171 : memref<1x512xi32, #tpu.memory_space<hbm>> -> memref<512xi32, #tpu.memory_space<hbm>>
      %dma_start3A_173 = arith.constant 0 : i32
      %dma_start3A_174 = tpu.memref_slice %arg5[%add3A, %dma_start3A_173] : memref<32x512xi32, #tpu.memory_space<hbm>> -> memref<1x512xi32, #tpu.memory_space<hbm>>
      %dma_start3A_175 = tpu.memref_squeeze %dma_start3A_174 : memref<1x512xi32, #tpu.memory_space<hbm>> -> memref<512xi32, #tpu.memory_space<hbm>>
      tpu.enqueue_dma source(%dma_start3A_175 : memref<512xi32, #tpu.memory_space<hbm>>) target(%arg12 : memref<512xi32, #tpu.memory_space<vmem>>) target_semaphore(%run_scoped3A : memref<!tpu.dma_semaphore, #tpu.memory_space<semaphore_mem>>)
      %dma_wait3A_176 = arith.constant 0 : i32
      %dma_wait3A_177 = tpu.memref_slice %arg5[%add3A, %dma_wait3A_176] : memref<32x512xi32, #tpu.memory_space<hbm>> -> memref<1x512xi32, #tpu.memory_space<hbm>>
      %dma_wait3A_178 = tpu.memref_squeeze %dma_wait3A_177 : memref<1x512xi32, #tpu.memory_space<hbm>> -> memref<512xi32, #tpu.memory_space<hbm>>
      %dma_wait3A_179 = arith.constant 0 : i32
      %dma_wait3A_180 = tpu.memref_slice %arg5[%add3A, %dma_wait3A_179] : memref<32x512xi32, #tpu.memory_space<hbm>> -> memref<1x512xi32, #tpu.memory_space<hbm>>
      %dma_wait3A_181 = tpu.memref_squeeze %dma_wait3A_180 : memref<1x512xi32, #tpu.memory_space<hbm>> -> memref<512xi32, #tpu.memory_space<hbm>>
      tpu.wait_dma2 semaphore(%run_scoped3A : memref<!tpu.dma_semaphore, #tpu.memory_space<semaphore_mem>>) src(%dma_wait3A_181 : memref<512xi32, #tpu.memory_space<hbm>>) dst(%arg12 : memref<512xi32, #tpu.memory_space<vmem>>)
      tpu.yield
    }) : () -> ()
    %iota3A = tpu.iota {dimensions = array<i32: 0>} : vector<16xi32>
    %dma_start3A = arith.constant 0 : i32
    %dma_start3A_1 = arith.constant 0 : i32
    %dma_start3A_2 = arith.constant 0 : i32
    %dma_start3A_3 = tpu.memref_slice %arg13[%dma_start3A_1, %dma_start3A_2] : memref<256x128xf32, #tpu.memory_space<vmem>> -> memref<128x128xf32, #tpu.memory_space<vmem>>
    %dma_start3A_4 = arith.constant 0 : i32
    %dma_start3A_5 = tpu.memref_slice %arg9[%dma_start3A, %dma_start3A_4] : memref<4x128xi32, #tpu.memory_space<vmem>> -> memref<1x128xi32, #tpu.memory_space<vmem>>
    %dma_start3A_6 = tpu.memref_squeeze %dma_start3A_5 : memref<1x128xi32, #tpu.memory_space<vmem>> -> memref<128xi32, #tpu.memory_space<vmem>>
    %dma_start3A_7 = arith.constant 0 : i32
    %dma_start3A_8 = arith.constant 0 : i32
    %dma_start3A_9 = tpu.memref_slice %arg6[%dma_start3A_7, %dma_start3A_8] : memref<250000x128xf32, #tpu.memory_space<hbm>> -> memref<250000x128xf32, #tpu.memory_space<hbm>>
    tpu.enqueue_indirect_dma source(%dma_start3A_9 : memref<250000x128xf32, #tpu.memory_space<hbm>>) target(%dma_start3A_3 : memref<128x128xf32, #tpu.memory_space<vmem>>) offsets(%dma_start3A_6 : memref<128xi32, #tpu.memory_space<vmem>>) semaphore(%arg16 : memref<!tpu.dma_semaphore, #tpu.memory_space<semaphore_mem>>)
    %dma_start3A_10 = arith.constant 0 : i32
    %dma_start3A_11 = arith.constant 0 : i32
    %dma_start3A_12 = arith.constant 0 : i32
    %dma_start3A_13 = tpu.memref_slice %arg14[%dma_start3A_11, %dma_start3A_12] : memref<256x128xf32, #tpu.memory_space<vmem>> -> memref<128x128xf32, #tpu.memory_space<vmem>>
    %dma_start3A_14 = arith.constant 0 : i32
    %dma_start3A_15 = tpu.memref_slice %arg10[%dma_start3A_10, %dma_start3A_14] : memref<4x128xi32, #tpu.memory_space<vmem>> -> memref<1x128xi32, #tpu.memory_space<vmem>>
    %dma_start3A_16 = tpu.memref_squeeze %dma_start3A_15 : memref<1x128xi32, #tpu.memory_space<vmem>> -> memref<128xi32, #tpu.memory_space<vmem>>
    %dma_start3A_17 = arith.constant 0 : i32
    %dma_start3A_18 = arith.constant 0 : i32
    %dma_start3A_19 = tpu.memref_slice %arg7[%dma_start3A_17, %dma_start3A_18] : memref<250000x128xf32, #tpu.memory_space<hbm>> -> memref<250000x128xf32, #tpu.memory_space<hbm>>
    tpu.enqueue_indirect_dma source(%dma_start3A_19 : memref<250000x128xf32, #tpu.memory_space<hbm>>) target(%dma_start3A_13 : memref<128x128xf32, #tpu.memory_space<vmem>>) offsets(%dma_start3A_16 : memref<128xi32, #tpu.memory_space<vmem>>) semaphore(%arg16 : memref<!tpu.dma_semaphore, #tpu.memory_space<semaphore_mem>>)
    %dma_start3A_20 = arith.constant 1 : i32
    %dma_start3A_21 = arith.constant 128 : i32
    %dma_start3A_22 = arith.constant 0 : i32
    %dma_start3A_23 = tpu.memref_slice %arg13[%dma_start3A_21, %dma_start3A_22] : memref<256x128xf32, #tpu.memory_space<vmem>> -> memref<128x128xf32, #tpu.memory_space<vmem>>
    %dma_start3A_24 = arith.constant 0 : i32
    %dma_start3A_25 = tpu.memref_slice %arg9[%dma_start3A_20, %dma_start3A_24] : memref<4x128xi32, #tpu.memory_space<vmem>> -> memref<1x128xi32, #tpu.memory_space<vmem>>
    %dma_start3A_26 = tpu.memref_squeeze %dma_start3A_25 : memref<1x128xi32, #tpu.memory_space<vmem>> -> memref<128xi32, #tpu.memory_space<vmem>>
    %dma_start3A_27 = arith.constant 0 : i32
    %dma_start3A_28 = arith.constant 0 : i32
    %dma_start3A_29 = tpu.memref_slice %arg6[%dma_start3A_27, %dma_start3A_28] : memref<250000x128xf32, #tpu.memory_space<hbm>> -> memref<250000x128xf32, #tpu.memory_space<hbm>>
    tpu.enqueue_indirect_dma source(%dma_start3A_29 : memref<250000x128xf32, #tpu.memory_space<hbm>>) target(%dma_start3A_23 : memref<128x128xf32, #tpu.memory_space<vmem>>) offsets(%dma_start3A_26 : memref<128xi32, #tpu.memory_space<vmem>>) semaphore(%arg16 : memref<!tpu.dma_semaphore, #tpu.memory_space<semaphore_mem>>)
    %dma_start3A_30 = arith.constant 1 : i32
    %dma_start3A_31 = arith.constant 128 : i32
    %dma_start3A_32 = arith.constant 0 : i32
    %dma_start3A_33 = tpu.memref_slice %arg14[%dma_start3A_31, %dma_start3A_32] : memref<256x128xf32, #tpu.memory_space<vmem>> -> memref<128x128xf32, #tpu.memory_space<vmem>>
    %dma_start3A_34 = arith.constant 0 : i32
    %dma_start3A_35 = tpu.memref_slice %arg10[%dma_start3A_30, %dma_start3A_34] : memref<4x128xi32, #tpu.memory_space<vmem>> -> memref<1x128xi32, #tpu.memory_space<vmem>>
    %dma_start3A_36 = tpu.memref_squeeze %dma_start3A_35 : memref<1x128xi32, #tpu.memory_space<vmem>> -> memref<128xi32, #tpu.memory_space<vmem>>
    %dma_start3A_37 = arith.constant 0 : i32
    %dma_start3A_38 = arith.constant 0 : i32
    %dma_start3A_39 = tpu.memref_slice %arg7[%dma_start3A_37, %dma_start3A_38] : memref<250000x128xf32, #tpu.memory_space<hbm>> -> memref<250000x128xf32, #tpu.memory_space<hbm>>
    tpu.enqueue_indirect_dma source(%dma_start3A_39 : memref<250000x128xf32, #tpu.memory_space<hbm>>) target(%dma_start3A_33 : memref<128x128xf32, #tpu.memory_space<vmem>>) offsets(%dma_start3A_36 : memref<128xi32, #tpu.memory_space<vmem>>) semaphore(%arg16 : memref<!tpu.dma_semaphore, #tpu.memory_space<semaphore_mem>>)
    %dma_wait3A = arith.constant 0 : i32
    %dma_wait3A_40 = arith.constant 0 : i32
    %dma_wait3A_41 = arith.constant 0 : i32
    %dma_wait3A_42 = tpu.memref_slice %arg13[%dma_wait3A_40, %dma_wait3A_41] : memref<256x128xf32, #tpu.memory_space<vmem>> -> memref<128x128xf32, #tpu.memory_space<vmem>>
    %dma_wait3A_43 = arith.constant 0 : i32
    %dma_wait3A_44 = tpu.memref_slice %arg9[%dma_wait3A, %dma_wait3A_43] : memref<4x128xi32, #tpu.memory_space<vmem>> -> memref<1x128xi32, #tpu.memory_space<vmem>>
    %dma_wait3A_45 = tpu.memref_squeeze %dma_wait3A_44 : memref<1x128xi32, #tpu.memory_space<vmem>> -> memref<128xi32, #tpu.memory_space<vmem>>
    %dma_wait3A_46 = arith.constant 0 : i32
    %dma_wait3A_47 = arith.constant 0 : i32
    %dma_wait3A_48 = tpu.memref_slice %arg6[%dma_wait3A_46, %dma_wait3A_47] : memref<250000x128xf32, #tpu.memory_space<hbm>> -> memref<250000x128xf32, #tpu.memory_space<hbm>>
    tpu.wait_indirect_dma semaphore(%arg16 : memref<!tpu.dma_semaphore, #tpu.memory_space<semaphore_mem>>) src(%dma_wait3A_48 : memref<250000x128xf32, #tpu.memory_space<hbm>>) dst(%dma_wait3A_42 : memref<128x128xf32, #tpu.memory_space<vmem>>)
    %dma_wait3A_49 = arith.constant 0 : i32
    %dma_wait3A_50 = arith.constant 0 : i32
    %dma_wait3A_51 = arith.constant 0 : i32
    %dma_wait3A_52 = tpu.memref_slice %arg14[%dma_wait3A_50, %dma_wait3A_51] : memref<256x128xf32, #tpu.memory_space<vmem>> -> memref<128x128xf32, #tpu.memory_space<vmem>>
    %dma_wait3A_53 = arith.constant 0 : i32
    %dma_wait3A_54 = tpu.memref_slice %arg10[%dma_wait3A_49, %dma_wait3A_53] : memref<4x128xi32, #tpu.memory_space<vmem>> -> memref<1x128xi32, #tpu.memory_space<vmem>>
    %dma_wait3A_55 = tpu.memref_squeeze %dma_wait3A_54 : memref<1x128xi32, #tpu.memory_space<vmem>> -> memref<128xi32, #tpu.memory_space<vmem>>
    %dma_wait3A_56 = arith.constant 0 : i32
    %dma_wait3A_57 = arith.constant 0 : i32
    %dma_wait3A_58 = tpu.memref_slice %arg7[%dma_wait3A_56, %dma_wait3A_57] : memref<250000x128xf32, #tpu.memory_space<hbm>> -> memref<250000x128xf32, #tpu.memory_space<hbm>>
    tpu.wait_indirect_dma semaphore(%arg16 : memref<!tpu.dma_semaphore, #tpu.memory_space<semaphore_mem>>) src(%dma_wait3A_58 : memref<250000x128xf32, #tpu.memory_space<hbm>>) dst(%dma_wait3A_52 : memref<128x128xf32, #tpu.memory_space<vmem>>)
    %dma_wait3A_59 = arith.constant 1 : i32
    %dma_wait3A_60 = arith.constant 128 : i32
    %dma_wait3A_61 = arith.constant 0 : i32
    %dma_wait3A_62 = tpu.memref_slice %arg13[%dma_wait3A_60, %dma_wait3A_61] : memref<256x128xf32, #tpu.memory_space<vmem>> -> memref<128x128xf32, #tpu.memory_space<vmem>>
    %dma_wait3A_63 = arith.constant 0 : i32
    %dma_wait3A_64 = tpu.memref_slice %arg9[%dma_wait3A_59, %dma_wait3A_63] : memref<4x128xi32, #tpu.memory_space<vmem>> -> memref<1x128xi32, #tpu.memory_space<vmem>>
    %dma_wait3A_65 = tpu.memref_squeeze %dma_wait3A_64 : memref<1x128xi32, #tpu.memory_space<vmem>> -> memref<128xi32, #tpu.memory_space<vmem>>
    %dma_wait3A_66 = arith.constant 0 : i32
    %dma_wait3A_67 = arith.constant 0 : i32
    %dma_wait3A_68 = tpu.memref_slice %arg6[%dma_wait3A_66, %dma_wait3A_67] : memref<250000x128xf32, #tpu.memory_space<hbm>> -> memref<250000x128xf32, #tpu.memory_space<hbm>>
    tpu.wait_indirect_dma semaphore(%arg16 : memref<!tpu.dma_semaphore, #tpu.memory_space<semaphore_mem>>) src(%dma_wait3A_68 : memref<250000x128xf32, #tpu.memory_space<hbm>>) dst(%dma_wait3A_62 : memref<128x128xf32, #tpu.memory_space<vmem>>)
    %dma_wait3A_69 = arith.constant 1 : i32
    %dma_wait3A_70 = arith.constant 128 : i32
    %dma_wait3A_71 = arith.constant 0 : i32
    %dma_wait3A_72 = tpu.memref_slice %arg14[%dma_wait3A_70, %dma_wait3A_71] : memref<256x128xf32, #tpu.memory_space<vmem>> -> memref<128x128xf32, #tpu.memory_space<vmem>>
    %dma_wait3A_73 = arith.constant 0 : i32
    %dma_wait3A_74 = tpu.memref_slice %arg10[%dma_wait3A_69, %dma_wait3A_73] : memref<4x128xi32, #tpu.memory_space<vmem>> -> memref<1x128xi32, #tpu.memory_space<vmem>>
    %dma_wait3A_75 = tpu.memref_squeeze %dma_wait3A_74 : memref<1x128xi32, #tpu.memory_space<vmem>> -> memref<128xi32, #tpu.memory_space<vmem>>
    %dma_wait3A_76 = arith.constant 0 : i32
    %dma_wait3A_77 = arith.constant 0 : i32
    %dma_wait3A_78 = tpu.memref_slice %arg7[%dma_wait3A_76, %dma_wait3A_77] : memref<250000x128xf32, #tpu.memory_space<hbm>> -> memref<250000x128xf32, #tpu.memory_space<hbm>>
    tpu.wait_indirect_dma semaphore(%arg16 : memref<!tpu.dma_semaphore, #tpu.memory_space<semaphore_mem>>) src(%dma_wait3A_78 : memref<250000x128xf32, #tpu.memory_space<hbm>>) dst(%dma_wait3A_72 : memref<128x128xf32, #tpu.memory_space<vmem>>)
    %scan3A = arith.constant 0 : i32
    %scan3A_79 = arith.constant 0 : i32
    %scan3A_80 = arith.constant 16 : i32
    %scan3A_81 = arith.addi %scan3A_79, %scan3A_80 : i32
    %scan3A_82 = arith.constant 1 : i32
    scf.for %scan3A_170 = %scan3A_79 to %scan3A_81 step %scan3A_82  : i32 {
      %mul3A_171 = arith.constant 16 : i32
      %mul3A_172 = arith.muli %scan3A_170, %mul3A_171 : i32
      %add3A_173 = arith.constant 0 : i32
      %add3A_174 = arith.addi %add3A_173, %mul3A_172 : i32
      %mul3A_175 = arith.constant 16 : i32
      %mul3A_176 = arith.muli %scan3A_170, %mul3A_175 : i32
      %add3A_177 = vector.broadcast %mul3A_176 : i32 to vector<16xi32>
      %add3A_178 = arith.addi %iota3A, %add3A_177 : vector<16xi32>
      %get3A = arith.index_cast %add3A_174 : i32 to index
      %get3A_179 = tpu.vector_load %arg11[%get3A] {strides = array<i32>} : memref<512xi32, #tpu.memory_space<vmem>>, vector<16xi32>,
      %get3A_180 = arith.index_cast %add3A_174 : i32 to index
      %get3A_181 = tpu.vector_load %arg12[%get3A_180] {strides = array<i32>} : memref<512xi32, #tpu.memory_space<vmem>>, vector<16xi32>,
      %broadcast_in_dim3A = arith.constant 0.000000e+00 : f32
      %broadcast_in_dim3A_182 = vector.broadcast %broadcast_in_dim3A : f32 to vector<16xf32>
      %add3A_183 = arith.constant 0 : i32
      %add3A_184 = vector.broadcast %add3A_183 : i32 to vector<16xi32>
      %add3A_185 = arith.addi %get3A_179, %add3A_184 : vector<16xi32>
      %gather3A = tpu.vector_load_idx %arg13[%add3A_178, %add3A_185] : memref<256x128xf32, #tpu.memory_space<vmem>>[vector<16xi32>, vector<16xi32>], vector<16xf32>,
      %add3A_186 = arith.constant 0 : i32
      %add3A_187 = vector.broadcast %add3A_186 : i32 to vector<16xi32>
      %add3A_188 = arith.addi %get3A_181, %add3A_187 : vector<16xi32>
      %gather3A_189 = tpu.vector_load_idx %arg14[%add3A_178, %add3A_188] : memref<256x128xf32, #tpu.memory_space<vmem>>[vector<16xi32>, vector<16xi32>], vector<16xf32>,
      %mul3A_190 = arith.mulf %gather3A, %gather3A_189 : vector<16xf32>
      %add3A_191 = arith.addf %broadcast_in_dim3A_182, %mul3A_190 : vector<16xf32>
      %add3A_192 = arith.constant 1 : i32
      %add3A_193 = vector.broadcast %add3A_192 : i32 to vector<16xi32>
      %add3A_194 = arith.addi %get3A_179, %add3A_193 : vector<16xi32>
      %gather3A_195 = tpu.vector_load_idx %arg13[%add3A_178, %add3A_194] : memref<256x128xf32, #tpu.memory_space<vmem>>[vector<16xi32>, vector<16xi32>], vector<16xf32>,
      %add3A_196 = arith.constant 1 : i32
      %add3A_197 = vector.broadcast %add3A_196 : i32 to vector<16xi32>
      %add3A_198 = arith.addi %get3A_181, %add3A_197 : vector<16xi32>
      %gather3A_199 = tpu.vector_load_idx %arg14[%add3A_178, %add3A_198] : memref<256x128xf32, #tpu.memory_space<vmem>>[vector<16xi32>, vector<16xi32>], vector<16xf32>,
      %mul3A_200 = arith.mulf %gather3A_195, %gather3A_199 : vector<16xf32>
      %add3A_201 = arith.addf %add3A_191, %mul3A_200 : vector<16xf32>
      %add3A_202 = arith.constant 2 : i32
      %add3A_203 = vector.broadcast %add3A_202 : i32 to vector<16xi32>
      %add3A_204 = arith.addi %get3A_179, %add3A_203 : vector<16xi32>
      %gather3A_205 = tpu.vector_load_idx %arg13[%add3A_178, %add3A_204] : memref<256x128xf32, #tpu.memory_space<vmem>>[vector<16xi32>, vector<16xi32>], vector<16xf32>,
      %add3A_206 = arith.constant 2 : i32
      %add3A_207 = vector.broadcast %add3A_206 : i32 to vector<16xi32>
      %add3A_208 = arith.addi %get3A_181, %add3A_207 : vector<16xi32>
      %gather3A_209 = tpu.vector_load_idx %arg14[%add3A_178, %add3A_208] : memref<256x128xf32, #tpu.memory_space<vmem>>[vector<16xi32>, vector<16xi32>], vector<16xf32>,
      %mul3A_210 = arith.mulf %gather3A_205, %gather3A_209 : vector<16xf32>
      %add3A_211 = arith.addf %add3A_201, %mul3A_210 : vector<16xf32>
      %add3A_212 = arith.constant 3 : i32
      %add3A_213 = vector.broadcast %add3A_212 : i32 to vector<16xi32>
      %add3A_214 = arith.addi %get3A_179, %add3A_213 : vector<16xi32>
      %gather3A_215 = tpu.vector_load_idx %arg13[%add3A_178, %add3A_214] : memref<256x128xf32, #tpu.memory_space<vmem>>[vector<16xi32>, vector<16xi32>], vector<16xf32>,
      %add3A_216 = arith.constant 3 : i32
      %add3A_217 = vector.broadcast %add3A_216 : i32 to vector<16xi32>
      %add3A_218 = arith.addi %get3A_181, %add3A_217 : vector<16xi32>
      %gather3A_219 = tpu.vector_load_idx %arg14[%add3A_178, %add3A_218] : memref<256x128xf32, #tpu.memory_space<vmem>>[vector<16xi32>, vector<16xi32>], vector<16xf32>,
      %mul3A_220 = arith.mulf %gather3A_215, %gather3A_219 : vector<16xf32>
      %add3A_221 = arith.addf %add3A_211, %mul3A_220 : vector<16xf32>
      %add3A_222 = arith.constant 4 : i32
      %add3A_223 = vector.broadcast %add3A_222 : i32 to vector<16xi32>
      %add3A_224 = arith.addi %get3A_179, %add3A_223 : vector<16xi32>
      %gather3A_225 = tpu.vector_load_idx %arg13[%add3A_178, %add3A_224] : memref<256x128xf32, #tpu.memory_space<vmem>>[vector<16xi32>, vector<16xi32>], vector<16xf32>,
      %add3A_226 = arith.constant 4 : i32
      %add3A_227 = vector.broadcast %add3A_226 : i32 to vector<16xi32>
      %add3A_228 = arith.addi %get3A_181, %add3A_227 : vector<16xi32>
      %gather3A_229 = tpu.vector_load_idx %arg14[%add3A_178, %add3A_228] : memref<256x128xf32, #tpu.memory_space<vmem>>[vector<16xi32>, vector<16xi32>], vector<16xf32>,
      %mul3A_230 = arith.mulf %gather3A_225, %gather3A_229 : vector<16xf32>
      %add3A_231 = arith.addf %add3A_221, %mul3A_230 : vector<16xf32>
      %add3A_232 = arith.constant 5 : i32
      %add3A_233 = vector.broadcast %add3A_232 : i32 to vector<16xi32>
      %add3A_234 = arith.addi %get3A_179, %add3A_233 : vector<16xi32>
      %gather3A_235 = tpu.vector_load_idx %arg13[%add3A_178, %add3A_234] : memref<256x128xf32, #tpu.memory_space<vmem>>[vector<16xi32>, vector<16xi32>], vector<16xf32>,
      %add3A_236 = arith.constant 5 : i32
      %add3A_237 = vector.broadcast %add3A_236 : i32 to vector<16xi32>
      %add3A_238 = arith.addi %get3A_181, %add3A_237 : vector<16xi32>
      %gather3A_239 = tpu.vector_load_idx %arg14[%add3A_178, %add3A_238] : memref<256x128xf32, #tpu.memory_space<vmem>>[vector<16xi32>, vector<16xi32>], vector<16xf32>,
      %mul3A_240 = arith.mulf %gather3A_235, %gather3A_239 : vector<16xf32>
      %add3A_241 = arith.addf %add3A_231, %mul3A_240 : vector<16xf32>
      %add3A_242 = arith.constant 6 : i32
      %add3A_243 = vector.broadcast %add3A_242 : i32 to vector<16xi32>
      %add3A_244 = arith.addi %get3A_179, %add3A_243 : vector<16xi32>
      %gather3A_245 = tpu.vector_load_idx %arg13[%add3A_178, %add3A_244] : memref<256x128xf32, #tpu.memory_space<vmem>>[vector<16xi32>, vector<16xi32>], vector<16xf32>,
      %add3A_246 = arith.constant 6 : i32
      %add3A_247 = vector.broadcast %add3A_246 : i32 to vector<16xi32>
      %add3A_248 = arith.addi %get3A_181, %add3A_247 : vector<16xi32>
      %gather3A_249 = tpu.vector_load_idx %arg14[%add3A_178, %add3A_248] : memref<256x128xf32, #tpu.memory_space<vmem>>[vector<16xi32>, vector<16xi32>], vector<16xf32>,
      %mul3A_250 = arith.mulf %gather3A_245, %gather3A_249 : vector<16xf32>
      %add3A_251 = arith.addf %add3A_241, %mul3A_250 : vector<16xf32>
      %add3A_252 = arith.constant 7 : i32
      %add3A_253 = vector.broadcast %add3A_252 : i32 to vector<16xi32>
      %add3A_254 = arith.addi %get3A_179, %add3A_253 : vector<16xi32>
      %gather3A_255 = tpu.vector_load_idx %arg13[%add3A_178, %add3A_254] : memref<256x128xf32, #tpu.memory_space<vmem>>[vector<16xi32>, vector<16xi32>], vector<16xf32>,
      %add3A_256 = arith.constant 7 : i32
      %add3A_257 = vector.broadcast %add3A_256 : i32 to vector<16xi32>
      %add3A_258 = arith.addi %get3A_181, %add3A_257 : vector<16xi32>
      %gather3A_259 = tpu.vector_load_idx %arg14[%add3A_178, %add3A_258] : memref<256x128xf32, #tpu.memory_space<vmem>>[vector<16xi32>, vector<16xi32>], vector<16xf32>,
      %mul3A_260 = arith.mulf %gather3A_255, %gather3A_259 : vector<16xf32>
      %add3A_261 = arith.addf %add3A_251, %mul3A_260 : vector<16xf32>
      %add3A_262 = arith.constant 8 : i32
      %add3A_263 = vector.broadcast %add3A_262 : i32 to vector<16xi32>
      %add3A_264 = arith.addi %get3A_179, %add3A_263 : vector<16xi32>
      %gather3A_265 = tpu.vector_load_idx %arg13[%add3A_178, %add3A_264] : memref<256x128xf32, #tpu.memory_space<vmem>>[vector<16xi32>, vector<16xi32>], vector<16xf32>,
      %add3A_266 = arith.constant 8 : i32
      %add3A_267 = vector.broadcast %add3A_266 : i32 to vector<16xi32>
      %add3A_268 = arith.addi %get3A_181, %add3A_267 : vector<16xi32>
      %gather3A_269 = tpu.vector_load_idx %arg14[%add3A_178, %add3A_268] : memref<256x128xf32, #tpu.memory_space<vmem>>[vector<16xi32>, vector<16xi32>], vector<16xf32>,
      %mul3A_270 = arith.mulf %gather3A_265, %gather3A_269 : vector<16xf32>
      %add3A_271 = arith.addf %add3A_261, %mul3A_270 : vector<16xf32>
      %add3A_272 = arith.constant 9 : i32
      %add3A_273 = vector.broadcast %add3A_272 : i32 to vector<16xi32>
      %add3A_274 = arith.addi %get3A_179, %add3A_273 : vector<16xi32>
      %gather3A_275 = tpu.vector_load_idx %arg13[%add3A_178, %add3A_274] : memref<256x128xf32, #tpu.memory_space<vmem>>[vector<16xi32>, vector<16xi32>], vector<16xf32>,
      %add3A_276 = arith.constant 9 : i32
      %add3A_277 = vector.broadcast %add3A_276 : i32 to vector<16xi32>
      %add3A_278 = arith.addi %get3A_181, %add3A_277 : vector<16xi32>
      %gather3A_279 = tpu.vector_load_idx %arg14[%add3A_178, %add3A_278] : memref<256x128xf32, #tpu.memory_space<vmem>>[vector<16xi32>, vector<16xi32>], vector<16xf32>,
      %mul3A_280 = arith.mulf %gather3A_275, %gather3A_279 : vector<16xf32>
      %add3A_281 = arith.addf %add3A_271, %mul3A_280 : vector<16xf32>
      %add3A_282 = arith.constant 10 : i32
      %add3A_283 = vector.broadcast %add3A_282 : i32 to vector<16xi32>
      %add3A_284 = arith.addi %get3A_179, %add3A_283 : vector<16xi32>
      %gather3A_285 = tpu.vector_load_idx %arg13[%add3A_178, %add3A_284] : memref<256x128xf32, #tpu.memory_space<vmem>>[vector<16xi32>, vector<16xi32>], vector<16xf32>,
      %add3A_286 = arith.constant 10 : i32
      %add3A_287 = vector.broadcast %add3A_286 : i32 to vector<16xi32>
      %add3A_288 = arith.addi %get3A_181, %add3A_287 : vector<16xi32>
      %gather3A_289 = tpu.vector_load_idx %arg14[%add3A_178, %add3A_288] : memref<256x128xf32, #tpu.memory_space<vmem>>[vector<16xi32>, vector<16xi32>], vector<16xf32>,
      %mul3A_290 = arith.mulf %gather3A_285, %gather3A_289 : vector<16xf32>
      %add3A_291 = arith.addf %add3A_281, %mul3A_290 : vector<16xf32>
      %add3A_292 = arith.constant 11 : i32
      %add3A_293 = vector.broadcast %add3A_292 : i32 to vector<16xi32>
      %add3A_294 = arith.addi %get3A_179, %add3A_293 : vector<16xi32>
      %gather3A_295 = tpu.vector_load_idx %arg13[%add3A_178, %add3A_294] : memref<256x128xf32, #tpu.memory_space<vmem>>[vector<16xi32>, vector<16xi32>], vector<16xf32>,
      %add3A_296 = arith.constant 11 : i32
      %add3A_297 = vector.broadcast %add3A_296 : i32 to vector<16xi32>
      %add3A_298 = arith.addi %get3A_181, %add3A_297 : vector<16xi32>
      %gather3A_299 = tpu.vector_load_idx %arg14[%add3A_178, %add3A_298] : memref<256x128xf32, #tpu.memory_space<vmem>>[vector<16xi32>, vector<16xi32>], vector<16xf32>,
      %mul3A_300 = arith.mulf %gather3A_295, %gather3A_299 : vector<16xf32>
      %add3A_301 = arith.addf %add3A_291, %mul3A_300 : vector<16xf32>
      %add3A_302 = arith.constant 12 : i32
      %add3A_303 = vector.broadcast %add3A_302 : i32 to vector<16xi32>
      %add3A_304 = arith.addi %get3A_179, %add3A_303 : vector<16xi32>
      %gather3A_305 = tpu.vector_load_idx %arg13[%add3A_178, %add3A_304] : memref<256x128xf32, #tpu.memory_space<vmem>>[vector<16xi32>, vector<16xi32>], vector<16xf32>,
      %add3A_306 = arith.constant 12 : i32
      %add3A_307 = vector.broadcast %add3A_306 : i32 to vector<16xi32>
      %add3A_308 = arith.addi %get3A_181, %add3A_307 : vector<16xi32>
      %gather3A_309 = tpu.vector_load_idx %arg14[%add3A_178, %add3A_308] : memref<256x128xf32, #tpu.memory_space<vmem>>[vector<16xi32>, vector<16xi32>], vector<16xf32>,
      %mul3A_310 = arith.mulf %gather3A_305, %gather3A_309 : vector<16xf32>
      %add3A_311 = arith.addf %add3A_301, %mul3A_310 : vector<16xf32>
      %add3A_312 = arith.constant 13 : i32
      %add3A_313 = vector.broadcast %add3A_312 : i32 to vector<16xi32>
      %add3A_314 = arith.addi %get3A_179, %add3A_313 : vector<16xi32>
      %gather3A_315 = tpu.vector_load_idx %arg13[%add3A_178, %add3A_314] : memref<256x128xf32, #tpu.memory_space<vmem>>[vector<16xi32>, vector<16xi32>], vector<16xf32>,
      %add3A_316 = arith.constant 13 : i32
      %add3A_317 = vector.broadcast %add3A_316 : i32 to vector<16xi32>
      %add3A_318 = arith.addi %get3A_181, %add3A_317 : vector<16xi32>
      %gather3A_319 = tpu.vector_load_idx %arg14[%add3A_178, %add3A_318] : memref<256x128xf32, #tpu.memory_space<vmem>>[vector<16xi32>, vector<16xi32>], vector<16xf32>,
      %mul3A_320 = arith.mulf %gather3A_315, %gather3A_319 : vector<16xf32>
      %add3A_321 = arith.addf %add3A_311, %mul3A_320 : vector<16xf32>
      %add3A_322 = arith.constant 14 : i32
      %add3A_323 = vector.broadcast %add3A_322 : i32 to vector<16xi32>
      %add3A_324 = arith.addi %get3A_179, %add3A_323 : vector<16xi32>
      %gather3A_325 = tpu.vector_load_idx %arg13[%add3A_178, %add3A_324] : memref<256x128xf32, #tpu.memory_space<vmem>>[vector<16xi32>, vector<16xi32>], vector<16xf32>,
      %add3A_326 = arith.constant 14 : i32
      %add3A_327 = vector.broadcast %add3A_326 : i32 to vector<16xi32>
      %add3A_328 = arith.addi %get3A_181, %add3A_327 : vector<16xi32>
      %gather3A_329 = tpu.vector_load_idx %arg14[%add3A_178, %add3A_328] : memref<256x128xf32, #tpu.memory_space<vmem>>[vector<16xi32>, vector<16xi32>], vector<16xf32>,
      %mul3A_330 = arith.mulf %gather3A_325, %gather3A_329 : vector<16xf32>
      %add3A_331 = arith.addf %add3A_321, %mul3A_330 : vector<16xf32>
      %add3A_332 = arith.constant 15 : i32
      %add3A_333 = vector.broadcast %add3A_332 : i32 to vector<16xi32>
      %add3A_334 = arith.addi %get3A_179, %add3A_333 : vector<16xi32>
      %gather3A_335 = tpu.vector_load_idx %arg13[%add3A_178, %add3A_334] : memref<256x128xf32, #tpu.memory_space<vmem>>[vector<16xi32>, vector<16xi32>], vector<16xf32>,
      %add3A_336 = arith.constant 15 : i32
      %add3A_337 = vector.broadcast %add3A_336 : i32 to vector<16xi32>
      %add3A_338 = arith.addi %get3A_181, %add3A_337 : vector<16xi32>
      %gather3A_339 = tpu.vector_load_idx %arg14[%add3A_178, %add3A_338] : memref<256x128xf32, #tpu.memory_space<vmem>>[vector<16xi32>, vector<16xi32>], vector<16xf32>,
      %mul3A_340 = arith.mulf %gather3A_335, %gather3A_339 : vector<16xf32>
      %add3A_341 = arith.addf %add3A_331, %mul3A_340 : vector<16xf32>
      %add3A_342 = arith.constant 16 : i32
      %add3A_343 = vector.broadcast %add3A_342 : i32 to vector<16xi32>
      %add3A_344 = arith.addi %get3A_179, %add3A_343 : vector<16xi32>
      %gather3A_345 = tpu.vector_load_idx %arg13[%add3A_178, %add3A_344] : memref<256x128xf32, #tpu.memory_space<vmem>>[vector<16xi32>, vector<16xi32>], vector<16xf32>,
      %add3A_346 = arith.constant 16 : i32
      %add3A_347 = vector.broadcast %add3A_346 : i32 to vector<16xi32>
      %add3A_348 = arith.addi %get3A_181, %add3A_347 : vector<16xi32>
      %gather3A_349 = tpu.vector_load_idx %arg14[%add3A_178, %add3A_348] : memref<256x128xf32, #tpu.memory_space<vmem>>[vector<16xi32>, vector<16xi32>], vector<16xf32>,
      %mul3A_350 = arith.mulf %gather3A_345, %gather3A_349 : vector<16xf32>
      %add3A_351 = arith.addf %add3A_341, %mul3A_350 : vector<16xf32>
      %add3A_352 = arith.constant 17 : i32
      %add3A_353 = vector.broadcast %add3A_352 : i32 to vector<16xi32>
      %add3A_354 = arith.addi %get3A_179, %add3A_353 : vector<16xi32>
      %gather3A_355 = tpu.vector_load_idx %arg13[%add3A_178, %add3A_354] : memref<256x128xf32, #tpu.memory_space<vmem>>[vector<16xi32>, vector<16xi32>], vector<16xf32>,
      %add3A_356 = arith.constant 17 : i32
      %add3A_357 = vector.broadcast %add3A_356 : i32 to vector<16xi32>
      %add3A_358 = arith.addi %get3A_181, %add3A_357 : vector<16xi32>
      %gather3A_359 = tpu.vector_load_idx %arg14[%add3A_178, %add3A_358] : memref<256x128xf32, #tpu.memory_space<vmem>>[vector<16xi32>, vector<16xi32>], vector<16xf32>,
      %mul3A_360 = arith.mulf %gather3A_355, %gather3A_359 : vector<16xf32>
      %add3A_361 = arith.addf %add3A_351, %mul3A_360 : vector<16xf32>
      %add3A_362 = arith.constant 18 : i32
      %add3A_363 = vector.broadcast %add3A_362 : i32 to vector<16xi32>
      %add3A_364 = arith.addi %get3A_179, %add3A_363 : vector<16xi32>
      %gather3A_365 = tpu.vector_load_idx %arg13[%add3A_178, %add3A_364] : memref<256x128xf32, #tpu.memory_space<vmem>>[vector<16xi32>, vector<16xi32>], vector<16xf32>,
      %add3A_366 = arith.constant 18 : i32
      %add3A_367 = vector.broadcast %add3A_366 : i32 to vector<16xi32>
      %add3A_368 = arith.addi %get3A_181, %add3A_367 : vector<16xi32>
      %gather3A_369 = tpu.vector_load_idx %arg14[%add3A_178, %add3A_368] : memref<256x128xf32, #tpu.memory_space<vmem>>[vector<16xi32>, vector<16xi32>], vector<16xf32>,
      %mul3A_370 = arith.mulf %gather3A_365, %gather3A_369 : vector<16xf32>
      %add3A_371 = arith.addf %add3A_361, %mul3A_370 : vector<16xf32>
      %add3A_372 = arith.constant 19 : i32
      %add3A_373 = vector.broadcast %add3A_372 : i32 to vector<16xi32>
      %add3A_374 = arith.addi %get3A_179, %add3A_373 : vector<16xi32>
      %gather3A_375 = tpu.vector_load_idx %arg13[%add3A_178, %add3A_374] : memref<256x128xf32, #tpu.memory_space<vmem>>[vector<16xi32>, vector<16xi32>], vector<16xf32>,
      %add3A_376 = arith.constant 19 : i32
      %add3A_377 = vector.broadcast %add3A_376 : i32 to vector<16xi32>
      %add3A_378 = arith.addi %get3A_181, %add3A_377 : vector<16xi32>
      %gather3A_379 = tpu.vector_load_idx %arg14[%add3A_178, %add3A_378] : memref<256x128xf32, #tpu.memory_space<vmem>>[vector<16xi32>, vector<16xi32>], vector<16xf32>,
      %mul3A_380 = arith.mulf %gather3A_375, %gather3A_379 : vector<16xf32>
      %add3A_381 = arith.addf %add3A_371, %mul3A_380 : vector<16xf32>
      %add3A_382 = arith.constant 20 : i32
      %add3A_383 = vector.broadcast %add3A_382 : i32 to vector<16xi32>
      %add3A_384 = arith.addi %get3A_179, %add3A_383 : vector<16xi32>
      %gather3A_385 = tpu.vector_load_idx %arg13[%add3A_178, %add3A_384] : memref<256x128xf32, #tpu.memory_space<vmem>>[vector<16xi32>, vector<16xi32>], vector<16xf32>,
      %add3A_386 = arith.constant 20 : i32
      %add3A_387 = vector.broadcast %add3A_386 : i32 to vector<16xi32>
      %add3A_388 = arith.addi %get3A_181, %add3A_387 : vector<16xi32>
      %gather3A_389 = tpu.vector_load_idx %arg14[%add3A_178, %add3A_388] : memref<256x128xf32, #tpu.memory_space<vmem>>[vector<16xi32>, vector<16xi32>], vector<16xf32>,
      %mul3A_390 = arith.mulf %gather3A_385, %gather3A_389 : vector<16xf32>
      %add3A_391 = arith.addf %add3A_381, %mul3A_390 : vector<16xf32>
      %add3A_392 = arith.constant 21 : i32
      %add3A_393 = vector.broadcast %add3A_392 : i32 to vector<16xi32>
      %add3A_394 = arith.addi %get3A_179, %add3A_393 : vector<16xi32>
      %gather3A_395 = tpu.vector_load_idx %arg13[%add3A_178, %add3A_394] : memref<256x128xf32, #tpu.memory_space<vmem>>[vector<16xi32>, vector<16xi32>], vector<16xf32>,
      %add3A_396 = arith.constant 21 : i32
      %add3A_397 = vector.broadcast %add3A_396 : i32 to vector<16xi32>
      %add3A_398 = arith.addi %get3A_181, %add3A_397 : vector<16xi32>
      %gather3A_399 = tpu.vector_load_idx %arg14[%add3A_178, %add3A_398] : memref<256x128xf32, #tpu.memory_space<vmem>>[vector<16xi32>, vector<16xi32>], vector<16xf32>,
      %mul3A_400 = arith.mulf %gather3A_395, %gather3A_399 : vector<16xf32>
      %add3A_401 = arith.addf %add3A_391, %mul3A_400 : vector<16xf32>
      %add3A_402 = arith.constant 22 : i32
      %add3A_403 = vector.broadcast %add3A_402 : i32 to vector<16xi32>
      %add3A_404 = arith.addi %get3A_179, %add3A_403 : vector<16xi32>
      %gather3A_405 = tpu.vector_load_idx %arg13[%add3A_178, %add3A_404] : memref<256x128xf32, #tpu.memory_space<vmem>>[vector<16xi32>, vector<16xi32>], vector<16xf32>,
      %add3A_406 = arith.constant 22 : i32
      %add3A_407 = vector.broadcast %add3A_406 : i32 to vector<16xi32>
      %add3A_408 = arith.addi %get3A_181, %add3A_407 : vector<16xi32>
      %gather3A_409 = tpu.vector_load_idx %arg14[%add3A_178, %add3A_408] : memref<256x128xf32, #tpu.memory_space<vmem>>[vector<16xi32>, vector<16xi32>], vector<16xf32>,
      %mul3A_410 = arith.mulf %gather3A_405, %gather3A_409 : vector<16xf32>
      %add3A_411 = arith.addf %add3A_401, %mul3A_410 : vector<16xf32>
      %add3A_412 = arith.constant 23 : i32
      %add3A_413 = vector.broadcast %add3A_412 : i32 to vector<16xi32>
      %add3A_414 = arith.addi %get3A_179, %add3A_413 : vector<16xi32>
      %gather3A_415 = tpu.vector_load_idx %arg13[%add3A_178, %add3A_414] : memref<256x128xf32, #tpu.memory_space<vmem>>[vector<16xi32>, vector<16xi32>], vector<16xf32>,
      %add3A_416 = arith.constant 23 : i32
      %add3A_417 = vector.broadcast %add3A_416 : i32 to vector<16xi32>
      %add3A_418 = arith.addi %get3A_181, %add3A_417 : vector<16xi32>
      %gather3A_419 = tpu.vector_load_idx %arg14[%add3A_178, %add3A_418] : memref<256x128xf32, #tpu.memory_space<vmem>>[vector<16xi32>, vector<16xi32>], vector<16xf32>,
      %mul3A_420 = arith.mulf %gather3A_415, %gather3A_419 : vector<16xf32>
      %add3A_421 = arith.addf %add3A_411, %mul3A_420 : vector<16xf32>
      %add3A_422 = arith.constant 24 : i32
      %add3A_423 = vector.broadcast %add3A_422 : i32 to vector<16xi32>
      %add3A_424 = arith.addi %get3A_179, %add3A_423 : vector<16xi32>
      %gather3A_425 = tpu.vector_load_idx %arg13[%add3A_178, %add3A_424] : memref<256x128xf32, #tpu.memory_space<vmem>>[vector<16xi32>, vector<16xi32>], vector<16xf32>,
      %add3A_426 = arith.constant 24 : i32
      %add3A_427 = vector.broadcast %add3A_426 : i32 to vector<16xi32>
      %add3A_428 = arith.addi %get3A_181, %add3A_427 : vector<16xi32>
      %gather3A_429 = tpu.vector_load_idx %arg14[%add3A_178, %add3A_428] : memref<256x128xf32, #tpu.memory_space<vmem>>[vector<16xi32>, vector<16xi32>], vector<16xf32>,
      %mul3A_430 = arith.mulf %gather3A_425, %gather3A_429 : vector<16xf32>
      %add3A_431 = arith.addf %add3A_421, %mul3A_430 : vector<16xf32>
      %add3A_432 = arith.constant 25 : i32
      %add3A_433 = vector.broadcast %add3A_432 : i32 to vector<16xi32>
      %add3A_434 = arith.addi %get3A_179, %add3A_433 : vector<16xi32>
      %gather3A_435 = tpu.vector_load_idx %arg13[%add3A_178, %add3A_434] : memref<256x128xf32, #tpu.memory_space<vmem>>[vector<16xi32>, vector<16xi32>], vector<16xf32>,
      %add3A_436 = arith.constant 25 : i32
      %add3A_437 = vector.broadcast %add3A_436 : i32 to vector<16xi32>
      %add3A_438 = arith.addi %get3A_181, %add3A_437 : vector<16xi32>
      %gather3A_439 = tpu.vector_load_idx %arg14[%add3A_178, %add3A_438] : memref<256x128xf32, #tpu.memory_space<vmem>>[vector<16xi32>, vector<16xi32>], vector<16xf32>,
      %mul3A_440 = arith.mulf %gather3A_435, %gather3A_439 : vector<16xf32>
      %add3A_441 = arith.addf %add3A_431, %mul3A_440 : vector<16xf32>
      %add3A_442 = arith.constant 26 : i32
      %add3A_443 = vector.broadcast %add3A_442 : i32 to vector<16xi32>
      %add3A_444 = arith.addi %get3A_179, %add3A_443 : vector<16xi32>
      %gather3A_445 = tpu.vector_load_idx %arg13[%add3A_178, %add3A_444] : memref<256x128xf32, #tpu.memory_space<vmem>>[vector<16xi32>, vector<16xi32>], vector<16xf32>,
      %add3A_446 = arith.constant 26 : i32
      %add3A_447 = vector.broadcast %add3A_446 : i32 to vector<16xi32>
      %add3A_448 = arith.addi %get3A_181, %add3A_447 : vector<16xi32>
      %gather3A_449 = tpu.vector_load_idx %arg14[%add3A_178, %add3A_448] : memref<256x128xf32, #tpu.memory_space<vmem>>[vector<16xi32>, vector<16xi32>], vector<16xf32>,
      %mul3A_450 = arith.mulf %gather3A_445, %gather3A_449 : vector<16xf32>
      %add3A_451 = arith.addf %add3A_441, %mul3A_450 : vector<16xf32>
      %add3A_452 = arith.constant 27 : i32
      %add3A_453 = vector.broadcast %add3A_452 : i32 to vector<16xi32>
      %add3A_454 = arith.addi %get3A_179, %add3A_453 : vector<16xi32>
      %gather3A_455 = tpu.vector_load_idx %arg13[%add3A_178, %add3A_454] : memref<256x128xf32, #tpu.memory_space<vmem>>[vector<16xi32>, vector<16xi32>], vector<16xf32>,
      %add3A_456 = arith.constant 27 : i32
      %add3A_457 = vector.broadcast %add3A_456 : i32 to vector<16xi32>
      %add3A_458 = arith.addi %get3A_181, %add3A_457 : vector<16xi32>
      %gather3A_459 = tpu.vector_load_idx %arg14[%add3A_178, %add3A_458] : memref<256x128xf32, #tpu.memory_space<vmem>>[vector<16xi32>, vector<16xi32>], vector<16xf32>,
      %mul3A_460 = arith.mulf %gather3A_455, %gather3A_459 : vector<16xf32>
      %add3A_461 = arith.addf %add3A_451, %mul3A_460 : vector<16xf32>
      %add3A_462 = arith.constant 28 : i32
      %add3A_463 = vector.broadcast %add3A_462 : i32 to vector<16xi32>
      %add3A_464 = arith.addi %get3A_179, %add3A_463 : vector<16xi32>
      %gather3A_465 = tpu.vector_load_idx %arg13[%add3A_178, %add3A_464] : memref<256x128xf32, #tpu.memory_space<vmem>>[vector<16xi32>, vector<16xi32>], vector<16xf32>,
      %add3A_466 = arith.constant 28 : i32
      %add3A_467 = vector.broadcast %add3A_466 : i32 to vector<16xi32>
      %add3A_468 = arith.addi %get3A_181, %add3A_467 : vector<16xi32>
      %gather3A_469 = tpu.vector_load_idx %arg14[%add3A_178, %add3A_468] : memref<256x128xf32, #tpu.memory_space<vmem>>[vector<16xi32>, vector<16xi32>], vector<16xf32>,
      %mul3A_470 = arith.mulf %gather3A_465, %gather3A_469 : vector<16xf32>
      %add3A_471 = arith.addf %add3A_461, %mul3A_470 : vector<16xf32>
      %add3A_472 = arith.constant 29 : i32
      %add3A_473 = vector.broadcast %add3A_472 : i32 to vector<16xi32>
      %add3A_474 = arith.addi %get3A_179, %add3A_473 : vector<16xi32>
      %gather3A_475 = tpu.vector_load_idx %arg13[%add3A_178, %add3A_474] : memref<256x128xf32, #tpu.memory_space<vmem>>[vector<16xi32>, vector<16xi32>], vector<16xf32>,
      %add3A_476 = arith.constant 29 : i32
      %add3A_477 = vector.broadcast %add3A_476 : i32 to vector<16xi32>
      %add3A_478 = arith.addi %get3A_181, %add3A_477 : vector<16xi32>
      %gather3A_479 = tpu.vector_load_idx %arg14[%add3A_178, %add3A_478] : memref<256x128xf32, #tpu.memory_space<vmem>>[vector<16xi32>, vector<16xi32>], vector<16xf32>,
      %mul3A_480 = arith.mulf %gather3A_475, %gather3A_479 : vector<16xf32>
      %add3A_481 = arith.addf %add3A_471, %mul3A_480 : vector<16xf32>
      %add3A_482 = arith.constant 30 : i32
      %add3A_483 = vector.broadcast %add3A_482 : i32 to vector<16xi32>
      %add3A_484 = arith.addi %get3A_179, %add3A_483 : vector<16xi32>
      %gather3A_485 = tpu.vector_load_idx %arg13[%add3A_178, %add3A_484] : memref<256x128xf32, #tpu.memory_space<vmem>>[vector<16xi32>, vector<16xi32>], vector<16xf32>,
      %add3A_486 = arith.constant 30 : i32
      %add3A_487 = vector.broadcast %add3A_486 : i32 to vector<16xi32>
      %add3A_488 = arith.addi %get3A_181, %add3A_487 : vector<16xi32>
      %gather3A_489 = tpu.vector_load_idx %arg14[%add3A_178, %add3A_488] : memref<256x128xf32, #tpu.memory_space<vmem>>[vector<16xi32>, vector<16xi32>], vector<16xf32>,
      %mul3A_490 = arith.mulf %gather3A_485, %gather3A_489 : vector<16xf32>
      %add3A_491 = arith.addf %add3A_481, %mul3A_490 : vector<16xf32>
      %add3A_492 = arith.constant 31 : i32
      %add3A_493 = vector.broadcast %add3A_492 : i32 to vector<16xi32>
      %add3A_494 = arith.addi %get3A_179, %add3A_493 : vector<16xi32>
      %gather3A_495 = tpu.vector_load_idx %arg13[%add3A_178, %add3A_494] : memref<256x128xf32, #tpu.memory_space<vmem>>[vector<16xi32>, vector<16xi32>], vector<16xf32>,
      %add3A_496 = arith.constant 31 : i32
      %add3A_497 = vector.broadcast %add3A_496 : i32 to vector<16xi32>
      %add3A_498 = arith.addi %get3A_181, %add3A_497 : vector<16xi32>
      %gather3A_499 = tpu.vector_load_idx %arg14[%add3A_178, %add3A_498] : memref<256x128xf32, #tpu.memory_space<vmem>>[vector<16xi32>, vector<16xi32>], vector<16xf32>,
      %mul3A_500 = arith.mulf %gather3A_495, %gather3A_499 : vector<16xf32>
      %add3A_501 = arith.addf %add3A_491, %mul3A_500 : vector<16xf32>
      %neg3A = arith.constant 0.000000e+00 : f32
      %neg3A_502 = vector.broadcast %neg3A : f32 to vector<16xf32>
      %neg3A_503 = arith.subf %neg3A_502, %add3A_501 : vector<16xf32>
      %exp3A = math.exp %neg3A_503 : vector<16xf32>
      %add3A_504 = arith.constant 1.000000e+00 : f32
      %add3A_505 = vector.broadcast %add3A_504 : f32 to vector<16xf32>
      %add3A_506 = arith.addf %add3A_505, %exp3A : vector<16xf32>
      %div3A = arith.constant 1.000000e+00 : f32
      %div3A_507 = vector.broadcast %div3A : f32 to vector<16xf32>
      %div3A_508 = arith.divf %div3A_507, %add3A_506 : vector<16xf32>
      %swap3A = arith.index_cast %add3A_174 : i32 to index
      %swap3A_509 = tpu.vector_load %arg15[%swap3A] {strides = array<i32>} : memref<512xf32, #tpu.memory_space<vmem>>, vector<16xf32>,
      tpu.vector_store %arg15[%swap3A], %div3A_508 {strides = array<i32>} : memref<512xf32, #tpu.memory_space<vmem>>, vector<16xf32>,
    }
    %scan3A_83 = arith.constant 16 : i32
    %dma_start3A_84 = arith.constant 2 : i32
    %dma_start3A_85 = arith.constant 0 : i32
    %dma_start3A_86 = arith.constant 0 : i32
    %dma_start3A_87 = tpu.memref_slice %arg13[%dma_start3A_85, %dma_start3A_86] : memref<256x128xf32, #tpu.memory_space<vmem>> -> memref<128x128xf32, #tpu.memory_space<vmem>>
    %dma_start3A_88 = arith.constant 0 : i32
    %dma_start3A_89 = tpu.memref_slice %arg9[%dma_start3A_84, %dma_start3A_88] : memref<4x128xi32, #tpu.memory_space<vmem>> -> memref<1x128xi32, #tpu.memory_space<vmem>>
    %dma_start3A_90 = tpu.memref_squeeze %dma_start3A_89 : memref<1x128xi32, #tpu.memory_space<vmem>> -> memref<128xi32, #tpu.memory_space<vmem>>
    %dma_start3A_91 = arith.constant 0 : i32
    %dma_start3A_92 = arith.constant 0 : i32
    %dma_start3A_93 = tpu.memref_slice %arg6[%dma_start3A_91, %dma_start3A_92] : memref<250000x128xf32, #tpu.memory_space<hbm>> -> memref<250000x128xf32, #tpu.memory_space<hbm>>
    tpu.enqueue_indirect_dma source(%dma_start3A_93 : memref<250000x128xf32, #tpu.memory_space<hbm>>) target(%dma_start3A_87 : memref<128x128xf32, #tpu.memory_space<vmem>>) offsets(%dma_start3A_90 : memref<128xi32, #tpu.memory_space<vmem>>) semaphore(%arg16 : memref<!tpu.dma_semaphore, #tpu.memory_space<semaphore_mem>>)
    %dma_start3A_94 = arith.constant 2 : i32
    %dma_start3A_95 = arith.constant 0 : i32
    %dma_start3A_96 = arith.constant 0 : i32
    %dma_start3A_97 = tpu.memref_slice %arg14[%dma_start3A_95, %dma_start3A_96] : memref<256x128xf32, #tpu.memory_space<vmem>> -> memref<128x128xf32, #tpu.memory_space<vmem>>
    %dma_start3A_98 = arith.constant 0 : i32
    %dma_start3A_99 = tpu.memref_slice %arg10[%dma_start3A_94, %dma_start3A_98] : memref<4x128xi32, #tpu.memory_space<vmem>> -> memref<1x128xi32, #tpu.memory_space<vmem>>
    %dma_start3A_100 = tpu.memref_squeeze %dma_start3A_99 : memref<1x128xi32, #tpu.memory_space<vmem>> -> memref<128xi32, #tpu.memory_space<vmem>>
    %dma_start3A_101 = arith.constant 0 : i32
    %dma_start3A_102 = arith.constant 0 : i32
    %dma_start3A_103 = tpu.memref_slice %arg7[%dma_start3A_101, %dma_start3A_102] : memref<250000x128xf32, #tpu.memory_space<hbm>> -> memref<250000x128xf32, #tpu.memory_space<hbm>>
    tpu.enqueue_indirect_dma source(%dma_start3A_103 : memref<250000x128xf32, #tpu.memory_space<hbm>>) target(%dma_start3A_97 : memref<128x128xf32, #tpu.memory_space<vmem>>) offsets(%dma_start3A_100 : memref<128xi32, #tpu.memory_space<vmem>>) semaphore(%arg16 : memref<!tpu.dma_semaphore, #tpu.memory_space<semaphore_mem>>)
    %dma_start3A_104 = arith.constant 3 : i32
    %dma_start3A_105 = arith.constant 128 : i32
    %dma_start3A_106 = arith.constant 0 : i32
    %dma_start3A_107 = tpu.memref_slice %arg13[%dma_start3A_105, %dma_start3A_106] : memref<256x128xf32, #tpu.memory_space<vmem>> -> memref<128x128xf32, #tpu.memory_space<vmem>>
    %dma_start3A_108 = arith.constant 0 : i32
    %dma_start3A_109 = tpu.memref_slice %arg9[%dma_start3A_104, %dma_start3A_108] : memref<4x128xi32, #tpu.memory_space<vmem>> -> memref<1x128xi32, #tpu.memory_space<vmem>>
    %dma_start3A_110 = tpu.memref_squeeze %dma_start3A_109 : memref<1x128xi32, #tpu.memory_space<vmem>> -> memref<128xi32, #tpu.memory_space<vmem>>
    %dma_start3A_111 = arith.constant 0 : i32
    %dma_start3A_112 = arith.constant 0 : i32
    %dma_start3A_113 = tpu.memref_slice %arg6[%dma_start3A_111, %dma_start3A_112] : memref<250000x128xf32, #tpu.memory_space<hbm>> -> memref<250000x128xf32, #tpu.memory_space<hbm>>
    tpu.enqueue_indirect_dma source(%dma_start3A_113 : memref<250000x128xf32, #tpu.memory_space<hbm>>) target(%dma_start3A_107 : memref<128x128xf32, #tpu.memory_space<vmem>>) offsets(%dma_start3A_110 : memref<128xi32, #tpu.memory_space<vmem>>) semaphore(%arg16 : memref<!tpu.dma_semaphore, #tpu.memory_space<semaphore_mem>>)
    %dma_start3A_114 = arith.constant 3 : i32
    %dma_start3A_115 = arith.constant 128 : i32
    %dma_start3A_116 = arith.constant 0 : i32
    %dma_start3A_117 = tpu.memref_slice %arg14[%dma_start3A_115, %dma_start3A_116] : memref<256x128xf32, #tpu.memory_space<vmem>> -> memref<128x128xf32, #tpu.memory_space<vmem>>
    %dma_start3A_118 = arith.constant 0 : i32
    %dma_start3A_119 = tpu.memref_slice %arg10[%dma_start3A_114, %dma_start3A_118] : memref<4x128xi32, #tpu.memory_space<vmem>> -> memref<1x128xi32, #tpu.memory_space<vmem>>
    %dma_start3A_120 = tpu.memref_squeeze %dma_start3A_119 : memref<1x128xi32, #tpu.memory_space<vmem>> -> memref<128xi32, #tpu.memory_space<vmem>>
    %dma_start3A_121 = arith.constant 0 : i32
    %dma_start3A_122 = arith.constant 0 : i32
    %dma_start3A_123 = tpu.memref_slice %arg7[%dma_start3A_121, %dma_start3A_122] : memref<250000x128xf32, #tpu.memory_space<hbm>> -> memref<250000x128xf32, #tpu.memory_space<hbm>>
    tpu.enqueue_indirect_dma source(%dma_start3A_123 : memref<250000x128xf32, #tpu.memory_space<hbm>>) target(%dma_start3A_117 : memref<128x128xf32, #tpu.memory_space<vmem>>) offsets(%dma_start3A_120 : memref<128xi32, #tpu.memory_space<vmem>>) semaphore(%arg16 : memref<!tpu.dma_semaphore, #tpu.memory_space<semaphore_mem>>)
    %dma_wait3A_124 = arith.constant 2 : i32
    %dma_wait3A_125 = arith.constant 0 : i32
    %dma_wait3A_126 = arith.constant 0 : i32
    %dma_wait3A_127 = tpu.memref_slice %arg13[%dma_wait3A_125, %dma_wait3A_126] : memref<256x128xf32, #tpu.memory_space<vmem>> -> memref<128x128xf32, #tpu.memory_space<vmem>>
    %dma_wait3A_128 = arith.constant 0 : i32
    %dma_wait3A_129 = tpu.memref_slice %arg9[%dma_wait3A_124, %dma_wait3A_128] : memref<4x128xi32, #tpu.memory_space<vmem>> -> memref<1x128xi32, #tpu.memory_space<vmem>>
    %dma_wait3A_130 = tpu.memref_squeeze %dma_wait3A_129 : memref<1x128xi32, #tpu.memory_space<vmem>> -> memref<128xi32, #tpu.memory_space<vmem>>
    %dma_wait3A_131 = arith.constant 0 : i32
    %dma_wait3A_132 = arith.constant 0 : i32
    %dma_wait3A_133 = tpu.memref_slice %arg6[%dma_wait3A_131, %dma_wait3A_132] : memref<250000x128xf32, #tpu.memory_space<hbm>> -> memref<250000x128xf32, #tpu.memory_space<hbm>>
    tpu.wait_indirect_dma semaphore(%arg16 : memref<!tpu.dma_semaphore, #tpu.memory_space<semaphore_mem>>) src(%dma_wait3A_133 : memref<250000x128xf32, #tpu.memory_space<hbm>>) dst(%dma_wait3A_127 : memref<128x128xf32, #tpu.memory_space<vmem>>)
    %dma_wait3A_134 = arith.constant 2 : i32
    %dma_wait3A_135 = arith.constant 0 : i32
    %dma_wait3A_136 = arith.constant 0 : i32
    %dma_wait3A_137 = tpu.memref_slice %arg14[%dma_wait3A_135, %dma_wait3A_136] : memref<256x128xf32, #tpu.memory_space<vmem>> -> memref<128x128xf32, #tpu.memory_space<vmem>>
    %dma_wait3A_138 = arith.constant 0 : i32
    %dma_wait3A_139 = tpu.memref_slice %arg10[%dma_wait3A_134, %dma_wait3A_138] : memref<4x128xi32, #tpu.memory_space<vmem>> -> memref<1x128xi32, #tpu.memory_space<vmem>>
    %dma_wait3A_140 = tpu.memref_squeeze %dma_wait3A_139 : memref<1x128xi32, #tpu.memory_space<vmem>> -> memref<128xi32, #tpu.memory_space<vmem>>
    %dma_wait3A_141 = arith.constant 0 : i32
    %dma_wait3A_142 = arith.constant 0 : i32
    %dma_wait3A_143 = tpu.memref_slice %arg7[%dma_wait3A_141, %dma_wait3A_142] : memref<250000x128xf32, #tpu.memory_space<hbm>> -> memref<250000x128xf32, #tpu.memory_space<hbm>>
    tpu.wait_indirect_dma semaphore(%arg16 : memref<!tpu.dma_semaphore, #tpu.memory_space<semaphore_mem>>) src(%dma_wait3A_143 : memref<250000x128xf32, #tpu.memory_space<hbm>>) dst(%dma_wait3A_137 : memref<128x128xf32, #tpu.memory_space<vmem>>)
    %dma_wait3A_144 = arith.constant 3 : i32
    %dma_wait3A_145 = arith.constant 128 : i32
    %dma_wait3A_146 = arith.constant 0 : i32
    %dma_wait3A_147 = tpu.memref_slice %arg13[%dma_wait3A_145, %dma_wait3A_146] : memref<256x128xf32, #tpu.memory_space<vmem>> -> memref<128x128xf32, #tpu.memory_space<vmem>>
    %dma_wait3A_148 = arith.constant 0 : i32
    %dma_wait3A_149 = tpu.memref_slice %arg9[%dma_wait3A_144, %dma_wait3A_148] : memref<4x128xi32, #tpu.memory_space<vmem>> -> memref<1x128xi32, #tpu.memory_space<vmem>>
    %dma_wait3A_150 = tpu.memref_squeeze %dma_wait3A_149 : memref<1x128xi32, #tpu.memory_space<vmem>> -> memref<128xi32, #tpu.memory_space<vmem>>
    %dma_wait3A_151 = arith.constant 0 : i32
    %dma_wait3A_152 = arith.constant 0 : i32
    %dma_wait3A_153 = tpu.memref_slice %arg6[%dma_wait3A_151, %dma_wait3A_152] : memref<250000x128xf32, #tpu.memory_space<hbm>> -> memref<250000x128xf32, #tpu.memory_space<hbm>>
    tpu.wait_indirect_dma semaphore(%arg16 : memref<!tpu.dma_semaphore, #tpu.memory_space<semaphore_mem>>) src(%dma_wait3A_153 : memref<250000x128xf32, #tpu.memory_space<hbm>>) dst(%dma_wait3A_147 : memref<128x128xf32, #tpu.memory_space<vmem>>)
    %dma_wait3A_154 = arith.constant 3 : i32
    %dma_wait3A_155 = arith.constant 128 : i32
    %dma_wait3A_156 = arith.constant 0 : i32
    %dma_wait3A_157 = tpu.memref_slice %arg14[%dma_wait3A_155, %dma_wait3A_156] : memref<256x128xf32, #tpu.memory_space<vmem>> -> memref<128x128xf32, #tpu.memory_space<vmem>>
    %dma_wait3A_158 = arith.constant 0 : i32
    %dma_wait3A_159 = tpu.memref_slice %arg10[%dma_wait3A_154, %dma_wait3A_158] : memref<4x128xi32, #tpu.memory_space<vmem>> -> memref<1x128xi32, #tpu.memory_space<vmem>>
    %dma_wait3A_160 = tpu.memref_squeeze %dma_wait3A_159 : memref<1x128xi32, #tpu.memory_space<vmem>> -> memref<128xi32, #tpu.memory_space<vmem>>
    %dma_wait3A_161 = arith.constant 0 : i32
    %dma_wait3A_162 = arith.constant 0 : i32
    %dma_wait3A_163 = tpu.memref_slice %arg7[%dma_wait3A_161, %dma_wait3A_162] : memref<250000x128xf32, #tpu.memory_space<hbm>> -> memref<250000x128xf32, #tpu.memory_space<hbm>>
    tpu.wait_indirect_dma semaphore(%arg16 : memref<!tpu.dma_semaphore, #tpu.memory_space<semaphore_mem>>) src(%dma_wait3A_163 : memref<250000x128xf32, #tpu.memory_space<hbm>>) dst(%dma_wait3A_157 : memref<128x128xf32, #tpu.memory_space<vmem>>)
    %scan3A_164 = arith.constant 0 : i32
    %scan3A_165 = arith.constant 0 : i32
    %scan3A_166 = arith.constant 16 : i32
    %scan3A_167 = arith.addi %scan3A_165, %scan3A_166 : i32
    %scan3A_168 = arith.constant 1 : i32
    scf.for %scan3A_170 = %scan3A_165 to %scan3A_167 step %scan3A_168  : i32 {
      %mul3A_171 = arith.constant 16 : i32
      %mul3A_172 = arith.muli %scan3A_170, %mul3A_171 : i32
      %add3A_173 = arith.constant 256 : i32
      %add3A_174 = arith.addi %add3A_173, %mul3A_172 : i32
      %mul3A_175 = arith.constant 16 : i32
      %mul3A_176 = arith.muli %scan3A_170, %mul3A_175 : i32
      %add3A_177 = vector.broadcast %mul3A_176 : i32 to vector<16xi32>
      %add3A_178 = arith.addi %iota3A, %add3A_177 : vector<16xi32>
      %get3A = arith.index_cast %add3A_174 : i32 to index
      %get3A_179 = tpu.vector_load %arg11[%get3A] {strides = array<i32>} : memref<512xi32, #tpu.memory_space<vmem>>, vector<16xi32>,
      %get3A_180 = arith.index_cast %add3A_174 : i32 to index
      %get3A_181 = tpu.vector_load %arg12[%get3A_180] {strides = array<i32>} : memref<512xi32, #tpu.memory_space<vmem>>, vector<16xi32>,
      %broadcast_in_dim3A = arith.constant 0.000000e+00 : f32
      %broadcast_in_dim3A_182 = vector.broadcast %broadcast_in_dim3A : f32 to vector<16xf32>
      %add3A_183 = arith.constant 0 : i32
      %add3A_184 = vector.broadcast %add3A_183 : i32 to vector<16xi32>
      %add3A_185 = arith.addi %get3A_179, %add3A_184 : vector<16xi32>
      %gather3A = tpu.vector_load_idx %arg13[%add3A_178, %add3A_185] : memref<256x128xf32, #tpu.memory_space<vmem>>[vector<16xi32>, vector<16xi32>], vector<16xf32>,
      %add3A_186 = arith.constant 0 : i32
      %add3A_187 = vector.broadcast %add3A_186 : i32 to vector<16xi32>
      %add3A_188 = arith.addi %get3A_181, %add3A_187 : vector<16xi32>
      %gather3A_189 = tpu.vector_load_idx %arg14[%add3A_178, %add3A_188] : memref<256x128xf32, #tpu.memory_space<vmem>>[vector<16xi32>, vector<16xi32>], vector<16xf32>,
      %mul3A_190 = arith.mulf %gather3A, %gather3A_189 : vector<16xf32>
      %add3A_191 = arith.addf %broadcast_in_dim3A_182, %mul3A_190 : vector<16xf32>
      %add3A_192 = arith.constant 1 : i32
      %add3A_193 = vector.broadcast %add3A_192 : i32 to vector<16xi32>
      %add3A_194 = arith.addi %get3A_179, %add3A_193 : vector<16xi32>
      %gather3A_195 = tpu.vector_load_idx %arg13[%add3A_178, %add3A_194] : memref<256x128xf32, #tpu.memory_space<vmem>>[vector<16xi32>, vector<16xi32>], vector<16xf32>,
      %add3A_196 = arith.constant 1 : i32
      %add3A_197 = vector.broadcast %add3A_196 : i32 to vector<16xi32>
      %add3A_198 = arith.addi %get3A_181, %add3A_197 : vector<16xi32>
      %gather3A_199 = tpu.vector_load_idx %arg14[%add3A_178, %add3A_198] : memref<256x128xf32, #tpu.memory_space<vmem>>[vector<16xi32>, vector<16xi32>], vector<16xf32>,
      %mul3A_200 = arith.mulf %gather3A_195, %gather3A_199 : vector<16xf32>
      %add3A_201 = arith.addf %add3A_191, %mul3A_200 : vector<16xf32>
      %add3A_202 = arith.constant 2 : i32
      %add3A_203 = vector.broadcast %add3A_202 : i32 to vector<16xi32>
      %add3A_204 = arith.addi %get3A_179, %add3A_203 : vector<16xi32>
      %gather3A_205 = tpu.vector_load_idx %arg13[%add3A_178, %add3A_204] : memref<256x128xf32, #tpu.memory_space<vmem>>[vector<16xi32>, vector<16xi32>], vector<16xf32>,
      %add3A_206 = arith.constant 2 : i32
      %add3A_207 = vector.broadcast %add3A_206 : i32 to vector<16xi32>
      %add3A_208 = arith.addi %get3A_181, %add3A_207 : vector<16xi32>
      %gather3A_209 = tpu.vector_load_idx %arg14[%add3A_178, %add3A_208] : memref<256x128xf32, #tpu.memory_space<vmem>>[vector<16xi32>, vector<16xi32>], vector<16xf32>,
      %mul3A_210 = arith.mulf %gather3A_205, %gather3A_209 : vector<16xf32>
      %add3A_211 = arith.addf %add3A_201, %mul3A_210 : vector<16xf32>
      %add3A_212 = arith.constant 3 : i32
      %add3A_213 = vector.broadcast %add3A_212 : i32 to vector<16xi32>
      %add3A_214 = arith.addi %get3A_179, %add3A_213 : vector<16xi32>
      %gather3A_215 = tpu.vector_load_idx %arg13[%add3A_178, %add3A_214] : memref<256x128xf32, #tpu.memory_space<vmem>>[vector<16xi32>, vector<16xi32>], vector<16xf32>,
      %add3A_216 = arith.constant 3 : i32
      %add3A_217 = vector.broadcast %add3A_216 : i32 to vector<16xi32>
      %add3A_218 = arith.addi %get3A_181, %add3A_217 : vector<16xi32>
      %gather3A_219 = tpu.vector_load_idx %arg14[%add3A_178, %add3A_218] : memref<256x128xf32, #tpu.memory_space<vmem>>[vector<16xi32>, vector<16xi32>], vector<16xf32>,
      %mul3A_220 = arith.mulf %gather3A_215, %gather3A_219 : vector<16xf32>
      %add3A_221 = arith.addf %add3A_211, %mul3A_220 : vector<16xf32>
      %add3A_222 = arith.constant 4 : i32
      %add3A_223 = vector.broadcast %add3A_222 : i32 to vector<16xi32>
      %add3A_224 = arith.addi %get3A_179, %add3A_223 : vector<16xi32>
      %gather3A_225 = tpu.vector_load_idx %arg13[%add3A_178, %add3A_224] : memref<256x128xf32, #tpu.memory_space<vmem>>[vector<16xi32>, vector<16xi32>], vector<16xf32>,
      %add3A_226 = arith.constant 4 : i32
      %add3A_227 = vector.broadcast %add3A_226 : i32 to vector<16xi32>
      %add3A_228 = arith.addi %get3A_181, %add3A_227 : vector<16xi32>
      %gather3A_229 = tpu.vector_load_idx %arg14[%add3A_178, %add3A_228] : memref<256x128xf32, #tpu.memory_space<vmem>>[vector<16xi32>, vector<16xi32>], vector<16xf32>,
      %mul3A_230 = arith.mulf %gather3A_225, %gather3A_229 : vector<16xf32>
      %add3A_231 = arith.addf %add3A_221, %mul3A_230 : vector<16xf32>
      %add3A_232 = arith.constant 5 : i32
      %add3A_233 = vector.broadcast %add3A_232 : i32 to vector<16xi32>
      %add3A_234 = arith.addi %get3A_179, %add3A_233 : vector<16xi32>
      %gather3A_235 = tpu.vector_load_idx %arg13[%add3A_178, %add3A_234] : memref<256x128xf32, #tpu.memory_space<vmem>>[vector<16xi32>, vector<16xi32>], vector<16xf32>,
      %add3A_236 = arith.constant 5 : i32
      %add3A_237 = vector.broadcast %add3A_236 : i32 to vector<16xi32>
      %add3A_238 = arith.addi %get3A_181, %add3A_237 : vector<16xi32>
      %gather3A_239 = tpu.vector_load_idx %arg14[%add3A_178, %add3A_238] : memref<256x128xf32, #tpu.memory_space<vmem>>[vector<16xi32>, vector<16xi32>], vector<16xf32>,
      %mul3A_240 = arith.mulf %gather3A_235, %gather3A_239 : vector<16xf32>
      %add3A_241 = arith.addf %add3A_231, %mul3A_240 : vector<16xf32>
      %add3A_242 = arith.constant 6 : i32
      %add3A_243 = vector.broadcast %add3A_242 : i32 to vector<16xi32>
      %add3A_244 = arith.addi %get3A_179, %add3A_243 : vector<16xi32>
      %gather3A_245 = tpu.vector_load_idx %arg13[%add3A_178, %add3A_244] : memref<256x128xf32, #tpu.memory_space<vmem>>[vector<16xi32>, vector<16xi32>], vector<16xf32>,
      %add3A_246 = arith.constant 6 : i32
      %add3A_247 = vector.broadcast %add3A_246 : i32 to vector<16xi32>
      %add3A_248 = arith.addi %get3A_181, %add3A_247 : vector<16xi32>
      %gather3A_249 = tpu.vector_load_idx %arg14[%add3A_178, %add3A_248] : memref<256x128xf32, #tpu.memory_space<vmem>>[vector<16xi32>, vector<16xi32>], vector<16xf32>,
      %mul3A_250 = arith.mulf %gather3A_245, %gather3A_249 : vector<16xf32>
      %add3A_251 = arith.addf %add3A_241, %mul3A_250 : vector<16xf32>
      %add3A_252 = arith.constant 7 : i32
      %add3A_253 = vector.broadcast %add3A_252 : i32 to vector<16xi32>
      %add3A_254 = arith.addi %get3A_179, %add3A_253 : vector<16xi32>
      %gather3A_255 = tpu.vector_load_idx %arg13[%add3A_178, %add3A_254] : memref<256x128xf32, #tpu.memory_space<vmem>>[vector<16xi32>, vector<16xi32>], vector<16xf32>,
      %add3A_256 = arith.constant 7 : i32
      %add3A_257 = vector.broadcast %add3A_256 : i32 to vector<16xi32>
      %add3A_258 = arith.addi %get3A_181, %add3A_257 : vector<16xi32>
      %gather3A_259 = tpu.vector_load_idx %arg14[%add3A_178, %add3A_258] : memref<256x128xf32, #tpu.memory_space<vmem>>[vector<16xi32>, vector<16xi32>], vector<16xf32>,
      %mul3A_260 = arith.mulf %gather3A_255, %gather3A_259 : vector<16xf32>
      %add3A_261 = arith.addf %add3A_251, %mul3A_260 : vector<16xf32>
      %add3A_262 = arith.constant 8 : i32
      %add3A_263 = vector.broadcast %add3A_262 : i32 to vector<16xi32>
      %add3A_264 = arith.addi %get3A_179, %add3A_263 : vector<16xi32>
      %gather3A_265 = tpu.vector_load_idx %arg13[%add3A_178, %add3A_264] : memref<256x128xf32, #tpu.memory_space<vmem>>[vector<16xi32>, vector<16xi32>], vector<16xf32>,
      %add3A_266 = arith.constant 8 : i32
      %add3A_267 = vector.broadcast %add3A_266 : i32 to vector<16xi32>
      %add3A_268 = arith.addi %get3A_181, %add3A_267 : vector<16xi32>
      %gather3A_269 = tpu.vector_load_idx %arg14[%add3A_178, %add3A_268] : memref<256x128xf32, #tpu.memory_space<vmem>>[vector<16xi32>, vector<16xi32>], vector<16xf32>,
      %mul3A_270 = arith.mulf %gather3A_265, %gather3A_269 : vector<16xf32>
      %add3A_271 = arith.addf %add3A_261, %mul3A_270 : vector<16xf32>
      %add3A_272 = arith.constant 9 : i32
      %add3A_273 = vector.broadcast %add3A_272 : i32 to vector<16xi32>
      %add3A_274 = arith.addi %get3A_179, %add3A_273 : vector<16xi32>
      %gather3A_275 = tpu.vector_load_idx %arg13[%add3A_178, %add3A_274] : memref<256x128xf32, #tpu.memory_space<vmem>>[vector<16xi32>, vector<16xi32>], vector<16xf32>,
      %add3A_276 = arith.constant 9 : i32
      %add3A_277 = vector.broadcast %add3A_276 : i32 to vector<16xi32>
      %add3A_278 = arith.addi %get3A_181, %add3A_277 : vector<16xi32>
      %gather3A_279 = tpu.vector_load_idx %arg14[%add3A_178, %add3A_278] : memref<256x128xf32, #tpu.memory_space<vmem>>[vector<16xi32>, vector<16xi32>], vector<16xf32>,
      %mul3A_280 = arith.mulf %gather3A_275, %gather3A_279 : vector<16xf32>
      %add3A_281 = arith.addf %add3A_271, %mul3A_280 : vector<16xf32>
      %add3A_282 = arith.constant 10 : i32
      %add3A_283 = vector.broadcast %add3A_282 : i32 to vector<16xi32>
      %add3A_284 = arith.addi %get3A_179, %add3A_283 : vector<16xi32>
      %gather3A_285 = tpu.vector_load_idx %arg13[%add3A_178, %add3A_284] : memref<256x128xf32, #tpu.memory_space<vmem>>[vector<16xi32>, vector<16xi32>], vector<16xf32>,
      %add3A_286 = arith.constant 10 : i32
      %add3A_287 = vector.broadcast %add3A_286 : i32 to vector<16xi32>
      %add3A_288 = arith.addi %get3A_181, %add3A_287 : vector<16xi32>
      %gather3A_289 = tpu.vector_load_idx %arg14[%add3A_178, %add3A_288] : memref<256x128xf32, #tpu.memory_space<vmem>>[vector<16xi32>, vector<16xi32>], vector<16xf32>,
      %mul3A_290 = arith.mulf %gather3A_285, %gather3A_289 : vector<16xf32>
      %add3A_291 = arith.addf %add3A_281, %mul3A_290 : vector<16xf32>
      %add3A_292 = arith.constant 11 : i32
      %add3A_293 = vector.broadcast %add3A_292 : i32 to vector<16xi32>
      %add3A_294 = arith.addi %get3A_179, %add3A_293 : vector<16xi32>
      %gather3A_295 = tpu.vector_load_idx %arg13[%add3A_178, %add3A_294] : memref<256x128xf32, #tpu.memory_space<vmem>>[vector<16xi32>, vector<16xi32>], vector<16xf32>,
      %add3A_296 = arith.constant 11 : i32
      %add3A_297 = vector.broadcast %add3A_296 : i32 to vector<16xi32>
      %add3A_298 = arith.addi %get3A_181, %add3A_297 : vector<16xi32>
      %gather3A_299 = tpu.vector_load_idx %arg14[%add3A_178, %add3A_298] : memref<256x128xf32, #tpu.memory_space<vmem>>[vector<16xi32>, vector<16xi32>], vector<16xf32>,
      %mul3A_300 = arith.mulf %gather3A_295, %gather3A_299 : vector<16xf32>
      %add3A_301 = arith.addf %add3A_291, %mul3A_300 : vector<16xf32>
      %add3A_302 = arith.constant 12 : i32
      %add3A_303 = vector.broadcast %add3A_302 : i32 to vector<16xi32>
      %add3A_304 = arith.addi %get3A_179, %add3A_303 : vector<16xi32>
      %gather3A_305 = tpu.vector_load_idx %arg13[%add3A_178, %add3A_304] : memref<256x128xf32, #tpu.memory_space<vmem>>[vector<16xi32>, vector<16xi32>], vector<16xf32>,
      %add3A_306 = arith.constant 12 : i32
      %add3A_307 = vector.broadcast %add3A_306 : i32 to vector<16xi32>
      %add3A_308 = arith.addi %get3A_181, %add3A_307 : vector<16xi32>
      %gather3A_309 = tpu.vector_load_idx %arg14[%add3A_178, %add3A_308] : memref<256x128xf32, #tpu.memory_space<vmem>>[vector<16xi32>, vector<16xi32>], vector<16xf32>,
      %mul3A_310 = arith.mulf %gather3A_305, %gather3A_309 : vector<16xf32>
      %add3A_311 = arith.addf %add3A_301, %mul3A_310 : vector<16xf32>
      %add3A_312 = arith.constant 13 : i32
      %add3A_313 = vector.broadcast %add3A_312 : i32 to vector<16xi32>
      %add3A_314 = arith.addi %get3A_179, %add3A_313 : vector<16xi32>
      %gather3A_315 = tpu.vector_load_idx %arg13[%add3A_178, %add3A_314] : memref<256x128xf32, #tpu.memory_space<vmem>>[vector<16xi32>, vector<16xi32>], vector<16xf32>,
      %add3A_316 = arith.constant 13 : i32
      %add3A_317 = vector.broadcast %add3A_316 : i32 to vector<16xi32>
      %add3A_318 = arith.addi %get3A_181, %add3A_317 : vector<16xi32>
      %gather3A_319 = tpu.vector_load_idx %arg14[%add3A_178, %add3A_318] : memref<256x128xf32, #tpu.memory_space<vmem>>[vector<16xi32>, vector<16xi32>], vector<16xf32>,
      %mul3A_320 = arith.mulf %gather3A_315, %gather3A_319 : vector<16xf32>
      %add3A_321 = arith.addf %add3A_311, %mul3A_320 : vector<16xf32>
      %add3A_322 = arith.constant 14 : i32
      %add3A_323 = vector.broadcast %add3A_322 : i32 to vector<16xi32>
      %add3A_324 = arith.addi %get3A_179, %add3A_323 : vector<16xi32>
      %gather3A_325 = tpu.vector_load_idx %arg13[%add3A_178, %add3A_324] : memref<256x128xf32, #tpu.memory_space<vmem>>[vector<16xi32>, vector<16xi32>], vector<16xf32>,
      %add3A_326 = arith.constant 14 : i32
      %add3A_327 = vector.broadcast %add3A_326 : i32 to vector<16xi32>
      %add3A_328 = arith.addi %get3A_181, %add3A_327 : vector<16xi32>
      %gather3A_329 = tpu.vector_load_idx %arg14[%add3A_178, %add3A_328] : memref<256x128xf32, #tpu.memory_space<vmem>>[vector<16xi32>, vector<16xi32>], vector<16xf32>,
      %mul3A_330 = arith.mulf %gather3A_325, %gather3A_329 : vector<16xf32>
      %add3A_331 = arith.addf %add3A_321, %mul3A_330 : vector<16xf32>
      %add3A_332 = arith.constant 15 : i32
      %add3A_333 = vector.broadcast %add3A_332 : i32 to vector<16xi32>
      %add3A_334 = arith.addi %get3A_179, %add3A_333 : vector<16xi32>
      %gather3A_335 = tpu.vector_load_idx %arg13[%add3A_178, %add3A_334] : memref<256x128xf32, #tpu.memory_space<vmem>>[vector<16xi32>, vector<16xi32>], vector<16xf32>,
      %add3A_336 = arith.constant 15 : i32
      %add3A_337 = vector.broadcast %add3A_336 : i32 to vector<16xi32>
      %add3A_338 = arith.addi %get3A_181, %add3A_337 : vector<16xi32>
      %gather3A_339 = tpu.vector_load_idx %arg14[%add3A_178, %add3A_338] : memref<256x128xf32, #tpu.memory_space<vmem>>[vector<16xi32>, vector<16xi32>], vector<16xf32>,
      %mul3A_340 = arith.mulf %gather3A_335, %gather3A_339 : vector<16xf32>
      %add3A_341 = arith.addf %add3A_331, %mul3A_340 : vector<16xf32>
      %add3A_342 = arith.constant 16 : i32
      %add3A_343 = vector.broadcast %add3A_342 : i32 to vector<16xi32>
      %add3A_344 = arith.addi %get3A_179, %add3A_343 : vector<16xi32>
      %gather3A_345 = tpu.vector_load_idx %arg13[%add3A_178, %add3A_344] : memref<256x128xf32, #tpu.memory_space<vmem>>[vector<16xi32>, vector<16xi32>], vector<16xf32>,
      %add3A_346 = arith.constant 16 : i32
      %add3A_347 = vector.broadcast %add3A_346 : i32 to vector<16xi32>
      %add3A_348 = arith.addi %get3A_181, %add3A_347 : vector<16xi32>
      %gather3A_349 = tpu.vector_load_idx %arg14[%add3A_178, %add3A_348] : memref<256x128xf32, #tpu.memory_space<vmem>>[vector<16xi32>, vector<16xi32>], vector<16xf32>,
      %mul3A_350 = arith.mulf %gather3A_345, %gather3A_349 : vector<16xf32>
      %add3A_351 = arith.addf %add3A_341, %mul3A_350 : vector<16xf32>
      %add3A_352 = arith.constant 17 : i32
      %add3A_353 = vector.broadcast %add3A_352 : i32 to vector<16xi32>
      %add3A_354 = arith.addi %get3A_179, %add3A_353 : vector<16xi32>
      %gather3A_355 = tpu.vector_load_idx %arg13[%add3A_178, %add3A_354] : memref<256x128xf32, #tpu.memory_space<vmem>>[vector<16xi32>, vector<16xi32>], vector<16xf32>,
      %add3A_356 = arith.constant 17 : i32
      %add3A_357 = vector.broadcast %add3A_356 : i32 to vector<16xi32>
      %add3A_358 = arith.addi %get3A_181, %add3A_357 : vector<16xi32>
      %gather3A_359 = tpu.vector_load_idx %arg14[%add3A_178, %add3A_358] : memref<256x128xf32, #tpu.memory_space<vmem>>[vector<16xi32>, vector<16xi32>], vector<16xf32>,
      %mul3A_360 = arith.mulf %gather3A_355, %gather3A_359 : vector<16xf32>
      %add3A_361 = arith.addf %add3A_351, %mul3A_360 : vector<16xf32>
      %add3A_362 = arith.constant 18 : i32
      %add3A_363 = vector.broadcast %add3A_362 : i32 to vector<16xi32>
      %add3A_364 = arith.addi %get3A_179, %add3A_363 : vector<16xi32>
      %gather3A_365 = tpu.vector_load_idx %arg13[%add3A_178, %add3A_364] : memref<256x128xf32, #tpu.memory_space<vmem>>[vector<16xi32>, vector<16xi32>], vector<16xf32>,
      %add3A_366 = arith.constant 18 : i32
      %add3A_367 = vector.broadcast %add3A_366 : i32 to vector<16xi32>
      %add3A_368 = arith.addi %get3A_181, %add3A_367 : vector<16xi32>
      %gather3A_369 = tpu.vector_load_idx %arg14[%add3A_178, %add3A_368] : memref<256x128xf32, #tpu.memory_space<vmem>>[vector<16xi32>, vector<16xi32>], vector<16xf32>,
      %mul3A_370 = arith.mulf %gather3A_365, %gather3A_369 : vector<16xf32>
      %add3A_371 = arith.addf %add3A_361, %mul3A_370 : vector<16xf32>
      %add3A_372 = arith.constant 19 : i32
      %add3A_373 = vector.broadcast %add3A_372 : i32 to vector<16xi32>
      %add3A_374 = arith.addi %get3A_179, %add3A_373 : vector<16xi32>
      %gather3A_375 = tpu.vector_load_idx %arg13[%add3A_178, %add3A_374] : memref<256x128xf32, #tpu.memory_space<vmem>>[vector<16xi32>, vector<16xi32>], vector<16xf32>,
      %add3A_376 = arith.constant 19 : i32
      %add3A_377 = vector.broadcast %add3A_376 : i32 to vector<16xi32>
      %add3A_378 = arith.addi %get3A_181, %add3A_377 : vector<16xi32>
      %gather3A_379 = tpu.vector_load_idx %arg14[%add3A_178, %add3A_378] : memref<256x128xf32, #tpu.memory_space<vmem>>[vector<16xi32>, vector<16xi32>], vector<16xf32>,
      %mul3A_380 = arith.mulf %gather3A_375, %gather3A_379 : vector<16xf32>
      %add3A_381 = arith.addf %add3A_371, %mul3A_380 : vector<16xf32>
      %add3A_382 = arith.constant 20 : i32
      %add3A_383 = vector.broadcast %add3A_382 : i32 to vector<16xi32>
      %add3A_384 = arith.addi %get3A_179, %add3A_383 : vector<16xi32>
      %gather3A_385 = tpu.vector_load_idx %arg13[%add3A_178, %add3A_384] : memref<256x128xf32, #tpu.memory_space<vmem>>[vector<16xi32>, vector<16xi32>], vector<16xf32>,
      %add3A_386 = arith.constant 20 : i32
      %add3A_387 = vector.broadcast %add3A_386 : i32 to vector<16xi32>
      %add3A_388 = arith.addi %get3A_181, %add3A_387 : vector<16xi32>
      %gather3A_389 = tpu.vector_load_idx %arg14[%add3A_178, %add3A_388] : memref<256x128xf32, #tpu.memory_space<vmem>>[vector<16xi32>, vector<16xi32>], vector<16xf32>,
      %mul3A_390 = arith.mulf %gather3A_385, %gather3A_389 : vector<16xf32>
      %add3A_391 = arith.addf %add3A_381, %mul3A_390 : vector<16xf32>
      %add3A_392 = arith.constant 21 : i32
      %add3A_393 = vector.broadcast %add3A_392 : i32 to vector<16xi32>
      %add3A_394 = arith.addi %get3A_179, %add3A_393 : vector<16xi32>
      %gather3A_395 = tpu.vector_load_idx %arg13[%add3A_178, %add3A_394] : memref<256x128xf32, #tpu.memory_space<vmem>>[vector<16xi32>, vector<16xi32>], vector<16xf32>,
      %add3A_396 = arith.constant 21 : i32
      %add3A_397 = vector.broadcast %add3A_396 : i32 to vector<16xi32>
      %add3A_398 = arith.addi %get3A_181, %add3A_397 : vector<16xi32>
      %gather3A_399 = tpu.vector_load_idx %arg14[%add3A_178, %add3A_398] : memref<256x128xf32, #tpu.memory_space<vmem>>[vector<16xi32>, vector<16xi32>], vector<16xf32>,
      %mul3A_400 = arith.mulf %gather3A_395, %gather3A_399 : vector<16xf32>
      %add3A_401 = arith.addf %add3A_391, %mul3A_400 : vector<16xf32>
      %add3A_402 = arith.constant 22 : i32
      %add3A_403 = vector.broadcast %add3A_402 : i32 to vector<16xi32>
      %add3A_404 = arith.addi %get3A_179, %add3A_403 : vector<16xi32>
      %gather3A_405 = tpu.vector_load_idx %arg13[%add3A_178, %add3A_404] : memref<256x128xf32, #tpu.memory_space<vmem>>[vector<16xi32>, vector<16xi32>], vector<16xf32>,
      %add3A_406 = arith.constant 22 : i32
      %add3A_407 = vector.broadcast %add3A_406 : i32 to vector<16xi32>
      %add3A_408 = arith.addi %get3A_181, %add3A_407 : vector<16xi32>
      %gather3A_409 = tpu.vector_load_idx %arg14[%add3A_178, %add3A_408] : memref<256x128xf32, #tpu.memory_space<vmem>>[vector<16xi32>, vector<16xi32>], vector<16xf32>,
      %mul3A_410 = arith.mulf %gather3A_405, %gather3A_409 : vector<16xf32>
      %add3A_411 = arith.addf %add3A_401, %mul3A_410 : vector<16xf32>
      %add3A_412 = arith.constant 23 : i32
      %add3A_413 = vector.broadcast %add3A_412 : i32 to vector<16xi32>
      %add3A_414 = arith.addi %get3A_179, %add3A_413 : vector<16xi32>
      %gather3A_415 = tpu.vector_load_idx %arg13[%add3A_178, %add3A_414] : memref<256x128xf32, #tpu.memory_space<vmem>>[vector<16xi32>, vector<16xi32>], vector<16xf32>,
      %add3A_416 = arith.constant 23 : i32
      %add3A_417 = vector.broadcast %add3A_416 : i32 to vector<16xi32>
      %add3A_418 = arith.addi %get3A_181, %add3A_417 : vector<16xi32>
      %gather3A_419 = tpu.vector_load_idx %arg14[%add3A_178, %add3A_418] : memref<256x128xf32, #tpu.memory_space<vmem>>[vector<16xi32>, vector<16xi32>], vector<16xf32>,
      %mul3A_420 = arith.mulf %gather3A_415, %gather3A_419 : vector<16xf32>
      %add3A_421 = arith.addf %add3A_411, %mul3A_420 : vector<16xf32>
      %add3A_422 = arith.constant 24 : i32
      %add3A_423 = vector.broadcast %add3A_422 : i32 to vector<16xi32>
      %add3A_424 = arith.addi %get3A_179, %add3A_423 : vector<16xi32>
      %gather3A_425 = tpu.vector_load_idx %arg13[%add3A_178, %add3A_424] : memref<256x128xf32, #tpu.memory_space<vmem>>[vector<16xi32>, vector<16xi32>], vector<16xf32>,
      %add3A_426 = arith.constant 24 : i32
      %add3A_427 = vector.broadcast %add3A_426 : i32 to vector<16xi32>
      %add3A_428 = arith.addi %get3A_181, %add3A_427 : vector<16xi32>
      %gather3A_429 = tpu.vector_load_idx %arg14[%add3A_178, %add3A_428] : memref<256x128xf32, #tpu.memory_space<vmem>>[vector<16xi32>, vector<16xi32>], vector<16xf32>,
      %mul3A_430 = arith.mulf %gather3A_425, %gather3A_429 : vector<16xf32>
      %add3A_431 = arith.addf %add3A_421, %mul3A_430 : vector<16xf32>
      %add3A_432 = arith.constant 25 : i32
      %add3A_433 = vector.broadcast %add3A_432 : i32 to vector<16xi32>
      %add3A_434 = arith.addi %get3A_179, %add3A_433 : vector<16xi32>
      %gather3A_435 = tpu.vector_load_idx %arg13[%add3A_178, %add3A_434] : memref<256x128xf32, #tpu.memory_space<vmem>>[vector<16xi32>, vector<16xi32>], vector<16xf32>,
      %add3A_436 = arith.constant 25 : i32
      %add3A_437 = vector.broadcast %add3A_436 : i32 to vector<16xi32>
      %add3A_438 = arith.addi %get3A_181, %add3A_437 : vector<16xi32>
      %gather3A_439 = tpu.vector_load_idx %arg14[%add3A_178, %add3A_438] : memref<256x128xf32, #tpu.memory_space<vmem>>[vector<16xi32>, vector<16xi32>], vector<16xf32>,
      %mul3A_440 = arith.mulf %gather3A_435, %gather3A_439 : vector<16xf32>
      %add3A_441 = arith.addf %add3A_431, %mul3A_440 : vector<16xf32>
      %add3A_442 = arith.constant 26 : i32
      %add3A_443 = vector.broadcast %add3A_442 : i32 to vector<16xi32>
      %add3A_444 = arith.addi %get3A_179, %add3A_443 : vector<16xi32>
      %gather3A_445 = tpu.vector_load_idx %arg13[%add3A_178, %add3A_444] : memref<256x128xf32, #tpu.memory_space<vmem>>[vector<16xi32>, vector<16xi32>], vector<16xf32>,
      %add3A_446 = arith.constant 26 : i32
      %add3A_447 = vector.broadcast %add3A_446 : i32 to vector<16xi32>
      %add3A_448 = arith.addi %get3A_181, %add3A_447 : vector<16xi32>
      %gather3A_449 = tpu.vector_load_idx %arg14[%add3A_178, %add3A_448] : memref<256x128xf32, #tpu.memory_space<vmem>>[vector<16xi32>, vector<16xi32>], vector<16xf32>,
      %mul3A_450 = arith.mulf %gather3A_445, %gather3A_449 : vector<16xf32>
      %add3A_451 = arith.addf %add3A_441, %mul3A_450 : vector<16xf32>
      %add3A_452 = arith.constant 27 : i32
      %add3A_453 = vector.broadcast %add3A_452 : i32 to vector<16xi32>
      %add3A_454 = arith.addi %get3A_179, %add3A_453 : vector<16xi32>
      %gather3A_455 = tpu.vector_load_idx %arg13[%add3A_178, %add3A_454] : memref<256x128xf32, #tpu.memory_space<vmem>>[vector<16xi32>, vector<16xi32>], vector<16xf32>,
      %add3A_456 = arith.constant 27 : i32
      %add3A_457 = vector.broadcast %add3A_456 : i32 to vector<16xi32>
      %add3A_458 = arith.addi %get3A_181, %add3A_457 : vector<16xi32>
      %gather3A_459 = tpu.vector_load_idx %arg14[%add3A_178, %add3A_458] : memref<256x128xf32, #tpu.memory_space<vmem>>[vector<16xi32>, vector<16xi32>], vector<16xf32>,
      %mul3A_460 = arith.mulf %gather3A_455, %gather3A_459 : vector<16xf32>
      %add3A_461 = arith.addf %add3A_451, %mul3A_460 : vector<16xf32>
      %add3A_462 = arith.constant 28 : i32
      %add3A_463 = vector.broadcast %add3A_462 : i32 to vector<16xi32>
      %add3A_464 = arith.addi %get3A_179, %add3A_463 : vector<16xi32>
      %gather3A_465 = tpu.vector_load_idx %arg13[%add3A_178, %add3A_464] : memref<256x128xf32, #tpu.memory_space<vmem>>[vector<16xi32>, vector<16xi32>], vector<16xf32>,
      %add3A_466 = arith.constant 28 : i32
      %add3A_467 = vector.broadcast %add3A_466 : i32 to vector<16xi32>
      %add3A_468 = arith.addi %get3A_181, %add3A_467 : vector<16xi32>
      %gather3A_469 = tpu.vector_load_idx %arg14[%add3A_178, %add3A_468] : memref<256x128xf32, #tpu.memory_space<vmem>>[vector<16xi32>, vector<16xi32>], vector<16xf32>,
      %mul3A_470 = arith.mulf %gather3A_465, %gather3A_469 : vector<16xf32>
      %add3A_471 = arith.addf %add3A_461, %mul3A_470 : vector<16xf32>
      %add3A_472 = arith.constant 29 : i32
      %add3A_473 = vector.broadcast %add3A_472 : i32 to vector<16xi32>
      %add3A_474 = arith.addi %get3A_179, %add3A_473 : vector<16xi32>
      %gather3A_475 = tpu.vector_load_idx %arg13[%add3A_178, %add3A_474] : memref<256x128xf32, #tpu.memory_space<vmem>>[vector<16xi32>, vector<16xi32>], vector<16xf32>,
      %add3A_476 = arith.constant 29 : i32
      %add3A_477 = vector.broadcast %add3A_476 : i32 to vector<16xi32>
      %add3A_478 = arith.addi %get3A_181, %add3A_477 : vector<16xi32>
      %gather3A_479 = tpu.vector_load_idx %arg14[%add3A_178, %add3A_478] : memref<256x128xf32, #tpu.memory_space<vmem>>[vector<16xi32>, vector<16xi32>], vector<16xf32>,
      %mul3A_480 = arith.mulf %gather3A_475, %gather3A_479 : vector<16xf32>
      %add3A_481 = arith.addf %add3A_471, %mul3A_480 : vector<16xf32>
      %add3A_482 = arith.constant 30 : i32
      %add3A_483 = vector.broadcast %add3A_482 : i32 to vector<16xi32>
      %add3A_484 = arith.addi %get3A_179, %add3A_483 : vector<16xi32>
      %gather3A_485 = tpu.vector_load_idx %arg13[%add3A_178, %add3A_484] : memref<256x128xf32, #tpu.memory_space<vmem>>[vector<16xi32>, vector<16xi32>], vector<16xf32>,
      %add3A_486 = arith.constant 30 : i32
      %add3A_487 = vector.broadcast %add3A_486 : i32 to vector<16xi32>
      %add3A_488 = arith.addi %get3A_181, %add3A_487 : vector<16xi32>
      %gather3A_489 = tpu.vector_load_idx %arg14[%add3A_178, %add3A_488] : memref<256x128xf32, #tpu.memory_space<vmem>>[vector<16xi32>, vector<16xi32>], vector<16xf32>,
      %mul3A_490 = arith.mulf %gather3A_485, %gather3A_489 : vector<16xf32>
      %add3A_491 = arith.addf %add3A_481, %mul3A_490 : vector<16xf32>
      %add3A_492 = arith.constant 31 : i32
      %add3A_493 = vector.broadcast %add3A_492 : i32 to vector<16xi32>
      %add3A_494 = arith.addi %get3A_179, %add3A_493 : vector<16xi32>
      %gather3A_495 = tpu.vector_load_idx %arg13[%add3A_178, %add3A_494] : memref<256x128xf32, #tpu.memory_space<vmem>>[vector<16xi32>, vector<16xi32>], vector<16xf32>,
      %add3A_496 = arith.constant 31 : i32
      %add3A_497 = vector.broadcast %add3A_496 : i32 to vector<16xi32>
      %add3A_498 = arith.addi %get3A_181, %add3A_497 : vector<16xi32>
      %gather3A_499 = tpu.vector_load_idx %arg14[%add3A_178, %add3A_498] : memref<256x128xf32, #tpu.memory_space<vmem>>[vector<16xi32>, vector<16xi32>], vector<16xf32>,
      %mul3A_500 = arith.mulf %gather3A_495, %gather3A_499 : vector<16xf32>
      %add3A_501 = arith.addf %add3A_491, %mul3A_500 : vector<16xf32>
      %neg3A = arith.constant 0.000000e+00 : f32
      %neg3A_502 = vector.broadcast %neg3A : f32 to vector<16xf32>
      %neg3A_503 = arith.subf %neg3A_502, %add3A_501 : vector<16xf32>
      %exp3A = math.exp %neg3A_503 : vector<16xf32>
      %add3A_504 = arith.constant 1.000000e+00 : f32
      %add3A_505 = vector.broadcast %add3A_504 : f32 to vector<16xf32>
      %add3A_506 = arith.addf %add3A_505, %exp3A : vector<16xf32>
      %div3A = arith.constant 1.000000e+00 : f32
      %div3A_507 = vector.broadcast %div3A : f32 to vector<16xf32>
      %div3A_508 = arith.divf %div3A_507, %add3A_506 : vector<16xf32>
      %swap3A = arith.index_cast %add3A_174 : i32 to index
      %swap3A_509 = tpu.vector_load %arg15[%swap3A] {strides = array<i32>} : memref<512xf32, #tpu.memory_space<vmem>>, vector<16xf32>,
      tpu.vector_store %arg15[%swap3A], %div3A_508 {strides = array<i32>} : memref<512xf32, #tpu.memory_space<vmem>>, vector<16xf32>,
    }
    %scan3A_169 = arith.constant 16 : i32
    "tpu.region"() ({
      %run_scoped3A = tpu.sem_alloc : memref<!tpu.dma_semaphore, #tpu.memory_space<semaphore_mem>>
      %dma_start3A_170 = arith.constant 0 : i32
      %dma_start3A_171 = tpu.memref_slice %arg8[%add3A, %dma_start3A_170] : memref<32x512xf32, #tpu.memory_space<hbm>> -> memref<1x512xf32, #tpu.memory_space<hbm>>
      %dma_start3A_172 = tpu.memref_squeeze %dma_start3A_171 : memref<1x512xf32, #tpu.memory_space<hbm>> -> memref<512xf32, #tpu.memory_space<hbm>>
      %dma_start3A_173 = arith.constant 0 : i32
      %dma_start3A_174 = tpu.memref_slice %arg8[%add3A, %dma_start3A_173] : memref<32x512xf32, #tpu.memory_space<hbm>> -> memref<1x512xf32, #tpu.memory_space<hbm>>
      %dma_start3A_175 = tpu.memref_squeeze %dma_start3A_174 : memref<1x512xf32, #tpu.memory_space<hbm>> -> memref<512xf32, #tpu.memory_space<hbm>>
      tpu.enqueue_dma source(%arg15 : memref<512xf32, #tpu.memory_space<vmem>>) target(%dma_start3A_175 : memref<512xf32, #tpu.memory_space<hbm>>) target_semaphore(%run_scoped3A : memref<!tpu.dma_semaphore, #tpu.memory_space<semaphore_mem>>)
      %dma_wait3A_176 = arith.constant 0 : i32
      %dma_wait3A_177 = tpu.memref_slice %arg8[%add3A, %dma_wait3A_176] : memref<32x512xf32, #tpu.memory_space<hbm>> -> memref<1x512xf32, #tpu.memory_space<hbm>>
      %dma_wait3A_178 = tpu.memref_squeeze %dma_wait3A_177 : memref<1x512xf32, #tpu.memory_space<hbm>> -> memref<512xf32, #tpu.memory_space<hbm>>
      %dma_wait3A_179 = arith.constant 0 : i32
      %dma_wait3A_180 = tpu.memref_slice %arg8[%add3A, %dma_wait3A_179] : memref<32x512xf32, #tpu.memory_space<hbm>> -> memref<1x512xf32, #tpu.memory_space<hbm>>
      %dma_wait3A_181 = tpu.memref_squeeze %dma_wait3A_180 : memref<1x512xf32, #tpu.memory_space<hbm>> -> memref<512xf32, #tpu.memory_space<hbm>>
      tpu.wait_dma2 semaphore(%run_scoped3A : memref<!tpu.dma_semaphore, #tpu.memory_space<semaphore_mem>>) src(%arg15 : memref<512xf32, #tpu.memory_space<vmem>>) dst(%dma_wait3A_181 : memref<512xf32, #tpu.memory_space<hbm>>)
      tpu.yield
    }) : () -> ()
    return
  }
}

</mosaic_0001>

<sc_bundles>
// kernel: _run.3.cloned.1.call-start
scs
__scs_entry_jumppad:
0x0: {  	(pc) =	sbr.rel $0x88, $3  }
0x1: {  	(tag) =	ssettag $0x0;
	lr =	simm.s32 $0x1  }
0x2: {  	[smem:$0x3F9B] =	sst lr;
	_ =	strace $0xD0000000  }
0x3: {  	_ = 	snop  }
0x4: {  	_ = 	snop  }
0x5: {  	_ = 	snop  }
0x6: {  	_ = 	snop  }
0x7: {  	_ = 	snop  }
__scs_overlays_trampoline_lowered:
0x8: {  	[smem:$0x3FAA] =	sst s0  }
0x9: {  	[smem:$0x3FAB] =	sst s1  }
0xa: {  	[smem:$0x3FAC] =	sst s2  }
0xb: {  	[smem:$0x3FAD] =	sst s3  }
0xc: {  	[smem:$0x3FAE] =	sst s4  }
0xd: {  	[smem:$0x3FAF] =	sst s5  }
0xe: {  	[smem:$0x3FB0] =	sst s6  }
0xf: {  	[smem:$0x3FB1] =	sst s7  }
0x10: {  	[smem:$0x3FB2] =	sst s8  }
0x11: {  	[smem:$0x3FB3] =	sst s9;
	s0 =	simm.s32 @!p0 $0x0  }
0x12: {  	s1 =	sld [smem:$0x3F99];
	s0 =	simm.s32 @p0 $0x1  }
0x13: {  	[smem:$0x3FB4] =	sst s0;
	s0 =	simm.s32 @!p1 $0x0  }
0x14: {  	s2 =	sld [smem:$0x3F98];
	s0 =	simm.s32 @p1 $0x1  }
0x15: {  	[smem:$0x3FB5] =	sst s0;
	s0 =	simm.s32 @!p2 $0x0  }
0x16: {  	s3 =	sld [smem:$0x3FDB];
	s0 =	simm.s32 @p2 $0x1  }
0x17: {  	s4 =	simm.s32 $0x1BF5;
	[smem:$0x3FB7] =	sst s0  }
0x18: {  	s0 =	sld [smem:$0x3F9A];
	_ =	swait.ge [sflag:s4], $0x0  }
0x19: {  	s7 =	sld [smem:$0x3F9B]  }
0x1a: {  	s8 =	sadd.s32 $0xFFFFE003, lr  }
0x1b: {  	s9 =	sadd.s32 $0xFFFFFEF7, lr;
	s5 =	simm.s32 $0xFFFFFFFF;
	p2 =	slt.u32 s8, $0xFFFFF086  }
0x1c: {  	p1 =	slt.u32 s9, $0xF7A;
	s5 =	simm.s32 @!p2 $0x0  }
0x1d: {  	s5 =	simm.s32 @p1 $0x1;
	p0 =	seq.s32 s7, s2  }
0x1e: {  	s7 =	smul.u32 @!p0 $0xF7A, s2;
	p2 =	seq.s32 @!p0 s5, $0x0  }
0x1f: {  	s9 =	smul.u32 $0xF7A, s1;
	s8 =	simm.s32 @!p0 $0x1BF5;
	p2 =	por !p2, p0  }
0x20: {  	[sflag:s8] =	ssyncset.s32 @!p0 $0xFFFFF086;
	s6 =	sadd.s32 @!p0 s3, s7;
	s7 =	simm.s32 @!p0 $0x108  }
0x21: {  	s3 =	sadd.s32 s3, s9;
	s6 =	sadd.s32 @!p0 $0x88, s6;
	s7 =	simm.s32 @p2 $0x1082  }
0x22: {  	[simem:s7], [sflag:s8] =	dma.local @!p0 [hbm:s6], $0xF7A  }
0x23: {  	s9 =	sor.u32 $0xD0000000, s2;
	s6 =	simm.s32 $0x108;
	_ =	swait.ge @!p0 [sflag:s8], $0x0  }
0x24: {  	s3 =	sadd.s32 $0x88, s3;
	s6 =	simm.s32 @!p1 $0x1082;
	[sflag:s4] =	ssyncset.s32 $0xFFFFF086  }
0x25: {  	[simem:s6], [sflag:s4] =	dma.local [hbm:s3], $0xF7A  }
0x26: {  	[smem:$0x3F9B] =	sst s1;
	(tag) =	ssettag s2;
	_ =	strace s9  }
0x27: {  	s1 =	sld [smem:$0x3FAB]  }
0x28: {  	s2 =	sld [smem:$0x3FAC]  }
0x29: {  	s4 =	sld [smem:$0x3FAE]  }
0x2a: {  	p0 =	seq.s32 s5, $0x0;
	s5 =	sld [smem:$0x3FAF]  }
0x2b: {  	s6 =	sld [smem:$0x3FB0]  }
0x2c: {  	s7 =	sld [smem:$0x3FB1]  }
0x2d: {  	s3 =	simm.s32 $0x108;
	s8 =	sld [smem:$0x3FB2]  }
0x2e: {  	s3 =	simm.s32 @!p0 $0x1082;
	s9 =	sld [smem:$0x3FB3]  }
0x2f: {  	lr =	sadd.s32 s0, s3;
	s0 =	sld [smem:$0x3FAA]  }
0x30: {  	s3 =	sld [smem:$0x3FAD]  }
0x31: {  	[smem:$0x3FB6] =	sst s10  }
0x32: {  	s10 =	sld [smem:$0x3FB4];
	_ =	sdelay $0x3  }
0x33: {  	p0 =	seq.s32 s10, $0x1;
	s10 =	sld [smem:$0x3FB6];
	_ =	sdelay $0x3  }
0x34: {  	[smem:$0x3FB6] =	sst s10  }
0x35: {  	s10 =	sld [smem:$0x3FB5];
	_ =	sdelay $0x3  }
0x36: {  	p1 =	seq.s32 s10, $0x1;
	s10 =	sld [smem:$0x3FB6];
	_ =	sdelay $0x3  }
0x37: {  	[smem:$0x3FB6] =	sst s10  }
0x38: {  	s10 =	sld [smem:$0x3FB7]  }
0x39: {  	_ = 	snop;
	(pc) =	sbr.ind lr, $3  }
0x3a: {  	_ = 	snop  }
0x3b: {  	_ = 	snop  }
0x3c: {  	p2 =	seq.s32 s10, $0x1;
	s10 =	sld [smem:$0x3FB6]  }
0x3d: {  	_ =	shalt  }
0x3e: {  	_ =	shalt  }
0x3f: {  	_ =	shalt  }
0x40: {  	_ =	shalt  }
0x41: {  	_ =	shalt  }
0x42: {  	_ =	shalt  }
0x43: {  	_ =	shalt  }
0x44: {  	_ =	shalt  }
0x45: {  	_ =	shalt  }
0x46: {  	_ =	shalt  }
0x47: {  	_ =	shalt  }
0x48: {  	_ =	shalt  }
0x49: {  	_ =	shalt  }
0x4a: {  	_ =	shalt  }
0x4b: {  	_ =	shalt  }
0x4c: {  	_ =	shalt  }
0x4d: {  	_ =	shalt  }
0x4e: {  	_ =	shalt  }
0x4f: {  	_ =	shalt  }
0x50: {  	_ =	shalt  }
0x51: {  	_ =	shalt  }
0x52: {  	_ =	shalt  }
0x53: {  	_ =	shalt  }
0x54: {  	_ =	shalt  }
0x55: {  	_ =	shalt  }
0x56: {  	_ =	shalt  }
0x57: {  	_ =	shalt  }
0x58: {  	_ =	shalt  }
0x59: {  	_ =	shalt  }
0x5a: {  	_ =	shalt  }
0x5b: {  	_ =	shalt  }
0x5c: {  	_ =	shalt  }
0x5d: {  	_ =	shalt  }
0x5e: {  	_ =	shalt  }
0x5f: {  	_ =	shalt  }
0x60: {  	_ =	shalt  }
0x61: {  	_ =	shalt  }
0x62: {  	_ =	shalt  }
0x63: {  	_ =	shalt  }
0x64: {  	_ =	shalt  }
0x65: {  	_ =	shalt  }
0x66: {  	_ =	shalt  }
0x67: {  	_ =	shalt  }
0x68: {  	_ =	shalt  }
0x69: {  	_ =	shalt  }
0x6a: {  	_ =	shalt  }
0x6b: {  	_ =	shalt  }
0x6c: {  	_ =	shalt  }
0x6d: {  	_ =	shalt  }
0x6e: {  	_ =	shalt  }
0x6f: {  	_ =	shalt  }
0x70: {  	_ =	shalt  }
0x71: {  	_ =	shalt  }
0x72: {  	_ =	shalt  }
0x73: {  	_ =	shalt  }
0x74: {  	_ =	shalt  }
0x75: {  	_ =	shalt  }
0x76: {  	_ =	shalt  }
0x77: {  	_ =	shalt  }
0x78: {  	_ =	shalt  }
0x79: {  	_ =	shalt  }
0x7a: {  	_ =	shalt  }
0x7b: {  	_ =	shalt  }
0x7c: {  	_ =	shalt  }
0x7d: {  	_ =	shalt  }
0x7e: {  	_ =	shalt  }
0x7f: {  	_ =	shalt  }
0x80: {  	_ =	shalt  }
0x81: {  	_ =	shalt  }
0x82: {  	_ =	shalt  }
0x83: {  	_ =	shalt  }
0x84: {  	_ =	shalt  }
0x85: {  	_ =	shalt  }
0x86: {  	_ =	shalt  }
0x87: {  	_ =	shalt  }
.Lfunc_end0:
.L_simem_size_0:
called_computation_lowered:
.L_overlay_start_0:
0x88: {  	s2 =	sld [smem:$0x3FD9]  }
0x89: {  	s3 =	sld [smem:$0x3FFE];
	_ =	sdelay $0x1  }
0x8a: {  	s1 =	srdreg.scid  }
0x8b: {  	s0 =	sand.u32 $0x1, s1  }
0x8c: {  	s17 =	sshll.u32 s0, $0xA;
	s2 =	sadd.s32 s3, s2  }
0x8d: {  	s2 =	sadd.s32 s2, s17  }
0x8e: {  	[smem:$0x3FC2] =	sst s2  }
0x8f: {  	_ = 	snop  }
0x90: {  	s2 =	sld [smem:$0x3FC9]  }
0x91: {  	s18 =	sld [smem:$0x3FC8]  }
0x92: {  	s4 =	sld [smem:$0x3FC5]  }
0x93: {  	s5 =	sld [smem:$0x3FC4]  }
0x94: {  	s6 =	sld [smem:$0x3FD0];
	(tm) =	ssettm $0x1  }
0x95: {  	s7 =	sld [smem:$0x3FFB];
	_ =	sdelay $0x3  }
0x96: {  	_ =	strace s7  }
0x97: {  	s7 =	sld [smem:$0x3FFC];
	_ =	sdelay $0x3  }
0x98: {  	_ =	strace s7  }
0x99: {  	s7 =	sld [smem:$0x3FFD];
	_ =	sdelay $0x3  }
0x9a: {  	_ =	strace s7  }
0x9b: {  	_ =	strace $0x8FFFFFFF  }
0x9c: {  	s19 =	sld [smem:$0x3FDB];
	_ =	sdelay $0x1  }
0x9d: {  	s8 =	simm.s32 $_scs_section_size  }
0x9e: {  	s9 =	simm.s32 $_size__tile_overlayer_lowered;
	s10 =	simm.s32 $_tile_overlayer_lowered  }
0x9f: {  	s22 =	simm.s32 $0x1BFF;
	s21 =	sshll.u32 s10, $0x1;
	s7 =	sadd.s32 s8, s19  }
0xa0: {  	s11 =	simm.s32 $0x0;
	s20 =	sshll.u32 s9, $0x1;
	s9 =	sadd.s32 s21, s7  }
0xa1: {  	[timem:s11], [sflag:s22] =	dma.local [hbm:s9], s20  }
0xa2: {  	_ =	swait.ge [sflag:s22], s20  }
0xa3: {  	s8 =	ssub.s32 $0x0, s20;
	[sflag:s22] =	ssyncset.done $0x0  }
0xa4: {  	[sflag:s22] =	ssyncadd.s32 s8;
	_ =	sdelay $0x1  }
0xa5: {  	s23 =	simm.s32 $0x1B8B  }
0xa6: {  	_ =	swait.ge [sflag:s23], $0x1  }
0xa7: {  	[sflag:s23] =	ssyncset.done $0x0  }
0xa8: {  	s25 =	simm.s32 $0x1B8E;
	s24 =	sld [smem:$0x3FFE];
	[sflag:s23] =	ssyncadd.s32 $0xFFFFFFFF  }
0xa9: {  	s26 =	simm.s32 $execute0_lowered;
	[smem:$0x3FD2] =	sst s25  }
0xaa: {  	s9 =	sshll.u32 s26, $0x1;
	_ =	strace $0x80000046;
	[dreg:$0x1] =	wrdreg $0xFFFFFFFF  }
0xab: {  	s28 =	simm.s32 $_size_execute0_lowered;
	s7 =	sadd.s32 s7, s9;
	[dreg:$0x0] =	wrdreg $0x0  }
0xac: {  	s9 =	sshll.u32 s28, $0x1;
	[dreg:$0x2] =	wrdreg s7  }
0xad: {  	[dreg:$0x3] =	wrdreg s9  }
0xae: {  	[dreg:$0x4] =	wrdreg $0xC0  }
0xaf: {  	_ =	task [dreg:s11], $0x5FFFF  }
0xb0: {  	[dreg:$0x1] =	wrdreg $0xFFFFFFFF  }
0xb1: {  	[dreg:$0x0] =	wrdreg $0x60  }
0xb2: {  	[dreg:$0x2] =	wrdreg s2  }
0xb3: {  	[dreg:$0x3] =	wrdreg s18  }
0xb4: {  	[dreg:$0x4] =	wrdreg s6  }
0xb5: {  	[dreg:$0x5] =	wrdreg s24  }
0xb6: {  	[dreg:$0x6] =	wrdreg s4  }
0xb7: {  	[dreg:$0x7] =	wrdreg s5  }
0xb8: {  	[dreg:$0x8] =	wrdreg $0x9  }
0xb9: {  	_ =	task.clear_ibuf [dreg:s11], $0x9FFFF;
	_ =	strace $0x90000046  }
0xba: {  	s29 =	simm.s32 $0x9;
	_ =	strace $0x80000048  }
0xbb: {  	_ =	swait.ge [sflag:s29], $0x1  }
0xbc: {  	[sflag:s29] =	ssyncadd.s32 $0xFFFFFFFF  }
0xbd: {  	_ =	strace $0x90000048  }
0xbe: {  	_ =	sfence  }
0xbf: {  	s30 =	sld [smem:$0x0];
	_ =	sdelay $0x2  }
0xc0: {  	s31 =	sshll.u32 s1, $0xD;
	s1 =	sshrl.u32 s1, $0x2  }
0xc1: {  	s3 =	sand.u32 $0x4000, s31;
	s1 =	sadd.s32 s1, s30  }
0xc2: {  	s0 =	sor.u32 s3, s0;
	s1 =	sshll.u32 s1, $0x11  }
0xc3: {  	s0 =	sor.u32 s1, s0  }
0xc4: {  	s0 =	sadd.s32 $0x8F2B, s0  }
0xc5: {  	[sflag:s0] =	ssyncadd.remote.s32 $0x1  }
0xc6: {  	_ =	sfence.sel $0xFFFF  }
0xc7: {  	[dreg:$0x0] =	wrdreg $0xFFFFFFFF;
	(pc) =	sbr.abs _section_cstart, $3  }
0xc8: {  	[dreg:$0x1] =	wrdreg $0xFFFFFFFF  }
0xc9: {  	_ =	task.clear_ibuf [dreg:s11], $0x2FFFF;
	_ =	strace $0x9FFFFFFF  }
0xca: {  	(tm) =	ssettm $0x7FFFFFFF  }
0xcb: {  	_ =	shalt  }
tec
execute0_lowered:
.L_overlay_start_1:
0x0: {  	(tag) =	ssettag $0x1  }
0x1: {  	s5 =	rddreg [dreg:$0x0]  }
0x2: {  	s6 =	rddreg [dreg:$0x1]  }
0x3: {  	s7 =	rddreg [dreg:$0x2]  }
0x4: {  	s8 =	rddreg [dreg:$0x3]  }
0x5: {  	s1 =	rddreg [dreg:$0x4]  }
0x6: {  	s3 =	rddreg [dreg:$0x5]  }
0x7: {  	s0 =	rddreg [dreg:$0x6];
	s9 =	srdreg.scid  }
0x8: {  	s4 =	simm.s32 $0x0;
	s2 =	stileid.u32;
	s13 =	simm.s32 $0x80  }
0x9: {  	s14 =	simm.s32 $0x800;
	s15 =	simm.s32 $0x8800;
	s16 =	simm.s32 $0x4800  }
0xa: {  	s17 =	simm.s32 $0x280;
	s18 =	simm.s32 $0xC800;
	s19 =	simm.s32 $0x1  }
0xb: {  	s20 =	simm.s32 $0x100;
	s21 =	simm.s32 $0x300;
	s22 =	simm.s32 $0x180  }
0xc: {  	s23 =	simm.s32 $0x380;
	s24 =	simm.s32 $0x10800;
	s9 =	sand.u32 $0x1, s9  }
0xd: {  	s25 =	simm.s32 $0x0;
	s10 =	sshll.u32 s2, $0x7;
	s11 =	sshll.u32 s9, $0x6  }
0xe: {  	[smem:$0x7FF] =	sst s4;
	s9 =	ssub.s32 $0x2, s9;
	s10 =	sor.u32 s11, s10  }
0xf: {  	v0 =	vlaneseq.u32;
	_ =	strace $0x80000047;
	s31 =	sshrl.u32 s9, $0x1;
	s12 =	sadd.s32 s10, s8  }
0x10: {  	v0 =	vmul.u32 $0x80, v0;
	s11 =	ssub.s32 s9, s31;
	s5 =	sadd.s32 s5, s10;
	s6 =	sadd.s32 s6, s10  }
0x11: {  	s7 =	sadd.s32 s7, s10;
	s8 =	sadd.s32 $0x400, s12;
	s9 =	sadd.s32 $0xC00, s12  }
0x12: {  	[tilespmem:$0x1FFF0] =	vst v0;
	s10 =	smax.u32 s11, $0x1;
	s11 =	simm.s32 $0x2;
	s12 =	simm.s32 $0x200  }
.LBB2_1:
0x13: {  	[tilespmem:s4], [sflag:$0x2] =	stream.linear.gather [hbm4b:s5+s4], $0x200, $0x38;
	[tilespmem:$0x10A00] =	vst v63  }
0x14: {  	_ =	swait.ge [sflag:s11], $0x200  }
0x15: {  	[sflag:s11] =	ssyncset.done $0x0  }
0x16: {  	[sflag:s11] =	ssyncadd.s32 $0xFFFFFE00  }
0x17: {  	[tilespmem:s12], [sflag:$0x2] =	stream.linear.gather [hbm4b:s6+s4], $0x200, $0x38;
	[tilespmem:$0x10A00] =	vst v63  }
0x18: {  	_ =	swait.ge [sflag:s11], $0x200  }
0x19: {  	[sflag:s11] =	ssyncset.done $0x0  }
0x1a: {  	s28 =	simm.s32 $0x400;
	[sflag:s11] =	ssyncadd.s32 $0xFFFFFE00  }
0x1b: {  	[tilespmem:s28], [sflag:$0x2] =	stream.linear.gather [hbm4b:s7+s4], $0x200, $0x38;
	[tilespmem:$0x10A00] =	vst v63  }
0x1c: {  	_ =	swait.ge [sflag:s11], $0x200  }
0x1d: {  	[sflag:s11] =	ssyncset.done $0x0  }
0x1e: {  	s26 =	simm.s32 $0x600;
	[sflag:s11] =	ssyncadd.s32 $0xFFFFFE00  }
0x1f: {  	[tilespmem:s26], [sflag:$0x2] =	stream.linear.gather [hbm4b:s8+s4], $0x200, $0x38;
	[tilespmem:$0x10A00] =	vst v63  }
0x20: {  	_ =	swait.ge [sflag:s11], $0x200  }
0x21: {  	[sflag:s11] =	ssyncset.done $0x0  }
0x22: {  	[sflag:s11] =	ssyncadd.s32 $0xFFFFFE00  }
0x23: {  	[tilespmem:s14], [sflag:$0x1] =	stream.indirect.gather [hbm4b:s1+s13], $0x80, s4, s13, $0xb8;
	[tilespmem:$0x10A00] =	vst v63  }
0x24: {  	_ = 	snop  }
0x25: {  	[tilespmem:s15], [sflag:$0x1] =	stream.indirect.gather [hbm4b:s3+s13], $0x80, s12, s13, $0xb8;
	[tilespmem:$0x10A00] =	vst v63  }
0x26: {  	_ = 	snop  }
0x27: {  	[tilespmem:s16], [sflag:$0x1] =	stream.indirect.gather [hbm4b:s1+s13], $0x80, s13, s13, $0xb8;
	[tilespmem:$0x10A00] =	vst v63  }
0x28: {  	_ = 	snop  }
0x29: {  	[tilespmem:s18], [sflag:$0x1] =	stream.indirect.gather [hbm4b:s3+s13], $0x80, s17, s13, $0xb8;
	[tilespmem:$0x10A00] =	vst v63  }
0x2a: {  	_ =	swait.ge [sflag:s19], $0x4000  }
0x2b: {  	[sflag:s19] =	ssyncset.done $0x0  }
0x2c: {  	[sflag:s19] =	ssyncadd.s32 $0xFFFFC000  }
0x2d: {  	_ =	swait.ge [sflag:s19], $0x4000  }
0x2e: {  	[sflag:s19] =	ssyncset.done $0x0  }
0x2f: {  	[sflag:s19] =	ssyncadd.s32 $0xFFFFC000  }
0x30: {  	_ =	swait.ge [sflag:s19], $0x4000  }
0x31: {  	[sflag:s19] =	ssyncset.done $0x0  }
0x32: {  	[sflag:s19] =	ssyncadd.s32 $0xFFFFC000  }
0x33: {  	_ =	swait.ge [sflag:s19], $0x4000  }
0x34: {  	[sflag:s19] =	ssyncset.done $0x0  }
0x35: {  	[sflag:s19] =	ssyncadd.s32 $0xFFFFC000  }
0x36: {  	v2 =	vld [tilespmem:s28+$0x0];
	_ =	sdelay $0x2  }
0x37: {  	v1 =	vmov s4  }
0x38: {  	v1 =	vshll.u32 v1, $0x7  }
0x39: {  	v1 =	vor.u32 v0, v1;
	v3 =	vadd.s32 $0x1E, v2  }
0x3a: {  	v4 =	vadd.s32 $0x1F, v2;
	v5 =	vadd.s32 $0x1B, v2;
	v6 =	vadd.s32 $0x1C, v2  }
0x3b: {  	v7 =	vadd.s32 $0x1D, v2;
	v8 =	vadd.s32 $0x17, v2;
	v9 =	vadd.s32 $0x19, v2  }
0x3c: {  	v10 =	vadd.s32 $0x1A, v2;
	v11 =	vadd.s32 $0x14, v2;
	v12 =	vadd.s32 $0x15, v2  }
0x3d: {  	v13 =	vadd.s32 $0x16, v2;
	v14 =	vadd.s32 $0x11, v2;
	v15 =	vadd.s32 $0x12, v2  }
0x3e: {  	v16 =	vadd.s32 $0x13, v2;
	v17 =	vadd.s32 $0xD, v2;
	v18 =	vadd.s32 $0xE, v2  }
0x3f: {  	v19 =	vadd.s32 $0xF, v2;
	v20 =	vadd.s32 $0xA, v2;
	v21 =	vadd.s32 $0xB, v2  }
0x40: {  	v22 =	vadd.s32 $0xC, v2;
	v23 =	vadd.s32 $0x6, v2;
	v24 =	vadd.s32 $0x7, v2  }
0x41: {  	v25 =	vadd.s32 $0x9, v2;
	v26 =	vadd.s32 $0x3, v2;
	v27 =	vadd.s32 $0x4, v2  }
0x42: {  	v28 =	vadd.s32 $0x5, v2;
	v29 =	vand.u32 $0x7, v2;
	v30 =	vadd.s32 $0x1, v2  }
0x43: {  	v31 =	vadd.s32 $0x2, v2;
	v32 =	vand.u32 $0xFFFFFFF8, v2;
	v33 =	vand.u32 $0xFFFFFFF8, v4  }
0x44: {  	v2 =	vand.u32 $0x7, v4;
	v34 =	vand.u32 $0x7, v7;
	v4 =	vand.u32 $0xFFFFFFF8, v3  }
0x45: {  	v35 =	vand.u32 $0xFFFFFFF8, v6;
	v36 =	vand.u32 $0x7, v6;
	v6 =	vand.u32 $0xFFFFFFF8, v7  }
0x46: {  	v7 =	vand.u32 $0x7, v10;
	v37 =	vand.u32 $0xFFFFFFF8, v5;
	v38 =	vand.u32 $0x7, v5  }
0x47: {  	v39 =	vand.u32 $0xFFFFFFF8, v9;
	v9 =	vand.u32 $0x7, v9;
	v10 =	vand.u32 $0xFFFFFFF8, v10  }
0x48: {  	v40 =	vand.u32 $0x7, v13;
	v41 =	vand.u32 $0xFFFFFFF8, v8;
	v42 =	vand.u32 $0x7, v8  }
0x49: {  	v8 =	vand.u32 $0xFFFFFFF8, v12;
	v43 =	vand.u32 $0x7, v12;
	v12 =	vand.u32 $0xFFFFFFF8, v13  }
0x4a: {  	v13 =	vand.u32 $0x7, v16;
	v44 =	vand.u32 $0xFFFFFFF8, v11;
	v45 =	vand.u32 $0x7, v11  }
0x4b: {  	v11 =	vand.u32 $0xFFFFFFF8, v15;
	v15 =	vand.u32 $0x7, v15;
	v16 =	vand.u32 $0xFFFFFFF8, v16  }
0x4c: {  	v46 =	vand.u32 $0x7, v19;
	v47 =	vand.u32 $0xFFFFFFF8, v14;
	v48 =	vand.u32 $0x7, v14  }
0x4d: {  	v14 =	vand.u32 $0xFFFFFFF8, v18;
	v49 =	vand.u32 $0x7, v18;
	v18 =	vand.u32 $0xFFFFFFF8, v19  }
0x4e: {  	v50 =	vand.u32 $0x7, v22;
	v19 =	vand.u32 $0xFFFFFFF8, v17;
	v17 =	vand.u32 $0x7, v17  }
0x4f: {  	v51 =	vand.u32 $0xFFFFFFF8, v21;
	v52 =	vand.u32 $0x7, v21;
	v21 =	vand.u32 $0xFFFFFFF8, v22  }
0x50: {  	v22 =	vand.u32 $0x7, v25;
	v53 =	vand.u32 $0xFFFFFFF8, v20;
	v54 =	vand.u32 $0x7, v20  }
0x51: {  	v20 =	vand.u32 $0xFFFFFFF8, v24;
	v55 =	vand.u32 $0x7, v24;
	v24 =	vand.u32 $0xFFFFFFF8, v25  }
0x52: {  	v25 =	vand.u32 $0x7, v28;
	v56 =	vand.u32 $0xFFFFFFF8, v23;
	v23 =	vand.u32 $0x7, v23  }
0x53: {  	v57 =	vand.u32 $0xFFFFFFF8, v27;
	v27 =	vand.u32 $0x7, v27;
	v28 =	vand.u32 $0xFFFFFFF8, v28  }
0x54: {  	v58 =	vand.u32 $0x7, v31;
	v59 =	vand.u32 $0xFFFFFFF8, v26;
	v60 =	vand.u32 $0x7, v26  }
0x55: {  	v26 =	vand.u32 $0xFFFFFFF8, v30;
	v30 =	vand.u32 $0x7, v30;
	v31 =	vand.u32 $0xFFFFFFF8, v31  }
0x56: {  	v32 =	vadd.s32 v1, v32;
	v5 =	vadd.s32 v1, v4;
	v4 =	vadd.s32 v1, v33  }
0x57: {  	v33 =	vadd.s32 v1, v37;
	v35 =	vadd.s32 v1, v35;
	v6 =	vadd.s32 v1, v6  }
0x58: {  	v37 =	vadd.s32 v1, v41;
	v39 =	vadd.s32 v1, v39;
	v10 =	vadd.s32 v1, v10  }
0x59: {  	v41 =	vadd.s32 v1, v44;
	v44 =	vadd.s32 v1, v8;
	v61 =	vadd.s32 v1, v12  }
0x5a: {  	v47 =	vadd.s32 v1, v47;
	v62 =	vadd.s32 v1, v11;
	v63 =	vadd.s32 v1, v16  }
0x5b: {  	[tilespmem:$0x1FF60] =	vst v2;
	v2 =	vadd.s32 v1, v19;
	v8 =	vadd.s32 v1, v14;
	v11 =	vadd.s32 v1, v18  }
0x5c: {  	v53 =	vadd.s32 v1, v53;
	v51 =	vadd.s32 v1, v51;
	v12 =	vadd.s32 v1, v21  }
0x5d: {  	v56 =	vadd.s32 v1, v56;
	v14 =	vadd.s32 v1, v20;
	v16 =	vadd.s32 v1, v24  }
0x5e: {  	v59 =	vadd.s32 v1, v59;
	v57 =	vadd.s32 v1, v57;
	v18 =	vadd.s32 v1, v28  }
0x5f: {  	v19 =	vor.u32 v29, v32;
	v20 =	vadd.s32 v1, v26;
	v21 =	vadd.s32 v1, v31  }
0x60: {  	v6 =	vor.u32 v34, v6;
	v10 =	vor.u32 v7, v10;
	v33 =	vor.u32 v38, v33  }
0x61: {  	v7 =	vor.u32 v36, v35;
	v36 =	vor.u32 v42, v37;
	v35 =	vadd.s32 $0x18, v19  }
0x62: {  	v34 =	vor.u32 v9, v39;
	v39 =	vor.u32 v45, v41;
	v38 =	vor.u32 v43, v44  }
0x63: {  	v37 =	vor.u32 v40, v61;
	v24 =	vor.u32 v48, v47;
	v41 =	vor.u32 v15, v62  }
0x64: {  	v40 =	vor.u32 v13, v63;
	v9 =	vld [tilespmem:s26+$0x0];
	v29 =	vor.u32 v49, v8;
	v28 =	vor.u32 v46, v11  }
0x65: {  	v26 =	vadd.s32 $0x10, v19;
	v8 =	vor.u32 v52, v51;
	v32 =	vor.u32 v50, v12  }
0x66: {  	v31 =	vor.u32 v17, v2;
	v2 =	vadd.s32 $0x8, v19;
	v11 =	vor.u32 v22, v16  }
0x67: {  	v12 =	vor.u32 v54, v53;
	v16 =	vor.u32 v25, v18;
	v18 =	vor.u32 v23, v56  }
0x68: {  	v14 =	vor.u32 v55, v14;
	v21 =	vor.u32 v58, v21;
	v42 =	vor.u32 v60, v59  }
0x69: {  	v43 =	vor.u32 v27, v57;
	v20 =	vor.u32 v30, v20;
	v23 =	vadd.s32 $0x17, v9  }
0x6a: {  	v22 =	vand.u32 $0xFFFFFFF8, v9;
	v27 =	vadd.s32 $0x15, v9;
	v25 =	vadd.s32 $0x16, v9  }
0x6b: {  	v30 =	vand.u32 $0x7, v9;
	v56 =	vadd.s32 $0x1, v9;
	v58 =	vadd.s32 $0x2, v9  }
0x6c: {  	v47 =	vadd.s32 $0xF, v9;
	v60 =	vadd.s32 $0x3, v9;
	v22 =	vadd.s32 v1, v22  }
0x6d: {  	v49 =	vadd.s32 $0xE, v9;
	v57 =	vand.u32 $0xFFFFFFF8, v56;
	v22 =	vor.u32 v30, v22  }
0x6e: {  	v62 =	vadd.s32 $0x4, v9;
	v44 =	vand.u32 $0x7, v56;
	v45 =	vadd.s32 v1, v57  }
0x6f: {  	v19 =	vld.idx.msk [tilespmem:v19+s14+$0x0], $0xffff;
	v52 =	vadd.s32 $0xD, v9;
	v59 =	vand.u32 $0xFFFFFFF8, v58;
	v44 =	vor.u32 v44, v45  }
0x70: {  	v20 =	vld.idx.msk [tilespmem:v20+s14+$0x0], $0xffff;
	v54 =	vadd.s32 $0xC, v9;
	v46 =	vand.u32 $0x7, v58;
	v45 =	vadd.s32 v1, v59  }
0x71: {  	v21 =	vld.idx.msk [tilespmem:v21+s14+$0x0], $0xffff;
	v61 =	vand.u32 $0xFFFFFFF8, v60;
	v48 =	vand.u32 $0x7, v60;
	v45 =	vor.u32 v46, v45  }
0x72: {  	v50 =	vand.u32 $0x7, v62;
	v58 =	vadd.s32 $0x5, v9;
	v46 =	vadd.s32 v1, v61;
	v63 =	vld.idx.msk [tilespmem:v22+s15+$0x0], $0xffff  }
0x73: {  	v42 =	vld.idx.msk [tilespmem:v42+s14+$0x0], $0xffff;
	v60 =	vadd.s32 $0x6, v9;
	v57 =	vand.u32 $0xFFFFFFF8, v62;
	v46 =	vor.u32 v48, v46  }
0x74: {  	v55 =	vand.u32 $0xFFFFFFF8, v49;
	v30 =	vadd.s32 $0x14, v9;
	v48 =	vadd.s32 v1, v57;
	v44 =	vld.idx.msk [tilespmem:v44+s15+$0x0], $0xffff  }
0x75: {  	v43 =	vld.idx.msk [tilespmem:v43+s14+$0x0], $0xffff;
	v62 =	vadd.s32 $0x7, v9;
	v59 =	vand.u32 $0xFFFFFFF8, v58;
	v48 =	vor.u32 v50, v48  }
0x76: {  	v53 =	vand.u32 $0x7, v58;
	v58 =	vand.u32 $0x7, v62;
	v50 =	vadd.s32 v1, v59;
	v45 =	vld.idx.msk [tilespmem:v45+s15+$0x0], $0xffff  }
0x77: {  	v16 =	vld.idx.msk [tilespmem:v16+s14+$0x0], $0xffff;
	v61 =	vand.u32 $0xFFFFFFF8, v60;
	v50 =	vor.u32 v53, v50;
	v19 =	vmul.f32 v63, v19  }
0x78: {  	v57 =	vand.u32 $0xFFFFFFF8, v62;
	v53 =	vadd.s32 v1, v61;
	v46 =	vld.idx.msk [tilespmem:v46+s15+$0x0], $0xffff;
	v63 =	vand.u32 $0x7, v60  }
0x79: {  	v18 =	vld.idx.msk [tilespmem:v18+s14+$0x0], $0xffff;
	v51 =	vor.u32 v63, v53;
	v20 =	vmul.f32 v44, v20;
	v19 =	vadd.f32 $0.0e+00, v19  }
0x7a: {  	v59 =	vadd.s32 v1, v57;
	v61 =	vadd.s32 $0x8, v22;
	v48 =	vld.idx.msk [tilespmem:v48+s15+$0x0], $0xffff;
	v60 =	vadd.s32 $0xB, v9  }
0x7b: {  	v14 =	vld.idx.msk [tilespmem:v14+s14+$0x0], $0xffff;
	v44 =	vor.u32 v58, v59;
	v19 =	vadd.f32 v20, v19;
	v20 =	vmul.f32 v45, v21  }
0x7c: {  	v53 =	vadd.s32 $0xA, v9;
	v59 =	vand.u32 $0xFFFFFFF8, v60;
	v21 =	vadd.s32 $0x9, v9;
	v45 =	vld.idx.msk [tilespmem:v50+s15+$0x0], $0xffff  }
0x7d: {  	v2 =	vld.idx.msk [tilespmem:v2+s14+$0x0], $0xffff;
	v62 =	vand.u32 $0xFFFFFFF8, v21;
	v19 =	vadd.f32 v20, v19;
	v20 =	vmul.f32 v46, v42  }
0x7e: {  	v56 =	vand.u32 $0xFFFFFFF8, v53;
	v21 =	vand.u32 $0x7, v21;
	v63 =	vadd.s32 v1, v62;
	v46 =	vld.idx.msk [tilespmem:v51+s15+$0x0], $0xffff  }
0x7f: {  	v61 =	vld.idx.msk [tilespmem:v61+s15+$0x0], $0xffff;
	v21 =	vor.u32 v21, v63;
	v19 =	vadd.f32 v20, v19;
	v20 =	vmul.f32 v48, v43  }
0x80: {  	v60 =	vand.u32 $0x7, v60;
	v57 =	vand.u32 $0x7, v53;
	v42 =	vadd.s32 v1, v56;
	v58 =	vld.idx.msk [tilespmem:v44+s15+$0x0], $0xffff  }
0x81: {  	v42 =	vor.u32 v57, v42;
	v16 =	vmul.f32 v45, v16;
	v19 =	vadd.f32 v20, v19  }
0x82: {  	v53 =	vand.u32 $0xFFFFFFF8, v52;
	v62 =	vand.u32 $0xFFFFFFF8, v54;
	v20 =	vadd.s32 v1, v59  }
0x83: {  	v11 =	vld.idx.msk [tilespmem:v11+s14+$0x0], $0xffff;
	v20 =	vor.u32 v60, v20;
	v18 =	vmul.f32 v46, v18;
	v16 =	vadd.f32 v16, v19  }
0x84: {  	v2 =	vmul.f32 v61, v2;
	v63 =	vand.u32 $0x7, v54;
	v19 =	vadd.s32 v1, v62;
	v21 =	vld.idx.msk [tilespmem:v21+s15+$0x0], $0xffff  }
0x85: {  	v12 =	vld.idx.msk [tilespmem:v12+s14+$0x0], $0xffff;
	v14 =	vmul.f32 v58, v14;
	v19 =	vor.u32 v63, v19;
	v16 =	vadd.f32 v18, v16  }
0x86: {  	v56 =	vand.u32 $0x7, v49;
	v54 =	vand.u32 $0x7, v52;
	v42 =	vld.idx.msk [tilespmem:v42+s15+$0x0], $0xffff;
	v18 =	vadd.s32 v1, v53  }
0x87: {  	v8 =	vld.idx.msk [tilespmem:v8+s14+$0x0], $0xffff;
	v18 =	vor.u32 v54, v18;
	v14 =	vadd.f32 v14, v16;
	v16 =	vadd.s32 v1, v55  }
0x88: {  	v57 =	vand.u32 $0xFFFFFFF8, v47;
	v58 =	vand.u32 $0x7, v47;
	v20 =	vld.idx.msk [tilespmem:v20+s15+$0x0], $0xffff;
	v16 =	vor.u32 v56, v16  }
0x89: {  	v32 =	vld.idx.msk [tilespmem:v32+s14+$0x0], $0xffff;
	v11 =	vmul.f32 v21, v11;
	v2 =	vadd.f32 v2, v14;
	v14 =	vadd.s32 v1, v57  }
0x8a: {  	v59 =	vadd.s32 $0x13, v9;
	v60 =	vadd.s32 $0x10, v22;
	v19 =	vld.idx.msk [tilespmem:v19+s15+$0x0], $0xffff;
	v14 =	vor.u32 v58, v14  }
0x8b: {  	v31 =	vld.idx.msk [tilespmem:v31+s14+$0x0], $0xffff;
	v2 =	vadd.f32 v11, v2;
	v11 =	vmul.f32 v42, v12;
	v12 =	vadd.s32 $0x11, v9  }
0x8c: {  	v21 =	vadd.s32 $0x12, v9;
	v18 =	vld.idx.msk [tilespmem:v18+s15+$0x0], $0xffff;
	v61 =	vand.u32 $0xFFFFFFF8, v12;
	v12 =	vand.u32 $0x7, v12  }
0x8d: {  	v29 =	vld.idx.msk [tilespmem:v29+s14+$0x0], $0xffff;
	v8 =	vmul.f32 v20, v8;
	v2 =	vadd.f32 v11, v2;
	v11 =	vadd.s32 v1, v61  }
0x8e: {  	v20 =	vand.u32 $0x7, v21;
	v16 =	vld.idx.msk [tilespmem:v16+s15+$0x0], $0xffff;
	v11 =	vor.u32 v12, v11;
	v12 =	vand.u32 $0xFFFFFFF8, v21  }
0x8f: {  	v21 =	vld.idx.msk [tilespmem:v28+s14+$0x0], $0xffff;
	v2 =	vadd.f32 v8, v2;
	v8 =	vmul.f32 v19, v32;
	v12 =	vadd.s32 v1, v12  }
0x90: {  	v14 =	vld.idx.msk [tilespmem:v14+s15+$0x0], $0xffff;
	v19 =	vand.u32 $0xFFFFFFF8, v59;
	v12 =	vor.u32 v20, v12;
	v20 =	vand.u32 $0x7, v59  }
0x91: {  	v26 =	vld.idx.msk [tilespmem:v26+s14+$0x0], $0xffff;
	v2 =	vadd.f32 v8, v2;
	v8 =	vmul.f32 v18, v31;
	v18 =	vadd.s32 v1, v19  }
0x92: {  	v28 =	vand.u32 $0x7, v30;
	v19 =	vld.idx.msk [tilespmem:v60+s15+$0x0], $0xffff;
	v18 =	vor.u32 v20, v18;
	v20 =	vand.u32 $0xFFFFFFF8, v30  }
0x93: {  	v24 =	vld.idx.msk [tilespmem:v24+s14+$0x0], $0xffff;
	v2 =	vadd.f32 v8, v2;
	v8 =	vmul.f32 v16, v29;
	v16 =	vadd.s32 v1, v20  }
0x94: {  	v11 =	vld.idx.msk [tilespmem:v11+s15+$0x0], $0xffff;
	v20 =	vand.u32 $0xFFFFFFF8, v27;
	v27 =	vand.u32 $0x7, v27;
	v16 =	vor.u32 v28, v16  }
0x95: {  	v28 =	vld.idx.msk [tilespmem:v41+s14+$0x0], $0xffff;
	v2 =	vadd.f32 v8, v2;
	v8 =	vmul.f32 v14, v21;
	v14 =	vadd.s32 v1, v20  }
0x96: {  	v12 =	vld.idx.msk [tilespmem:v12+s15+$0x0], $0xffff;
	v20 =	vand.u32 $0xFFFFFFF8, v25;
	v21 =	vand.u32 $0x7, v25;
	v14 =	vor.u32 v27, v14  }
0x97: {  	v25 =	vld.idx.msk [tilespmem:v40+s14+$0x0], $0xffff;
	v2 =	vadd.f32 v8, v2;
	v8 =	vmul.f32 v19, v26;
	v19 =	vadd.s32 v1, v20  }
0x98: {  	v18 =	vld.idx.msk [tilespmem:v18+s15+$0x0], $0xffff;
	v20 =	vand.u32 $0xFFFFFFF8, v23;
	v19 =	vor.u32 v21, v19;
	v21 =	vand.u32 $0x7, v23  }
0x99: {  	v23 =	vld.idx.msk [tilespmem:v39+s14+$0x0], $0xffff;
	v2 =	vadd.f32 v8, v2;
	v8 =	vmul.f32 v11, v24;
	v11 =	vadd.s32 v1, v20  }
0x9a: {  	v22 =	vadd.s32 $0x18, v22;
	v16 =	vld.idx.msk [tilespmem:v16+s15+$0x0], $0xffff;
	v20 =	vadd.s32 $0x1A, v9;
	v11 =	vor.u32 v21, v11  }
0x9b: {  	v24 =	vld.idx.msk [tilespmem:v38+s14+$0x0], $0xffff;
	v2 =	vadd.f32 v8, v2;
	v8 =	vmul.f32 v12, v28;
	v12 =	vadd.s32 $0x19, v9  }
0x9c: {  	v21 =	vadd.s32 $0x1B, v9;
	v14 =	vld.idx.msk [tilespmem:v14+s15+$0x0], $0xffff;
	v26 =	vand.u32 $0xFFFFFFF8, v12;
	v12 =	vand.u32 $0x7, v12  }
0x9d: {  	v27 =	vld.idx.msk [tilespmem:v37+s14+$0x0], $0xffff;
	v2 =	vadd.f32 v8, v2;
	v8 =	vmul.f32 v18, v25;
	v18 =	vadd.s32 v1, v26  }
0x9e: {  	v19 =	vld.idx.msk [tilespmem:v19+s15+$0x0], $0xffff;
	v12 =	vor.u32 v12, v18;
	v18 =	vand.u32 $0xFFFFFFF8, v20;
	v20 =	vand.u32 $0x7, v20  }
0x9f: {  	v25 =	vld.idx.msk [tilespmem:v36+s14+$0x0], $0xffff;
	v2 =	vadd.f32 v8, v2;
	v8 =	vmul.f32 v16, v23;
	v16 =	vadd.s32 v1, v18  }
0xa0: {  	v11 =	vld.idx.msk [tilespmem:v11+s15+$0x0], $0xffff;
	v18 =	vand.u32 $0xFFFFFFF8, v21;
	v16 =	vor.u32 v20, v16  }
0xa1: {  	v20 =	vand.u32 $0x7, v21;
	v21 =	vld.idx.msk [tilespmem:v35+s14+$0x0], $0xffff;
	v2 =	vadd.f32 v8, v2;
	v8 =	vmul.f32 v14, v24  }
0xa2: {  	v14 =	vadd.s32 v1, v18;
	v18 =	vld.idx.msk [tilespmem:v22+s15+$0x0], $0xffff  }
0xa3: {  	v22 =	vld.idx.msk [tilespmem:v34+s14+$0x0], $0xffff;
	v2 =	vadd.f32 v8, v2;
	v8 =	vmul.f32 v19, v27  }
0xa4: {  	v3 =	vand.u32 $0x7, v3;
	v12 =	vld.idx.msk [tilespmem:v12+s15+$0x0], $0xffff  }
0xa5: {  	v17 =	vadd.s32 $0x1C, v9;
	v2 =	vadd.f32 v8, v2;
	v8 =	vmul.f32 v11, v25  }
0xa6: {  	v14 =	vor.u32 v20, v14;
	v20 =	vand.u32 $0xFFFFFFF8, v17;
	v17 =	vand.u32 $0x7, v17  }
0xa7: {  	v19 =	vadd.s32 v1, v20;
	v2 =	vadd.f32 v8, v2;
	v8 =	vmul.f32 v18, v21  }
0xa8: {  	v3 =	vor.u32 v3, v5;
	v15 =	vadd.s32 $0x1D, v9;
	v10 =	vld.idx.msk [tilespmem:v10+s14+$0x0], $0xffff;
	v17 =	vor.u32 v17, v19  }
0xa9: {  	v19 =	vand.u32 $0xFFFFFFF8, v15;
	v2 =	vadd.f32 v8, v2;
	v8 =	vmul.f32 v12, v22;
	v12 =	vld [tilespmem:$0x1FF60]  }
0xaa: {  	v13 =	vadd.s32 $0x1E, v9;
	v15 =	vand.u32 $0x7, v15;
	v11 =	vadd.s32 v1, v19;
	v16 =	vld.idx.msk [tilespmem:v16+s15+$0x0], $0xffff  }
0xab: {  	v5 =	vadd.s32 $0x1F, v9;
	v19 =	vld.idx.msk [tilespmem:v33+s14+$0x0], $0xffff;
	v11 =	vor.u32 v15, v11;
	v15 =	vand.u32 $0xFFFFFFF8, v13  }
0xac: {  	v13 =	vand.u32 $0x7, v13;
	v15 =	vadd.s32 v1, v15;
	v9 =	vld.idx.msk [tilespmem:v14+s15+$0x0], $0xffff;
	v14 =	vand.u32 $0xFFFFFFF8, v5  }
0xad: {  	v7 =	vld.idx.msk [tilespmem:v7+s14+$0x0], $0xffff;
	v5 =	vand.u32 $0x7, v5;
	v13 =	vor.u32 v13, v15;
	v1 =	vadd.s32 v1, v14  }
0xae: {  	v1 =	vor.u32 v5, v1;
	v4 =	vor.u32 v12, v4;
	v12 =	vld.idx.msk [tilespmem:v17+s15+$0x0], $0xffff  }
0xaf: {  	v6 =	vld.idx.msk [tilespmem:v6+s14+$0x0], $0xffff;
	v5 =	vmul.f32 v16, v10;
	v2 =	vadd.f32 v8, v2  }
0xb0: {  	v8 =	vld.idx.msk [tilespmem:v11+s15+$0x0], $0xffff  }
0xb1: {  	v3 =	vld.idx.msk [tilespmem:v3+s14+$0x0], $0xffff;
	v2 =	vadd.f32 v5, v2;
	v5 =	vmul.f32 v9, v19  }
0xb2: {  	v9 =	vld.idx.msk [tilespmem:v13+s15+$0x0], $0xffff  }
0xb3: {  	v1 =	vld.idx.msk [tilespmem:v1+s15+$0x0], $0xffff;
	v2 =	vadd.f32 v5, v2;
	v5 =	vmul.f32 v12, v7  }
0xb4: {  	v4 =	vld.idx.msk [tilespmem:v4+s14+$0x0], $0xffff  }
0xb5: {  	v2 =	vadd.f32 v5, v2;
	v5 =	vmul.f32 v8, v6;
	_ =	sdelay $0x1  }
0xb6: {  	v3 =	vmul.f32 v9, v3;
	v2 =	vadd.f32 v5, v2;
	_ =	sdelay $0x1  }
0xb7: {  	v1 =	vmul.f32 v1, v4;
	v2 =	vadd.f32 v3, v2;
	_ =	sdelay $0x1  }
0xb8: {  	v1 =	vadd.f32 v1, v2;
	_ =	sdelay $0x1  }
0xb9: {  	v1 =	vsub.f32 $0.0e+00, v1;
	_ =	sdelay $0x1  }
0xba: {  	v1 =	vmul.f32 $1.442695020e+00, v1;
	_ =	sdelay $0x1  }
0xbb: {  	(erf) = vpow2.f32 v1;
	_ =	sdelay $0x8  }
0xbc: {  	v1 =	vpop (erf)  }
0xbd: {  	v1 =	vadd.f32 $1.000000000e+00, v1;
	_ =	sdelay $0x1  }
0xbe: {  	(erf) = vrcp.f32 v1;
	_ =	sdelay $0x8  }
0xbf: {  	v1 =	vpop (erf)  }
0xc0: {  	s28 =	simm.s32 $0x410;
	[tilespmem:s24+$0x0] =	vst v1  }
0xc1: {  	v2 =	vld [tilespmem:s28+$0x0];
	_ =	sdelay $0x1  }
0xc2: {  	s31 =	simm.s32 $0x10  }
0xc3: {  	v1 =	vmov s31  }
0xc4: {  	v1 =	vshll.u32 v1, $0x7  }
0xc5: {  	v1 =	vor.u32 v0, v1;
	v3 =	vadd.s32 $0x1E, v2;
	v4 =	vadd.s32 $0x1F, v2  }
0xc6: {  	v5 =	vadd.s32 $0x1B, v2;
	v6 =	vadd.s32 $0x1C, v2;
	v7 =	vadd.s32 $0x1D, v2  }
0xc7: {  	v8 =	vadd.s32 $0x17, v2;
	v9 =	vadd.s32 $0x19, v2;
	v10 =	vadd.s32 $0x1A, v2  }
0xc8: {  	v11 =	vadd.s32 $0x14, v2;
	v12 =	vadd.s32 $0x15, v2;
	v13 =	vadd.s32 $0x16, v2  }
0xc9: {  	v14 =	vadd.s32 $0x11, v2;
	v15 =	vadd.s32 $0x12, v2;
	v16 =	vadd.s32 $0x13, v2  }
0xca: {  	v17 =	vadd.s32 $0xD, v2;
	v18 =	vadd.s32 $0xE, v2;
	v19 =	vadd.s32 $0xF, v2  }
0xcb: {  	v20 =	vadd.s32 $0xA, v2;
	v21 =	vadd.s32 $0xB, v2;
	v22 =	vadd.s32 $0xC, v2  }
0xcc: {  	v23 =	vadd.s32 $0x6, v2;
	v24 =	vadd.s32 $0x7, v2;
	v25 =	vadd.s32 $0x9, v2  }
0xcd: {  	v28 =	vadd.s32 $0x3, v2;
	v29 =	vadd.s32 $0x4, v2;
	v30 =	vadd.s32 $0x5, v2  }
0xce: {  	v0 =	vand.u32 $0x7, v2;
	v62 =	vadd.s32 $0x1, v2;
	v63 =	vadd.s32 $0x2, v2  }
0xcf: {  	v2 =	vand.u32 $0xFFFFFFF8, v2;
	[tilespmem:$0x1FF70] =	vst v0;
	v35 =	vand.u32 $0xFFFFFFF8, v4;
	v0 =	vand.u32 $0x7, v4  }
0xd0: {  	v43 =	vand.u32 $0x7, v7;
	v36 =	vand.u32 $0xFFFFFFF8, v3;
	v37 =	vand.u32 $0xFFFFFFF8, v6  }
0xd1: {  	v38 =	vand.u32 $0xFFFFFFF8, v5;
	v39 =	vand.u32 $0xFFFFFFF8, v9;
	v45 =	vand.u32 $0x7, v8  }
0xd2: {  	v40 =	vand.u32 $0xFFFFFFF8, v12;
	v46 =	vand.u32 $0x7, v12;
	v41 =	vand.u32 $0xFFFFFFF8, v11  }
0xd3: {  	v47 =	vand.u32 $0xFFFFFFF8, v15;
	v44 =	vand.u32 $0x7, v15;
	v48 =	vand.u32 $0x7, v19  }
0xd4: {  	v49 =	vand.u32 $0xFFFFFFF8, v14;
	v50 =	vand.u32 $0x7, v14;
	v14 =	vand.u32 $0xFFFFFFF8, v18  }
0xd5: {  	v42 =	vand.u32 $0x7, v18;
	v19 =	vand.u32 $0xFFFFFFF8, v19;
	v51 =	vand.u32 $0x7, v22  }
0xd6: {  	v52 =	vand.u32 $0xFFFFFFF8, v17;
	v53 =	vand.u32 $0x7, v17;
	v17 =	vand.u32 $0xFFFFFFF8, v21  }
0xd7: {  	v32 =	vand.u32 $0x7, v21;
	v54 =	vand.u32 $0xFFFFFFF8, v22;
	v55 =	vand.u32 $0x7, v25  }
0xd8: {  	v56 =	vand.u32 $0xFFFFFFF8, v20;
	[tilespmem:$0x1FF90] =	vst v0;
	v0 =	vand.u32 $0x7, v3;
	v3 =	vand.u32 $0xFFFFFFF8, v13  }
0xd9: {  	v57 =	vand.u32 $0x7, v20;
	v20 =	vand.u32 $0xFFFFFFF8, v24;
	v15 =	vadd.s32 v1, v3;
	v3 =	vld [tilespmem:$0x1FF70]  }
0xda: {  	v4 =	vand.u32 $0x7, v24;
	v25 =	vand.u32 $0xFFFFFFF8, v25;
	v26 =	vand.u32 $0x7, v30  }
0xdb: {  	v58 =	vand.u32 $0xFFFFFFF8, v23;
	v27 =	vand.u32 $0x7, v23;
	[tilespmem:$0x1FF80] =	vst v0;
	v0 =	vand.u32 $0x7, v6  }
0xdc: {  	v23 =	vand.u32 $0xFFFFFFF8, v29;
	v24 =	vand.u32 $0x7, v29;
	[tilespmem:$0x1FFB0] =	vst v0;
	v0 =	vand.u32 $0x7, v5  }
0xdd: {  	v29 =	vand.u32 $0xFFFFFFF8, v30;
	v30 =	vand.u32 $0x7, v63;
	v2 =	vadd.s32 v1, v2;
	[tilespmem:$0x1FFA0] =	vst v0  }
0xde: {  	v59 =	vand.u32 $0xFFFFFFF8, v28;
	v61 =	vadd.s32 v1, v36;
	v36 =	vor.u32 v3, v2;
	v3 =	vld [tilespmem:$0x1FFA0]  }
0xdf: {  	v31 =	vand.u32 $0x7, v28;
	v28 =	vand.u32 $0xFFFFFFF8, v62;
	v33 =	vand.u32 $0x7, v62  }
0xe0: {  	v60 =	vand.u32 $0xFFFFFFF8, v63;
	v62 =	vadd.s32 v1, v35;
	v63 =	vadd.s32 v1, v38  }
0xe1: {  	v12 =	vadd.s32 v1, v40;
	v6 =	vand.u32 $0xFFFFFFF8, v7;
	v0 =	vand.u32 $0x7, v9  }
0xe2: {  	v6 =	vadd.s32 v1, v6;
	[tilespmem:$0x1FFC0] =	vst v0;
	v0 =	vand.u32 $0x7, v13;
	v13 =	vadd.s32 v1, v41  }
0xe3: {  	v41 =	vadd.s32 v1, v60;
	v60 =	vor.u32 v43, v6;
	v6 =	vor.u32 v3, v63;
	v3 =	vld [tilespmem:$0x1FFB0]  }
0xe4: {  	v49 =	vadd.s32 v1, v49;
	v47 =	vadd.s32 v1, v47;
	v52 =	vadd.s32 v1, v52  }
0xe5: {  	v19 =	vadd.s32 v1, v19;
	v56 =	vadd.s32 v1, v56;
	v21 =	vadd.s32 v1, v17  }
0xe6: {  	v54 =	vadd.s32 v1, v54;
	v34 =	vadd.s32 v1, v58;
	v35 =	vadd.s32 v1, v20  }
0xe7: {  	v58 =	vadd.s32 v1, v25;
	v38 =	vadd.s32 v1, v23;
	v5 =	vadd.s32 v1, v37;
	v2 =	vld [tilespmem:$0x1FF80]  }
0xe8: {  	v40 =	vadd.s32 v1, v29;
	v7 =	vand.u32 $0x7, v10;
	v5 =	vor.u32 v3, v5;
	v3 =	vld [tilespmem:$0x1FFC0]  }
0xe9: {  	v19 =	vor.u32 v48, v19;
	v25 =	vor.u32 v32, v21;
	v23 =	vor.u32 v51, v54  }
0xea: {  	v21 =	vor.u32 v53, v52;
	v29 =	vor.u32 v55, v58;
	v37 =	vadd.s32 v1, v59  }
0xeb: {  	v9 =	vand.u32 $0xFFFFFFF8, v10;
	v10 =	vand.u32 $0xFFFFFFF8, v8;
	v8 =	vadd.s32 v1, v39  }
0xec: {  	v39 =	vadd.s32 v1, v28;
	[tilespmem:$0x1FFD0] =	vst v0;
	v0 =	vand.u32 $0x7, v16;
	v59 =	vor.u32 v2, v61;
	v2 =	vld [tilespmem:$0x1FF90]  }
0xed: {  	v28 =	vor.u32 v57, v56;
	v10 =	vadd.s32 v1, v10;
	[tilespmem:$0x1FFE0] =	vst v0;
	v8 =	vor.u32 v3, v8;
	v3 =	vld [tilespmem:$0x1FFD0]  }
0xee: {  	v9 =	vadd.s32 v1, v9;
	v0 =	vand.u32 $0x7, v11;
	v11 =	vadd.s32 v1, v14;
	v14 =	vld [tilespmem:$0x1FFE0]  }
0xef: {  	v16 =	vand.u32 $0xFFFFFFF8, v16;
	v7 =	vor.u32 v7, v9;
	v10 =	vor.u32 v45, v10  }
0xf0: {  	v18 =	vadd.s32 v1, v16;
	v9 =	vadd.s32 $0x18, v36;
	v20 =	vor.u32 v42, v11  }
0xf1: {  	v32 =	vadd.s32 $0x8, v36;
	v61 =	vor.u32 v0, v13;
	v0 =	vor.u32 v46, v12  }
0xf2: {  	s29 =	simm.s32 $0x610;
	v13 =	vor.u32 v50, v49;
	v2 =	vor.u32 v2, v62;
	v12 =	vor.u32 v3, v15  }
0xf3: {  	s30 =	simm.s32 $0x20;
	s26 =	simm.s32 $0x10800;
	v11 =	vld [tilespmem:s29+$0x0];
	v3 =	vor.u32 v44, v47;
	v15 =	vor.u32 v14, v18;
	v18 =	vadd.s32 $0x10, v36  }
.LBB2_2:
0xf4: {  	_ =	sdelay $0x1  }
0xf5: {  	v40 =	vor.u32 v26, v40;
	v42 =	vor.u32 v27, v34;
	v43 =	vor.u32 v4, v35  }
0xf6: {  	v41 =	vor.u32 v30, v41;
	v44 =	vor.u32 v31, v37;
	v38 =	vor.u32 v24, v38  }
0xf7: {  	v39 =	vor.u32 v33, v39;
	v24 =	vadd.s32 $0x1E, v11;
	v22 =	vadd.s32 $0x1F, v11  }
0xf8: {  	v31 =	vadd.s32 $0x17, v11;
	v27 =	vadd.s32 $0x1C, v11;
	v26 =	vadd.s32 $0x1D, v11  }
0xf9: {  	v30 =	vand.u32 $0xFFFFFFF8, v11;
	v34 =	vadd.s32 $0x15, v11;
	v33 =	vadd.s32 $0x16, v11  }
0xfa: {  	v55 =	vand.u32 $0x7, v11;
	v56 =	vadd.s32 $0x1, v11;
	v35 =	vadd.s32 $0x14, v11  }
0xfb: {  	v46 =	vadd.s32 $0x2, v11;
	v48 =	vadd.s32 $0x3, v11;
	v30 =	vadd.s32 v1, v30  }
0xfc: {  	v49 =	vadd.s32 $0xE, v11;
	v45 =	vand.u32 $0xFFFFFFF8, v56;
	v30 =	vor.u32 v55, v30  }
0xfd: {  	v51 =	vadd.s32 $0x4, v11;
	v37 =	vand.u32 $0x7, v56;
	v45 =	vadd.s32 v1, v45  }
0xfe: {  	v52 =	vadd.s32 $0xD, v11;
	v47 =	vand.u32 $0xFFFFFFF8, v46;
	v45 =	vor.u32 v37, v45  }
0xff: {  	v36 =	vld.idx.msk [tilespmem:v36+s14+$0x0], $0xffff;
	v46 =	vand.u32 $0x7, v46;
	v57 =	vand.u32 $0xFFFFFFF8, v48;
	v47 =	vadd.s32 v1, v47  }
0x100: {  	v48 =	vand.u32 $0x7, v48;
	v39 =	vld.idx.msk [tilespmem:v39+s14+$0x0], $0xffff;
	v46 =	vor.u32 v46, v47;
	v47 =	vadd.s32 v1, v57  }
0x101: {  	v53 =	vadd.s32 $0x5, v11;
	v54 =	vadd.s32 $0xC, v11;
	v47 =	vor.u32 v48, v47;
	v50 =	vld.idx.msk [tilespmem:v30+s15+$0x0], $0xffff  }
0x102: {  	v58 =	vand.u32 $0xFFFFFFF8, v51;
	v51 =	vand.u32 $0x7, v51;
	v41 =	vld.idx.msk [tilespmem:v41+s14+$0x0], $0xffff;
	v62 =	vand.u32 $0xFFFFFFF8, v53  }
0x103: {  	v53 =	vand.u32 $0x7, v53;
	v56 =	vadd.s32 $0x7, v11;
	v48 =	vadd.s32 v1, v58;
	v45 =	vld.idx.msk [tilespmem:v45+s15+$0x0], $0xffff  }
0x104: {  	v44 =	vld.idx.msk [tilespmem:v44+s14+$0x0], $0xffff;
	v55 =	vadd.s32 $0x6, v11;
	v37 =	vadd.s32 $0xF, v11;
	v48 =	vor.u32 v51, v48  }
0x105: {  	v63 =	vand.u32 $0xFFFFFFF8, v55;
	v57 =	vand.u32 $0x7, v56;
	v51 =	vadd.s32 v1, v62;
	v46 =	vld.idx.msk [tilespmem:v46+s15+$0x0], $0xffff  }
0x106: {  	v62 =	vand.u32 $0x7, v55;
	v51 =	vor.u32 v53, v51;
	v47 =	vld.idx.msk [tilespmem:v47+s15+$0x0], $0xffff;
	v36 =	vmul.f32 v50, v36  }
0x107: {  	v32 =	vld.idx.msk [tilespmem:v32+s14+$0x0], $0xffff;
	v55 =	vadd.s32 $0xB, v11;
	v53 =	vadd.s32 v1, v63;
	v63 =	vand.u32 $0xFFFFFFF8, v56  }
0x108: {  	v38 =	vld.idx.msk [tilespmem:v38+s14+$0x0], $0xffff;
	v50 =	vor.u32 v62, v53;
	v39 =	vmul.f32 v45, v39;
	v36 =	vadd.f32 $0.0e+00, v36  }
0x109: {  	v56 =	vand.u32 $0xFFFFFFF8, v55;
	v58 =	vadd.s32 v1, v63;
	v62 =	vadd.s32 $0x9, v11;
	v45 =	vld.idx.msk [tilespmem:v48+s15+$0x0], $0xffff  }
0x10a: {  	v40 =	vld.idx.msk [tilespmem:v40+s14+$0x0], $0xffff;
	v48 =	vor.u32 v57, v58;
	v36 =	vadd.f32 v39, v36;
	v39 =	vmul.f32 v46, v41  }
0x10b: {  	v53 =	vadd.s32 $0xA, v11;
	v63 =	vand.u32 $0xFFFFFFF8, v62;
	v57 =	vmul.f32 v47, v44;
	v41 =	vld.idx.msk [tilespmem:v51+s15+$0x0], $0xffff  }
0x10c: {  	v42 =	vld.idx.msk [tilespmem:v42+s14+$0x0], $0xffff;
	v58 =	vadd.s32 v1, v63;
	v51 =	vadd.s32 $0x8, v30;
	v36 =	vadd.f32 v39, v36  }
0x10d: {  	v63 =	vand.u32 $0x7, v53;
	v46 =	vand.u32 $0x7, v62;
	v62 =	vand.u32 $0xFFFFFFF8, v53;
	v44 =	vld.idx.msk [tilespmem:v50+s15+$0x0], $0xffff  }
0x10e: {  	v43 =	vld.idx.msk [tilespmem:v43+s14+$0x0], $0xffff;
	v46 =	vor.u32 v46, v58;
	v38 =	vmul.f32 v45, v38;
	v36 =	vadd.f32 v57, v36  }
0x10f: {  	v53 =	vadd.s32 v1, v62;
	v62 =	vadd.s32 v1, v56;
	v50 =	vand.u32 $0xFFFFFFF8, v49;
	v39 =	vld.idx.msk [tilespmem:v48+s15+$0x0], $0xffff  }
0x110: {  	v29 =	vld.idx.msk [tilespmem:v29+s14+$0x0], $0xffff;
	v45 =	vor.u32 v63, v53;
	v58 =	vmul.f32 v41, v40;
	v36 =	vadd.f32 v38, v36  }
0x111: {  	v63 =	vand.u32 $0xFFFFFFF8, v54;
	v53 =	vand.u32 $0x7, v54;
	v57 =	vand.u32 $0x7, v55;
	v40 =	vld.idx.msk [tilespmem:v51+s15+$0x0], $0xffff  }
0x112: {  	v28 =	vld.idx.msk [tilespmem:v28+s14+$0x0], $0xffff;
	v41 =	vor.u32 v57, v62;
	v54 =	vmul.f32 v44, v42;
	v36 =	vadd.f32 v58, v36  }
0x113: {  	v56 =	vadd.s32 v1, v63;
	v57 =	vand.u32 $0xFFFFFFF8, v52;
	v51 =	vand.u32 $0x7, v49;
	v55 =	vld.idx.msk [tilespmem:v46+s15+$0x0], $0xffff  }
0x114: {  	v25 =	vld.idx.msk [tilespmem:v25+s14+$0x0], $0xffff;
	v44 =	vor.u32 v53, v56;
	v62 =	vmul.f32 v39, v43;
	v36 =	vadd.f32 v54, v36  }
0x115: {  	v48 =	vadd.s32 v1, v57;
	v53 =	vadd.s32 v1, v50;
	v63 =	vld.idx.msk [tilespmem:v45+s15+$0x0], $0xffff;
	v58 =	vand.u32 $0x7, v52  }
0x116: {  	v23 =	vld.idx.msk [tilespmem:v23+s14+$0x0], $0xffff;
	v43 =	vor.u32 v58, v48;
	v32 =	vmul.f32 v40, v32;
	v36 =	vadd.f32 v62, v36  }
0x117: {  	v52 =	vld.idx.msk [tilespmem:v41+s15+$0x0], $0xffff;
	v40 =	vor.u32 v51, v53;
	v54 =	vand.u32 $0xFFFFFFF8, v37;
	v37 =	vand.u32 $0x7, v37  }
0x118: {  	v21 =	vld.idx.msk [tilespmem:v21+s14+$0x0], $0xffff;
	v29 =	vmul.f32 v55, v29;
	v41 =	vadd.s32 v1, v54;
	v32 =	vadd.f32 v32, v36  }
0x119: {  	v56 =	vadd.s32 $0x12, v11;
	v57 =	vadd.s32 $0x13, v11;
	v55 =	vld.idx.msk [tilespmem:v44+s15+$0x0], $0xffff;
	v37 =	vor.u32 v37, v41  }
0x11a: {  	v20 =	vld.idx.msk [tilespmem:v20+s14+$0x0], $0xffff;
	v28 =	vmul.f32 v63, v28;
	v62 =	vadd.s32 $0x11, v11;
	v29 =	vadd.f32 v29, v32  }
0x11b: {  	v63 =	vadd.s32 $0x10, v30;
	v48 =	vand.u32 $0xFFFFFFF8, v62;
	v39 =	vand.u32 $0x7, v62;
	v58 =	vld.idx.msk [tilespmem:v43+s15+$0x0], $0xffff  }
0x11c: {  	v19 =	vld.idx.msk [tilespmem:v19+s14+$0x0], $0xffff;
	v49 =	vadd.s32 v1, v48;
	v25 =	vmul.f32 v52, v25;
	v28 =	vadd.f32 v28, v29  }
0x11d: {  	v50 =	vand.u32 $0xFFFFFFF8, v56;
	v51 =	vand.u32 $0x7, v56;
	v38 =	vor.u32 v39, v49;
	v29 =	vld.idx.msk [tilespmem:v40+s15+$0x0], $0xffff  }
0x11e: {  	v18 =	vld.idx.msk [tilespmem:v18+s14+$0x0], $0xffff;
	v52 =	vadd.s32 v1, v50;
	v23 =	vmul.f32 v55, v23;
	v25 =	vadd.f32 v25, v28  }
0x11f: {  	v53 =	vand.u32 $0xFFFFFFF8, v57;
	v54 =	vand.u32 $0x7, v57;
	v36 =	vor.u32 v51, v52;
	v28 =	vld.idx.msk [tilespmem:v37+s15+$0x0], $0xffff  }
0x120: {  	v17 =	vld.idx.msk [tilespmem:v13+s14+$0x0], $0xffff;
	v55 =	vadd.s32 v1, v53;
	v21 =	vmul.f32 v58, v21;
	v23 =	vadd.f32 v23, v25  }
0x121: {  	v56 =	vand.u32 $0xFFFFFFF8, v35;
	v35 =	vand.u32 $0x7, v35;
	v32 =	vor.u32 v54, v55;
	v25 =	vld.idx.msk [tilespmem:v63+s15+$0x0], $0xffff  }
0x122: {  	v16 =	vld.idx.msk [tilespmem:v3+s14+$0x0], $0xffff;
	v20 =	vmul.f32 v29, v20;
	v29 =	vadd.s32 v1, v56;
	v21 =	vadd.f32 v21, v23  }
0x123: {  	v57 =	vand.u32 $0xFFFFFFF8, v34;
	v34 =	vand.u32 $0x7, v34;
	v23 =	vld.idx.msk [tilespmem:v38+s15+$0x0], $0xffff;
	v29 =	vor.u32 v35, v29  }
0x124: {  	v15 =	vld.idx.msk [tilespmem:v15+s14+$0x0], $0xffff;
	v19 =	vmul.f32 v28, v19;
	v28 =	vadd.s32 v1, v57;
	v20 =	vadd.f32 v20, v21  }
0x125: {  	v58 =	vand.u32 $0xFFFFFFF8, v33;
	v33 =	vand.u32 $0x7, v33;
	v21 =	vld.idx.msk [tilespmem:v36+s15+$0x0], $0xffff;
	v28 =	vor.u32 v34, v28  }
0x126: {  	v14 =	vld.idx.msk [tilespmem:v61+s14+$0x0], $0xffff;
	v18 =	vmul.f32 v25, v18;
	v25 =	vadd.s32 v1, v58;
	v19 =	vadd.f32 v19, v20  }
0x127: {  	v61 =	vand.u32 $0xFFFFFFF8, v31;
	v31 =	vand.u32 $0x7, v31;
	v20 =	vld.idx.msk [tilespmem:v32+s15+$0x0], $0xffff;
	v25 =	vor.u32 v33, v25  }
0x128: {  	v17 =	vmul.f32 v23, v17;
	v23 =	vadd.s32 v1, v61;
	v18 =	vadd.f32 v18, v19  }
0x129: {  	v19 =	vld.idx.msk [tilespmem:v29+s15+$0x0], $0xffff;
	v23 =	vor.u32 v31, v23;
	v29 =	vadd.s32 $0x1A, v11;
	v31 =	vadd.s32 $0x1B, v11  }
0x12a: {  	v13 =	vld.idx.msk [tilespmem:v0+s14+$0x0], $0xffff;
	v11 =	vadd.s32 $0x19, v11;
	v16 =	vmul.f32 v21, v16;
	v17 =	vadd.f32 v17, v18  }
0x12b: {  	v21 =	vadd.s32 $0x18, v30;
	v18 =	vld.idx.msk [tilespmem:v28+s15+$0x0], $0xffff;
	v28 =	vand.u32 $0xFFFFFFF8, v11;
	v11 =	vand.u32 $0x7, v11  }
0x12c: {  	v12 =	vld.idx.msk [tilespmem:v12+s14+$0x0], $0xffff;
	v15 =	vmul.f32 v20, v15;
	v20 =	vadd.s32 v1, v28;
	v16 =	vadd.f32 v16, v17  }
0x12d: {  	v17 =	vld.idx.msk [tilespmem:v25+s15+$0x0], $0xffff;
	v11 =	vor.u32 v11, v20  }
0x12e: {  	v10 =	vld.idx.msk [tilespmem:v10+s14+$0x0], $0xffff;
	v20 =	vand.u32 $0xFFFFFFF8, v29;
	v14 =	vmul.f32 v19, v14;
	v15 =	vadd.f32 v15, v16  }
0x12f: {  	v25 =	vand.u32 $0x7, v29;
	v19 =	vadd.s32 v1, v20;
	v20 =	vand.u32 $0xFFFFFFF8, v31;
	v16 =	vld.idx.msk [tilespmem:v23+s15+$0x0], $0xffff  }
0x130: {  	v9 =	vld.idx.msk [tilespmem:v9+s14+$0x0], $0xffff;
	v19 =	vor.u32 v25, v19;
	v13 =	vmul.f32 v18, v13;
	v14 =	vadd.f32 v14, v15  }
0x131: {  	v23 =	vand.u32 $0x7, v31;
	v18 =	vadd.s32 v1, v20;
	v20 =	vand.u32 $0xFFFFFFF8, v27;
	v15 =	vld.idx.msk [tilespmem:v21+s15+$0x0], $0xffff  }
0x132: {  	v8 =	vld.idx.msk [tilespmem:v8+s14+$0x0], $0xffff;
	v18 =	vor.u32 v23, v18;
	v12 =	vmul.f32 v17, v12;
	v13 =	vadd.f32 v13, v14  }
0x133: {  	v21 =	vand.u32 $0x7, v27;
	v11 =	vld.idx.msk [tilespmem:v11+s15+$0x0], $0xffff;
	v17 =	vand.u32 $0xFFFFFFF8, v26;
	v14 =	vadd.s32 v1, v20  }
0x134: {  	v7 =	vld.idx.msk [tilespmem:v7+s14+$0x0], $0xffff;
	v14 =	vor.u32 v21, v14;
	v10 =	vmul.f32 v16, v10;
	v12 =	vadd.f32 v12, v13  }
0x135: {  	v20 =	vand.u32 $0x7, v26;
	v16 =	vadd.s32 v1, v17;
	v17 =	vand.u32 $0xFFFFFFF8, v24;
	v13 =	vld.idx.msk [tilespmem:v19+s15+$0x0], $0xffff  }
0x136: {  	v6 =	vld.idx.msk [tilespmem:v6+s14+$0x0], $0xffff;
	v16 =	vor.u32 v20, v16;
	v9 =	vmul.f32 v15, v9;
	v10 =	vadd.f32 v10, v12  }
0x137: {  	v19 =	vand.u32 $0x7, v24;
	v15 =	vadd.s32 v1, v17;
	v17 =	vand.u32 $0xFFFFFFF8, v22;
	v12 =	vld.idx.msk [tilespmem:v18+s15+$0x0], $0xffff  }
0x138: {  	v5 =	vld.idx.msk [tilespmem:v5+s14+$0x0], $0xffff;
	v15 =	vor.u32 v19, v15;
	v8 =	vmul.f32 v11, v8;
	v9 =	vadd.f32 v9, v10  }
0x139: {  	v18 =	vand.u32 $0x7, v22;
	v1 =	vadd.s32 v1, v17;
	v10 =	vld.idx.msk [tilespmem:v14+s15+$0x0], $0xffff  }
0x13a: {  	v4 =	vld.idx.msk [tilespmem:v60+s14+$0x0], $0xffff;
	v1 =	vor.u32 v18, v1;
	v7 =	vmul.f32 v13, v7;
	v8 =	vadd.f32 v8, v9  }
0x13b: {  	v9 =	vld.idx.msk [tilespmem:v16+s15+$0x0], $0xffff  }
0x13c: {  	v3 =	vld.idx.msk [tilespmem:v59+s14+$0x0], $0xffff;
	v6 =	vmul.f32 v12, v6;
	v7 =	vadd.f32 v7, v8  }
0x13d: {  	v8 =	vld.idx.msk [tilespmem:v15+s15+$0x0], $0xffff  }
0x13e: {  	v2 =	vld.idx.msk [tilespmem:v2+s14+$0x0], $0xffff;
	v5 =	vmul.f32 v10, v5;
	v6 =	vadd.f32 v6, v7  }
0x13f: {  	v1 =	vld.idx.msk [tilespmem:v1+s15+$0x0], $0xffff  }
0x140: {  	v4 =	vmul.f32 v9, v4;
	v5 =	vadd.f32 v5, v6;
	_ =	sdelay $0x1  }
0x141: {  	v3 =	vmul.f32 v8, v3;
	v4 =	vadd.f32 v4, v5;
	_ =	sdelay $0x1  }
0x142: {  	v1 =	vmul.f32 v1, v2;
	v3 =	vadd.f32 v3, v4;
	_ =	sdelay $0x1  }
0x143: {  	v1 =	vadd.f32 v1, v3;
	_ =	sdelay $0x1  }
0x144: {  	v1 =	vsub.f32 $0.0e+00, v1;
	_ =	sdelay $0x1  }
0x145: {  	v1 =	vmul.f32 $1.442695020e+00, v1;
	_ =	sdelay $0x1  }
0x146: {  	(erf) = vpow2.f32 v1;
	_ =	sdelay $0x8  }
0x147: {  	v1 =	vpop (erf)  }
0x148: {  	v1 =	vadd.f32 $1.000000000e+00, v1;
	_ =	sdelay $0x1  }
0x149: {  	(erf) = vrcp.f32 v1;
	_ =	sdelay $0x8  }
0x14a: {  	s26 =	sadd.s32 $0x10, s26;
	v1 =	vpop (erf)  }
0x14b: {  	s28 =	sadd.s32 $0x10, s28;
	v0 =	vld [tilespmem:$0x1FFF0];
	[tilespmem:s26+$0x0] =	vst v1  }
0x14c: {  	v2 =	vld [tilespmem:s28+$0x0];
	_ =	sdelay $0x2  }
0x14d: {  	v1 =	vmov s30  }
0x14e: {  	v1 =	vshll.u32 v1, $0x7  }
0x14f: {  	v1 =	vor.u32 v0, v1;
	v3 =	vadd.s32 $0x1E, v2;
	v4 =	vadd.s32 $0x1F, v2  }
0x150: {  	v5 =	vadd.s32 $0x1B, v2;
	v6 =	vadd.s32 $0x1C, v2;
	v7 =	vadd.s32 $0x1D, v2  }
0x151: {  	v8 =	vadd.s32 $0x17, v2;
	v9 =	vadd.s32 $0x19, v2;
	v10 =	vadd.s32 $0x1A, v2  }
0x152: {  	v11 =	vadd.s32 $0x14, v2;
	v12 =	vadd.s32 $0x15, v2;
	v13 =	vadd.s32 $0x16, v2  }
0x153: {  	v14 =	vadd.s32 $0x11, v2;
	v15 =	vadd.s32 $0x12, v2;
	v16 =	vadd.s32 $0x13, v2  }
0x154: {  	v17 =	vadd.s32 $0xD, v2;
	v18 =	vadd.s32 $0xE, v2;
	v19 =	vadd.s32 $0xF, v2  }
0x155: {  	v20 =	vadd.s32 $0xA, v2;
	v21 =	vadd.s32 $0xB, v2;
	v22 =	vadd.s32 $0xC, v2  }
0x156: {  	v23 =	vadd.s32 $0x6, v2;
	v24 =	vadd.s32 $0x7, v2;
	v25 =	vadd.s32 $0x9, v2  }
0x157: {  	v28 =	vadd.s32 $0x3, v2;
	v29 =	vadd.s32 $0x4, v2;
	v30 =	vadd.s32 $0x5, v2  }
0x158: {  	v0 =	vand.u32 $0x7, v2;
	v62 =	vadd.s32 $0x1, v2;
	v63 =	vadd.s32 $0x2, v2  }
0x159: {  	v2 =	vand.u32 $0xFFFFFFF8, v2;
	[tilespmem:$0x1FF30] =	vst v0;
	v35 =	vand.u32 $0xFFFFFFF8, v4;
	v0 =	vand.u32 $0x7, v4  }
0x15a: {  	v42 =	vand.u32 $0x7, v7;
	v36 =	vand.u32 $0xFFFFFFF8, v3;
	v32 =	vand.u32 $0x7, v3  }
0x15b: {  	v37 =	vand.u32 $0xFFFFFFF8, v6;
	v38 =	vand.u32 $0xFFFFFFF8, v5;
	v5 =	vand.u32 $0x7, v5  }
0x15c: {  	v39 =	vand.u32 $0xFFFFFFF8, v9;
	v44 =	vand.u32 $0x7, v9;
	v9 =	vand.u32 $0xFFFFFFF8, v10  }
0x15d: {  	v45 =	vand.u32 $0x7, v13;
	v40 =	vand.u32 $0xFFFFFFF8, v12;
	v12 =	vand.u32 $0x7, v12  }
0x15e: {  	v13 =	vand.u32 $0xFFFFFFF8, v13;
	v46 =	vand.u32 $0x7, v16;
	v41 =	vand.u32 $0xFFFFFFF8, v11  }
0x15f: {  	v11 =	vand.u32 $0x7, v11;
	v47 =	vand.u32 $0xFFFFFFF8, v15;
	v15 =	vand.u32 $0x7, v15  }
0x160: {  	v16 =	vand.u32 $0xFFFFFFF8, v16;
	v48 =	vand.u32 $0x7, v19;
	v49 =	vand.u32 $0xFFFFFFF8, v14  }
0x161: {  	v50 =	vand.u32 $0x7, v14;
	v14 =	vand.u32 $0xFFFFFFF8, v18;
	v18 =	vand.u32 $0x7, v18  }
0x162: {  	v19 =	vand.u32 $0xFFFFFFF8, v19;
	v51 =	vand.u32 $0x7, v22;
	v52 =	vand.u32 $0xFFFFFFF8, v17  }
0x163: {  	v53 =	vand.u32 $0x7, v17;
	v17 =	vand.u32 $0xFFFFFFF8, v21;
	v21 =	vand.u32 $0x7, v21  }
0x164: {  	v54 =	vand.u32 $0xFFFFFFF8, v22;
	v55 =	vand.u32 $0x7, v25;
	v56 =	vand.u32 $0xFFFFFFF8, v20  }
0x165: {  	v57 =	vand.u32 $0x7, v20;
	v20 =	vand.u32 $0xFFFFFFF8, v24;
	v4 =	vand.u32 $0x7, v24  }
0x166: {  	v25 =	vand.u32 $0xFFFFFFF8, v25;
	v26 =	vand.u32 $0x7, v30;
	v58 =	vand.u32 $0xFFFFFFF8, v23  }
0x167: {  	v27 =	vand.u32 $0x7, v23;
	v23 =	vand.u32 $0xFFFFFFF8, v29;
	v24 =	vand.u32 $0x7, v29  }
0x168: {  	v29 =	vand.u32 $0xFFFFFFF8, v30;
	v30 =	vand.u32 $0x7, v63;
	v59 =	vand.u32 $0xFFFFFFF8, v28  }
0x169: {  	v31 =	vand.u32 $0x7, v28;
	v28 =	vand.u32 $0xFFFFFFF8, v62;
	v33 =	vand.u32 $0x7, v62  }
0x16a: {  	v60 =	vand.u32 $0xFFFFFFF8, v63;
	v2 =	vadd.s32 v1, v2;
	[tilespmem:$0x1FF40] =	vst v0;
	v0 =	vand.u32 $0x7, v6  }
0x16b: {  	v6 =	vand.u32 $0xFFFFFFF8, v7;
	v7 =	vand.u32 $0x7, v10;
	v10 =	vand.u32 $0xFFFFFFF8, v8  }
0x16c: {  	v8 =	vand.u32 $0x7, v8;
	v61 =	vadd.s32 v1, v36;
	v62 =	vadd.s32 v1, v35  }
0x16d: {  	v63 =	vadd.s32 v1, v38;
	v3 =	vadd.s32 v1, v39;
	v9 =	vadd.s32 v1, v9  }
0x16e: {  	v22 =	vadd.s32 v1, v41;
	v43 =	vadd.s32 v1, v40;
	v13 =	vadd.s32 v1, v13  }
0x16f: {  	v49 =	vadd.s32 v1, v49;
	v47 =	vadd.s32 v1, v47;
	v16 =	vadd.s32 v1, v16  }
0x170: {  	v52 =	vadd.s32 v1, v52;
	v14 =	vadd.s32 v1, v14;
	v19 =	vadd.s32 v1, v19  }
0x171: {  	v56 =	vadd.s32 v1, v56;
	v17 =	vadd.s32 v1, v17;
	v54 =	vadd.s32 v1, v54  }
0x172: {  	v34 =	vadd.s32 v1, v58;
	v35 =	vadd.s32 v1, v20;
	v58 =	vadd.s32 v1, v25  }
0x173: {  	v38 =	vadd.s32 v1, v23;
	v40 =	vadd.s32 v1, v29;
	v20 =	vld [tilespmem:$0x1FF30];
	v39 =	vadd.s32 v1, v28  }
0x174: {  	v41 =	vadd.s32 v1, v60;
	[tilespmem:$0x1FF50] =	vst v0;
	v0 =	vadd.s32 v1, v37;
	v6 =	vadd.s32 v1, v6  }
0x175: {  	v10 =	vadd.s32 v1, v10;
	v37 =	vadd.s32 v1, v59;
	v59 =	vor.u32 v32, v61  }
0x176: {  	v7 =	vor.u32 v7, v9;
	v61 =	vor.u32 v11, v22;
	v19 =	vor.u32 v48, v19  }
0x177: {  	v25 =	vor.u32 v21, v17;
	v60 =	vor.u32 v42, v6;
	v6 =	vor.u32 v5, v63;
	v5 =	vld [tilespmem:$0x1FF50]  }
0x178: {  	p0 =	sne.s32 s30, $0xF0;
	v23 =	vor.u32 v51, v54;
	v21 =	vor.u32 v53, v52;
	v36 =	vor.u32 v20, v2;
	v2 =	vld [tilespmem:$0x1FF40]  }
.Ltmp0:
0x179: {  	v29 =	vor.u32 v55, v58;
	v28 =	vor.u32 v57, v56;
	v10 =	vor.u32 v8, v10;
	(pc) =	sbr.rel @p0 .LBB2_2-.Ltmp0, $4  }
0x17a: {  	v8 =	vor.u32 v44, v3;
	v3 =	vor.u32 v15, v47;
	v15 =	vor.u32 v46, v16  }
0x17b: {  	v20 =	vor.u32 v18, v14;
	v9 =	vadd.s32 $0x18, v36;
	v18 =	vadd.s32 $0x10, v36  }
0x17c: {  	s29 =	sadd.s32 $0x10, s29;
	v32 =	vadd.s32 $0x8, v36;
	v5 =	vor.u32 v5, v0;
	v0 =	vor.u32 v12, v43  }
0x17d: {  	s30 =	sadd.s32 $0x10, s30;
	v11 =	vld [tilespmem:s29+$0x0];
	v12 =	vor.u32 v45, v13;
	v13 =	vor.u32 v50, v49;
	v2 =	vor.u32 v2, v62  }
0x17e: {  	_ = 	snop  }
0x17f: {  	v14 =	vor.u32 v26, v40  }
0x180: {  	v16 =	vor.u32 v27, v34;
	v4 =	vor.u32 v4, v35;
	v17 =	vor.u32 v30, v41  }
0x181: {  	v58 =	vor.u32 v31, v37;
	v62 =	vor.u32 v24, v38;
	v63 =	vor.u32 v33, v39  }
0x182: {  	v22 =	vadd.s32 $0x1E, v11;
	v30 =	vadd.s32 $0x17, v11;
	v26 =	vadd.s32 $0x1C, v11  }
0x183: {  	v27 =	vand.u32 $0xFFFFFFF8, v11;
	v33 =	vadd.s32 $0x15, v11;
	v31 =	vadd.s32 $0x16, v11  }
0x184: {  	v46 =	vand.u32 $0x7, v11;
	v47 =	vadd.s32 $0x1, v11;
	v49 =	vadd.s32 $0x2, v11  }
0x185: {  	v42 =	vadd.s32 $0xF, v11;
	v43 =	vadd.s32 $0x3, v11;
	v27 =	vadd.s32 v1, v27  }
0x186: {  	v44 =	vadd.s32 $0xE, v11;
	v48 =	vand.u32 $0xFFFFFFF8, v47;
	v27 =	vor.u32 v46, v27  }
0x187: {  	v45 =	vadd.s32 $0x4, v11;
	v39 =	vand.u32 $0x7, v47;
	v40 =	vadd.s32 v1, v48  }
0x188: {  	v50 =	vand.u32 $0xFFFFFFF8, v49;
	v41 =	vand.u32 $0x7, v49;
	v39 =	vor.u32 v39, v40  }
0x189: {  	v36 =	vld.idx.msk [tilespmem:v36+s14+$0x0], $0xffff;
	v51 =	vand.u32 $0xFFFFFFF8, v43;
	v43 =	vand.u32 $0x7, v43;
	v40 =	vadd.s32 v1, v50  }
0x18a: {  	v52 =	vand.u32 $0xFFFFFFF8, v45;
	v47 =	vadd.s32 $0xD, v11;
	v38 =	vld.idx.msk [tilespmem:v63+s14+$0x0], $0xffff;
	v40 =	vor.u32 v41, v40  }
0x18b: {  	v45 =	vand.u32 $0x7, v45;
	v49 =	vadd.s32 $0xC, v11;
	v41 =	vadd.s32 v1, v51;
	v46 =	vld.idx.msk [tilespmem:v27+s15+$0x0], $0xffff  }
0x18c: {  	v37 =	vld.idx.msk [tilespmem:v62+s14+$0x0], $0xffff;
	v62 =	vadd.s32 $0xA, v11;
	v48 =	vadd.s32 $0x5, v11;
	v41 =	vor.u32 v43, v41  }
0x18d: {  	v63 =	vadd.s32 $0x9, v11;
	v53 =	vand.u32 $0xFFFFFFF8, v48;
	v43 =	vadd.s32 v1, v52;
	v39 =	vld.idx.msk [tilespmem:v39+s15+$0x0], $0xffff  }
0x18e: {  	v17 =	vld.idx.msk [tilespmem:v17+s14+$0x0], $0xffff;
	v48 =	vand.u32 $0x7, v48;
	v50 =	vadd.s32 $0x6, v11;
	v43 =	vor.u32 v45, v43  }
0x18f: {  	v54 =	vand.u32 $0xFFFFFFF8, v50;
	v51 =	vadd.s32 $0x7, v11;
	v45 =	vadd.s32 v1, v53;
	v40 =	vld.idx.msk [tilespmem:v40+s15+$0x0], $0xffff  }
0x190: {  	v35 =	vld.idx.msk [tilespmem:v58+s14+$0x0], $0xffff;
	v55 =	vand.u32 $0x7, v50;
	v45 =	vor.u32 v48, v45;
	v36 =	vmul.f32 v46, v36  }
0x191: {  	v50 =	vadd.s32 $0xB, v11;
	v56 =	vand.u32 $0xFFFFFFF8, v51;
	v48 =	vadd.s32 v1, v54;
	v41 =	vld.idx.msk [tilespmem:v41+s15+$0x0], $0xffff  }
0x192: {  	v46 =	vor.u32 v55, v48;
	v38 =	vmul.f32 v39, v38;
	v36 =	vadd.f32 $0.0e+00, v36  }
0x193: {  	v57 =	vand.u32 $0x7, v51;
	v51 =	vand.u32 $0xFFFFFFF8, v50;
	v58 =	vadd.s32 v1, v56;
	v43 =	vld.idx.msk [tilespmem:v43+s15+$0x0], $0xffff  }
0x194: {  	v14 =	vld.idx.msk [tilespmem:v14+s14+$0x0], $0xffff;
	v39 =	vor.u32 v57, v58;
	v17 =	vmul.f32 v40, v17;
	v36 =	vadd.f32 v38, v36  }
0x195: {  	v52 =	vand.u32 $0x7, v50;
	v53 =	vadd.s32 v1, v51;
	v54 =	vadd.s32 $0x8, v27;
	v40 =	vld.idx.msk [tilespmem:v45+s15+$0x0], $0xffff  }
0x196: {  	v16 =	vld.idx.msk [tilespmem:v16+s14+$0x0], $0xffff;
	v55 =	vand.u32 $0xFFFFFFF8, v63;
	v35 =	vmul.f32 v41, v35;
	v17 =	vadd.f32 v17, v36  }
0x197: {  	v56 =	vadd.s32 v1, v55;
	v58 =	vand.u32 $0xFFFFFFF8, v62;
	v38 =	vand.u32 $0x7, v63;
	v57 =	vld.idx.msk [tilespmem:v46+s15+$0x0], $0xffff  }
0x198: {  	v4 =	vld.idx.msk [tilespmem:v4+s14+$0x0], $0xffff;
	v63 =	vmul.f32 v43, v37;
	v36 =	vor.u32 v38, v56;
	v17 =	vadd.f32 v35, v17  }
0x199: {  	v62 =	vand.u32 $0x7, v62;
	v55 =	vand.u32 $0xFFFFFFF8, v49;
	v43 =	vadd.s32 v1, v58;
	v48 =	vld.idx.msk [tilespmem:v39+s15+$0x0], $0xffff  }
0x19a: {  	v32 =	vld.idx.msk [tilespmem:v32+s14+$0x0], $0xffff;
	v37 =	vor.u32 v62, v43;
	v14 =	vmul.f32 v40, v14;
	v17 =	vadd.f32 v63, v17  }
0x19b: {  	v54 =	vld.idx.msk [tilespmem:v54+s15+$0x0], $0xffff;
	v45 =	vand.u32 $0x7, v42;
	v58 =	vand.u32 $0x7, v47;
	v62 =	vand.u32 $0xFFFFFFF8, v44  }
0x19c: {  	v29 =	vld.idx.msk [tilespmem:v29+s14+$0x0], $0xffff;
	v35 =	vor.u32 v52, v53;
	v16 =	vmul.f32 v57, v16;
	v14 =	vadd.f32 v14, v17  }
0x19d: {  	v56 =	vand.u32 $0x7, v49;
	v57 =	vand.u32 $0xFFFFFFF8, v47;
	v36 =	vld.idx.msk [tilespmem:v36+s15+$0x0], $0xffff;
	v17 =	vadd.s32 v1, v55  }
0x19e: {  	v28 =	vld.idx.msk [tilespmem:v28+s14+$0x0], $0xffff;
	v4 =	vmul.f32 v48, v4;
	v17 =	vor.u32 v56, v17;
	v14 =	vadd.f32 v16, v14  }
0x19f: {  	v43 =	vadd.s32 v1, v62;
	v37 =	vld.idx.msk [tilespmem:v37+s15+$0x0], $0xffff;
	v63 =	vand.u32 $0x7, v44;
	v16 =	vadd.s32 v1, v57  }
0x1a0: {  	v25 =	vld.idx.msk [tilespmem:v25+s14+$0x0], $0xffff;
	v16 =	vor.u32 v58, v16;
	v4 =	vadd.f32 v4, v14;
	v14 =	vmul.f32 v54, v32  }
0x1a1: {  	v46 =	vadd.s32 $0x12, v11;
	v44 =	vand.u32 $0xFFFFFFF8, v42;
	v35 =	vld.idx.msk [tilespmem:v35+s15+$0x0], $0xffff;
	v32 =	vor.u32 v63, v43  }
0x1a2: {  	v23 =	vld.idx.msk [tilespmem:v23+s14+$0x0], $0xffff;
	v4 =	vadd.f32 v14, v4;
	v14 =	vmul.f32 v36, v29;
	v29 =	vadd.s32 v1, v44  }
0x1a3: {  	v34 =	vadd.s32 $0x14, v11;
	v50 =	vand.u32 $0x7, v46;
	v17 =	vld.idx.msk [tilespmem:v17+s15+$0x0], $0xffff;
	v29 =	vor.u32 v45, v29  }
0x1a4: {  	v21 =	vld.idx.msk [tilespmem:v21+s14+$0x0], $0xffff;
	v4 =	vadd.f32 v14, v4;
	v14 =	vmul.f32 v37, v28;
	v28 =	vadd.s32 $0x11, v11  }
0x1a5: {  	v48 =	vadd.s32 $0x10, v27;
	v16 =	vld.idx.msk [tilespmem:v16+s15+$0x0], $0xffff;
	v49 =	vand.u32 $0xFFFFFFF8, v28;
	v28 =	vand.u32 $0x7, v28  }
0x1a6: {  	v20 =	vld.idx.msk [tilespmem:v20+s14+$0x0], $0xffff;
	v4 =	vadd.f32 v14, v4;
	v14 =	vmul.f32 v35, v25;
	v25 =	vadd.s32 v1, v49  }
0x1a7: {  	v47 =	vadd.s32 $0x13, v11;
	v32 =	vld.idx.msk [tilespmem:v32+s15+$0x0], $0xffff;
	v25 =	vor.u32 v28, v25;
	v28 =	vand.u32 $0xFFFFFFF8, v46  }
0x1a8: {  	v19 =	vld.idx.msk [tilespmem:v19+s14+$0x0], $0xffff;
	v4 =	vadd.f32 v14, v4;
	v14 =	vmul.f32 v17, v23;
	v17 =	vadd.s32 v1, v28  }
0x1a9: {  	v23 =	vld.idx.msk [tilespmem:v29+s15+$0x0], $0xffff;
	v28 =	vand.u32 $0xFFFFFFF8, v47;
	v29 =	vand.u32 $0x7, v47;
	v17 =	vor.u32 v50, v17  }
0x1aa: {  	v18 =	vld.idx.msk [tilespmem:v18+s14+$0x0], $0xffff;
	v4 =	vadd.f32 v14, v4;
	v14 =	vmul.f32 v16, v21;
	v16 =	vadd.s32 v1, v28  }
0x1ab: {  	v21 =	vld.idx.msk [tilespmem:v48+s15+$0x0], $0xffff;
	v28 =	vand.u32 $0xFFFFFFF8, v34;
	v16 =	vor.u32 v29, v16;
	v29 =	vand.u32 $0x7, v34  }
0x1ac: {  	v13 =	vld.idx.msk [tilespmem:v13+s14+$0x0], $0xffff;
	v4 =	vadd.f32 v14, v4;
	v14 =	vmul.f32 v32, v20;
	v20 =	vadd.s32 v1, v28  }
0x1ad: {  	v25 =	vld.idx.msk [tilespmem:v25+s15+$0x0], $0xffff;
	v28 =	vand.u32 $0xFFFFFFF8, v33;
	v20 =	vor.u32 v29, v20;
	v29 =	vand.u32 $0x7, v33  }
0x1ae: {  	v3 =	vld.idx.msk [tilespmem:v3+s14+$0x0], $0xffff;
	v4 =	vadd.f32 v14, v4;
	v14 =	vmul.f32 v23, v19;
	v19 =	vadd.s32 v1, v28  }
0x1af: {  	v17 =	vld.idx.msk [tilespmem:v17+s15+$0x0], $0xffff;
	v23 =	vand.u32 $0xFFFFFFF8, v31;
	v28 =	vand.u32 $0x7, v31;
	v19 =	vor.u32 v29, v19  }
0x1b0: {  	v15 =	vld.idx.msk [tilespmem:v15+s14+$0x0], $0xffff;
	v4 =	vadd.f32 v14, v4;
	v14 =	vmul.f32 v21, v18;
	v18 =	vadd.s32 v1, v23  }
0x1b1: {  	v16 =	vld.idx.msk [tilespmem:v16+s15+$0x0], $0xffff;
	v21 =	vand.u32 $0xFFFFFFF8, v30;
	v23 =	vand.u32 $0x7, v30;
	v18 =	vor.u32 v28, v18  }
0x1b2: {  	v28 =	vld.idx.msk [tilespmem:v61+s14+$0x0], $0xffff;
	v13 =	vmul.f32 v25, v13;
	v4 =	vadd.f32 v14, v4;
	v14 =	vadd.s32 v1, v21  }
0x1b3: {  	v24 =	vadd.s32 $0x1D, v11;
	v20 =	vld.idx.msk [tilespmem:v20+s15+$0x0], $0xffff;
	v21 =	vadd.s32 $0x1A, v11;
	v14 =	vor.u32 v23, v14  }
0x1b4: {  	v0 =	vld.idx.msk [tilespmem:v0+s14+$0x0], $0xffff;
	v3 =	vmul.f32 v17, v3;
	v4 =	vadd.f32 v13, v4;
	v13 =	vadd.s32 $0x19, v11  }
0x1b5: {  	v17 =	vld.idx.msk [tilespmem:v19+s15+$0x0], $0xffff;
	v19 =	vadd.s32 $0x18, v27;
	v25 =	vand.u32 $0xFFFFFFF8, v13;
	v13 =	vand.u32 $0x7, v13  }
0x1b6: {  	v12 =	vld.idx.msk [tilespmem:v12+s14+$0x0], $0xffff;
	v3 =	vadd.f32 v3, v4;
	v4 =	vmul.f32 v16, v15;
	v15 =	vadd.s32 v1, v25  }
0x1b7: {  	v16 =	vld.idx.msk [tilespmem:v18+s15+$0x0], $0xffff;
	v18 =	vand.u32 $0x7, v21;
	v13 =	vor.u32 v13, v15;
	v15 =	vand.u32 $0xFFFFFFF8, v21  }
0x1b8: {  	v10 =	vld.idx.msk [tilespmem:v10+s14+$0x0], $0xffff;
	v3 =	vadd.f32 v4, v3;
	v4 =	vmul.f32 v20, v28;
	v15 =	vadd.s32 v1, v15  }
0x1b9: {  	v23 =	vadd.s32 $0x1B, v11;
	v11 =	vadd.s32 $0x1F, v11;
	v14 =	vld.idx.msk [tilespmem:v14+s15+$0x0], $0xffff;
	v15 =	vor.u32 v18, v15  }
0x1ba: {  	v9 =	vld.idx.msk [tilespmem:v9+s14+$0x0], $0xffff;
	v18 =	vand.u32 $0xFFFFFFF8, v23;
	v0 =	vmul.f32 v17, v0;
	v3 =	vadd.f32 v4, v3  }
0x1bb: {  	v20 =	vand.u32 $0x7, v23;
	v17 =	vld.idx.msk [tilespmem:v19+s15+$0x0], $0xffff;
	v4 =	vadd.s32 v1, v18;
	v18 =	vand.u32 $0xFFFFFFF8, v26  }
0x1bc: {  	v8 =	vld.idx.msk [tilespmem:v8+s14+$0x0], $0xffff;
	v4 =	vor.u32 v20, v4;
	v0 =	vadd.f32 v0, v3;
	v3 =	vmul.f32 v16, v12  }
0x1bd: {  	v19 =	vand.u32 $0x7, v26;
	v12 =	vadd.s32 v1, v18;
	v13 =	vld.idx.msk [tilespmem:v13+s15+$0x0], $0xffff;
	v16 =	vand.u32 $0xFFFFFFF8, v24  }
0x1be: {  	v7 =	vld.idx.msk [tilespmem:v7+s14+$0x0], $0xffff;
	v12 =	vor.u32 v19, v12;
	v0 =	vadd.f32 v3, v0;
	v3 =	vmul.f32 v14, v10  }
0x1bf: {  	v18 =	vand.u32 $0x7, v24;
	v10 =	vadd.s32 v1, v16;
	v14 =	vld.idx.msk [tilespmem:v15+s15+$0x0], $0xffff;
	v15 =	vand.u32 $0xFFFFFFF8, v22  }
0x1c0: {  	v6 =	vld.idx.msk [tilespmem:v6+s14+$0x0], $0xffff;
	v10 =	vor.u32 v18, v10;
	v0 =	vadd.f32 v3, v0;
	v3 =	vmul.f32 v17, v9  }
0x1c1: {  	v16 =	vand.u32 $0x7, v22;
	v9 =	vadd.s32 v1, v15;
	v4 =	vld.idx.msk [tilespmem:v4+s15+$0x0], $0xffff;
	v15 =	vand.u32 $0xFFFFFFF8, v11  }
0x1c2: {  	v5 =	vld.idx.msk [tilespmem:v5+s14+$0x0], $0xffff;
	v9 =	vor.u32 v16, v9;
	v0 =	vadd.f32 v3, v0;
	v3 =	vmul.f32 v13, v8  }
0x1c3: {  	v1 =	vadd.s32 v1, v15;
	v8 =	vand.u32 $0x7, v11;
	v11 =	vld.idx.msk [tilespmem:v12+s15+$0x0], $0xffff  }
0x1c4: {  	v12 =	vld.idx.msk [tilespmem:v60+s14+$0x0], $0xffff;
	v1 =	vor.u32 v8, v1;
	v0 =	vadd.f32 v3, v0;
	v3 =	vmul.f32 v14, v7  }
0x1c5: {  	v7 =	vld.idx.msk [tilespmem:v10+s15+$0x0], $0xffff  }
0x1c6: {  	v8 =	vld.idx.msk [tilespmem:v59+s14+$0x0], $0xffff;
	v0 =	vadd.f32 v3, v0;
	v3 =	vmul.f32 v4, v6  }
0x1c7: {  	v4 =	vld.idx.msk [tilespmem:v9+s15+$0x0], $0xffff  }
0x1c8: {  	v2 =	vld.idx.msk [tilespmem:v2+s14+$0x0], $0xffff;
	v0 =	vadd.f32 v3, v0;
	v3 =	vmul.f32 v11, v5  }
0x1c9: {  	v1 =	vld.idx.msk [tilespmem:v1+s15+$0x0], $0xffff  }
0x1ca: {  	v0 =	vadd.f32 v3, v0;
	v3 =	vmul.f32 v7, v12;
	_ =	sdelay $0x1  }
0x1cb: {  	v0 =	vadd.f32 v3, v0;
	v3 =	vmul.f32 v4, v8;
	_ =	sdelay $0x1  }
0x1cc: {  	v1 =	vmul.f32 v1, v2;
	v0 =	vadd.f32 v3, v0;
	_ =	sdelay $0x1  }
0x1cd: {  	v0 =	vadd.f32 v1, v0;
	_ =	sdelay $0x1  }
0x1ce: {  	v0 =	vsub.f32 $0.0e+00, v0;
	_ =	sdelay $0x1  }
0x1cf: {  	v0 =	vmul.f32 $1.442695020e+00, v0;
	_ =	sdelay $0x1  }
0x1d0: {  	(erf) = vpow2.f32 v0;
	_ =	sdelay $0x8  }
0x1d1: {  	v0 =	vpop (erf)  }
0x1d2: {  	v0 =	vadd.f32 $1.000000000e+00, v0;
	_ =	sdelay $0x1  }
0x1d3: {  	(erf) = vrcp.f32 v0;
	_ =	sdelay $0x8  }
0x1d4: {  	s26 =	sadd.s32 $0x10, s26;
	v0 =	vpop (erf)  }
0x1d5: {  	[tilespmem:s26+$0x0] =	vst v0  }
0x1d6: {  	[tilespmem:s14], [sflag:$0x1] =	stream.indirect.gather [hbm4b:s1+s13], $0x80, s20, s13, $0xb8;
	[tilespmem:$0x10A00] =	vst v63  }
0x1d7: {  	_ = 	snop  }
0x1d8: {  	[tilespmem:s15], [sflag:$0x1] =	stream.indirect.gather [hbm4b:s3+s13], $0x80, s21, s13, $0xb8;
	[tilespmem:$0x10A00] =	vst v63  }
0x1d9: {  	_ = 	snop  }
0x1da: {  	[tilespmem:s16], [sflag:$0x1] =	stream.indirect.gather [hbm4b:s1+s13], $0x80, s22, s13, $0xb8;
	[tilespmem:$0x10A00] =	vst v63  }
0x1db: {  	_ = 	snop  }
0x1dc: {  	[tilespmem:s18], [sflag:$0x1] =	stream.indirect.gather [hbm4b:s3+s13], $0x80, s23, s13, $0xb8;
	[tilespmem:$0x10A00] =	vst v63  }
0x1dd: {  	_ =	swait.ge [sflag:s19], $0x4000  }
0x1de: {  	[sflag:s19] =	ssyncset.done $0x0  }
0x1df: {  	[sflag:s19] =	ssyncadd.s32 $0xFFFFC000  }
0x1e0: {  	_ =	swait.ge [sflag:s19], $0x4000  }
0x1e1: {  	[sflag:s19] =	ssyncset.done $0x0  }
0x1e2: {  	[sflag:s19] =	ssyncadd.s32 $0xFFFFC000  }
0x1e3: {  	_ =	swait.ge [sflag:s19], $0x4000  }
0x1e4: {  	[sflag:s19] =	ssyncset.done $0x0  }
0x1e5: {  	[sflag:s19] =	ssyncadd.s32 $0xFFFFC000  }
0x1e6: {  	_ =	swait.ge [sflag:s19], $0x4000  }
0x1e7: {  	[sflag:s19] =	ssyncset.done $0x0  }
0x1e8: {  	s31 =	simm.s32 $0x500;
	v2 =	vld [tilespmem:$0x1FFF0];
	[sflag:s19] =	ssyncadd.s32 $0xFFFFC000  }
0x1e9: {  	v0 =	vld [tilespmem:s31+$0x0]  }
0x1ea: {  	s31 =	simm.s32 $0x0  }
0x1eb: {  	v1 =	vmov s31  }
0x1ec: {  	v1 =	vshll.u32 v1, $0x7  }
0x1ed: {  	v1 =	vor.u32 v2, v1  }
0x1ee: {  	v3 =	vadd.s32 $0x1E, v0;
	v2 =	vadd.s32 $0x1F, v0;
	v4 =	vadd.s32 $0x1B, v0  }
0x1ef: {  	v5 =	vadd.s32 $0x1C, v0;
	v6 =	vadd.s32 $0x1D, v0;
	v7 =	vadd.s32 $0x17, v0  }
0x1f0: {  	v8 =	vadd.s32 $0x19, v0;
	v9 =	vadd.s32 $0x1A, v0;
	v10 =	vadd.s32 $0x14, v0  }
0x1f1: {  	v11 =	vadd.s32 $0x15, v0;
	v12 =	vadd.s32 $0x16, v0;
	v13 =	vadd.s32 $0x11, v0  }
0x1f2: {  	v14 =	vadd.s32 $0x12, v0;
	v15 =	vadd.s32 $0x13, v0;
	v16 =	vadd.s32 $0xD, v0  }
0x1f3: {  	v17 =	vadd.s32 $0xE, v0;
	v18 =	vadd.s32 $0xF, v0;
	v19 =	vadd.s32 $0xA, v0  }
0x1f4: {  	v20 =	vadd.s32 $0xB, v0;
	v21 =	vadd.s32 $0xC, v0;
	v22 =	vadd.s32 $0x6, v0  }
0x1f5: {  	v23 =	vadd.s32 $0x7, v0;
	v24 =	vadd.s32 $0x9, v0;
	v25 =	vadd.s32 $0x3, v0  }
0x1f6: {  	v26 =	vadd.s32 $0x4, v0;
	v27 =	vadd.s32 $0x5, v0;
	v28 =	vand.u32 $0x7, v0  }
0x1f7: {  	v29 =	vadd.s32 $0x1, v0;
	v30 =	vadd.s32 $0x2, v0;
	v0 =	vand.u32 $0xFFFFFFF8, v0  }
0x1f8: {  	v31 =	vand.u32 $0xFFFFFFF8, v2;
	v2 =	vand.u32 $0x7, v2;
	v32 =	vand.u32 $0x7, v6  }
0x1f9: {  	v33 =	vand.u32 $0xFFFFFFF8, v3;
	v34 =	vand.u32 $0xFFFFFFF8, v5;
	v35 =	vand.u32 $0x7, v5  }
0x1fa: {  	v6 =	vand.u32 $0xFFFFFFF8, v6;
	v36 =	vand.u32 $0x7, v9;
	v37 =	vand.u32 $0xFFFFFFF8, v4  }
0x1fb: {  	v38 =	vand.u32 $0x7, v4;
	v39 =	vand.u32 $0xFFFFFFF8, v8;
	v40 =	vand.u32 $0x7, v8  }
0x1fc: {  	v8 =	vand.u32 $0xFFFFFFF8, v9;
	v41 =	vand.u32 $0x7, v12;
	v9 =	vand.u32 $0xFFFFFFF8, v7  }
0x1fd: {  	v42 =	vand.u32 $0x7, v7;
	v7 =	vand.u32 $0xFFFFFFF8, v11;
	v43 =	vand.u32 $0x7, v11  }
0x1fe: {  	v11 =	vand.u32 $0xFFFFFFF8, v12;
	v44 =	vand.u32 $0x7, v15;
	v12 =	vand.u32 $0xFFFFFFF8, v10  }
0x1ff: {  	v10 =	vand.u32 $0x7, v10;
	v45 =	vand.u32 $0xFFFFFFF8, v14;
	v46 =	vand.u32 $0x7, v14  }
0x200: {  	v14 =	vand.u32 $0xFFFFFFF8, v15;
	v15 =	vand.u32 $0x7, v18;
	v47 =	vand.u32 $0xFFFFFFF8, v13  }
0x201: {  	v13 =	vand.u32 $0x7, v13;
	v48 =	vand.u32 $0xFFFFFFF8, v17;
	v17 =	vand.u32 $0x7, v17  }
0x202: {  	v18 =	vand.u32 $0xFFFFFFF8, v18;
	v49 =	vand.u32 $0x7, v21;
	v50 =	vand.u32 $0xFFFFFFF8, v16  }
0x203: {  	v51 =	vand.u32 $0x7, v16;
	v16 =	vand.u32 $0xFFFFFFF8, v20;
	v52 =	vand.u32 $0x7, v20  }
0x204: {  	v20 =	vand.u32 $0xFFFFFFF8, v21;
	v53 =	vand.u32 $0x7, v24;
	v21 =	vand.u32 $0xFFFFFFF8, v19  }
0x205: {  	v54 =	vand.u32 $0x7, v19;
	v19 =	vand.u32 $0xFFFFFFF8, v23;
	v23 =	vand.u32 $0x7, v23  }
0x206: {  	v24 =	vand.u32 $0xFFFFFFF8, v24;
	v55 =	vand.u32 $0x7, v27;
	v56 =	vand.u32 $0xFFFFFFF8, v22  }
0x207: {  	v22 =	vand.u32 $0x7, v22;
	v57 =	vand.u32 $0xFFFFFFF8, v26;
	v58 =	vand.u32 $0x7, v26  }
0x208: {  	v26 =	vand.u32 $0xFFFFFFF8, v27;
	v27 =	vand.u32 $0x7, v30;
	v59 =	vand.u32 $0xFFFFFFF8, v25  }
0x209: {  	v25 =	vand.u32 $0x7, v25;
	v60 =	vand.u32 $0xFFFFFFF8, v29;
	v61 =	vand.u32 $0x7, v29  }
0x20a: {  	v29 =	vand.u32 $0xFFFFFFF8, v30;
	v0 =	vadd.s32 v1, v0;
	[tilespmem:$0x1FEC0] =	vst v2;
	v2 =	vand.u32 $0x7, v3  }
0x20b: {  	v5 =	vadd.s32 v1, v33;
	v4 =	vadd.s32 v1, v31;
	v30 =	vadd.s32 v1, v37  }
0x20c: {  	v31 =	vadd.s32 v1, v34;
	v6 =	vadd.s32 v1, v6;
	v33 =	vadd.s32 v1, v9  }
0x20d: {  	v34 =	vadd.s32 v1, v39;
	v8 =	vadd.s32 v1, v8;
	v37 =	vadd.s32 v1, v12  }
0x20e: {  	v39 =	vadd.s32 v1, v7;
	v62 =	vadd.s32 v1, v11;
	v47 =	vadd.s32 v1, v47  }
0x20f: {  	v45 =	vadd.s32 v1, v45;
	v63 =	vadd.s32 v1, v14;
	v50 =	vadd.s32 v1, v50  }
0x210: {  	v48 =	vadd.s32 v1, v48;
	v3 =	vadd.s32 v1, v21;
	v7 =	vadd.s32 v1, v16  }
0x211: {  	v9 =	vadd.s32 v1, v20;
	v56 =	vadd.s32 v1, v56;
	v11 =	vadd.s32 v1, v19  }
0x212: {  	v12 =	vadd.s32 v1, v24;
	v59 =	vadd.s32 v1, v59;
	v57 =	vadd.s32 v1, v57  }
0x213: {  	v14 =	vadd.s32 v1, v26;
	v0 =	vor.u32 v28, v0;
	v16 =	vadd.s32 v1, v60  }
0x214: {  	[tilespmem:$0x1FEB0] =	vst v2;
	v2 =	vadd.s32 v1, v18;
	v18 =	vadd.s32 v1, v29;
	v6 =	vor.u32 v32, v6  }
0x215: {  	v36 =	vor.u32 v36, v8;
	v8 =	vor.u32 v38, v30;
	v60 =	vor.u32 v35, v31  }
0x216: {  	v38 =	vor.u32 v42, v33;
	v35 =	vadd.s32 $0x18, v0;
	v33 =	vor.u32 v40, v34  }
0x217: {  	v19 =	vor.u32 v10, v37;
	v37 =	vor.u32 v43, v39;
	v34 =	vor.u32 v41, v62  }
0x218: {  	s31 =	simm.s32 $0x700;
	v24 =	vor.u32 v13, v47;
	v21 =	vor.u32 v46, v45;
	v20 =	vor.u32 v44, v63  }
0x219: {  	v10 =	vld [tilespmem:s31+$0x0];
	v29 =	vor.u32 v17, v48;
	v26 =	vadd.s32 $0x10, v0;
	v32 =	vor.u32 v49, v9  }
0x21a: {  	v31 =	vor.u32 v51, v50;
	v9 =	vor.u32 v53, v12;
	v3 =	vor.u32 v54, v3  }
0x21b: {  	v12 =	vor.u32 v55, v14;
	v14 =	vor.u32 v22, v56;
	v11 =	vor.u32 v23, v11  }
0x21c: {  	v39 =	vor.u32 v25, v59;
	v40 =	vor.u32 v58, v57;
	v16 =	vor.u32 v61, v16  }
0x21d: {  	v28 =	vor.u32 v15, v2;
	v2 =	vor.u32 v52, v7;
	v7 =	vadd.s32 $0x8, v0  }
0x21e: {  	v18 =	vor.u32 v27, v18;
	v23 =	vadd.s32 $0x17, v10;
	v17 =	vadd.s32 $0x1C, v10  }
0x21f: {  	v22 =	vand.u32 $0xFFFFFFF8, v10;
	v27 =	vadd.s32 $0x15, v10;
	v25 =	vadd.s32 $0x16, v10  }
0x220: {  	v30 =	vand.u32 $0x7, v10;
	v51 =	vadd.s32 $0x1, v10;
	v53 =	vadd.s32 $0x2, v10  }
0x221: {  	v44 =	vadd.s32 $0xF, v10;
	v55 =	vadd.s32 $0x3, v10;
	v22 =	vadd.s32 v1, v22  }
0x222: {  	v46 =	vadd.s32 $0xE, v10;
	v52 =	vand.u32 $0xFFFFFFF8, v51;
	v22 =	vor.u32 v30, v22  }
0x223: {  	v57 =	vadd.s32 $0x4, v10;
	v41 =	vand.u32 $0x7, v51;
	v42 =	vadd.s32 v1, v52  }
0x224: {  	v49 =	vadd.s32 $0xD, v10;
	v54 =	vand.u32 $0xFFFFFFF8, v53;
	v41 =	vor.u32 v41, v42  }
0x225: {  	v0 =	vld.idx.msk [tilespmem:v0+s14+$0x0], $0xffff;
	v61 =	vadd.s32 $0x5, v10;
	v43 =	vand.u32 $0x7, v53;
	v42 =	vadd.s32 v1, v54  }
0x226: {  	v16 =	vld.idx.msk [tilespmem:v16+s14+$0x0], $0xffff;
	v63 =	vadd.s32 $0x6, v10;
	v56 =	vand.u32 $0xFFFFFFF8, v55;
	v42 =	vor.u32 v43, v42  }
0x227: {  	v45 =	vand.u32 $0x7, v55;
	v59 =	vand.u32 $0xFFFFFFF8, v57;
	v43 =	vadd.s32 v1, v56;
	v58 =	vld.idx.msk [tilespmem:v22+s15+$0x0], $0xffff  }
0x228: {  	v39 =	vld.idx.msk [tilespmem:v39+s14+$0x0], $0xffff;
	v47 =	vand.u32 $0x7, v57;
	v62 =	vand.u32 $0xFFFFFFF8, v61;
	v43 =	vor.u32 v45, v43  }
0x229: {  	v51 =	vadd.s32 $0xC, v10;
	v50 =	vand.u32 $0x7, v61;
	v45 =	vadd.s32 v1, v59;
	v41 =	vld.idx.msk [tilespmem:v41+s15+$0x0], $0xffff  }
0x22a: {  	v18 =	vld.idx.msk [tilespmem:v18+s14+$0x0], $0xffff;
	v57 =	vadd.s32 $0x7, v10;
	v55 =	vand.u32 $0x7, v49;
	v45 =	vor.u32 v47, v45  }
0x22b: {  	v61 =	vand.u32 $0x7, v57;
	v56 =	vand.u32 $0xFFFFFFF8, v63;
	v47 =	vadd.s32 v1, v62;
	v42 =	vld.idx.msk [tilespmem:v42+s15+$0x0], $0xffff  }
0x22c: {  	v40 =	vld.idx.msk [tilespmem:v40+s14+$0x0], $0xffff;
	v59 =	vand.u32 $0xFFFFFFF8, v57;
	v47 =	vor.u32 v50, v47;
	v0 =	vmul.f32 v58, v0  }
0x22d: {  	v62 =	vadd.s32 v1, v59;
	v50 =	vadd.s32 v1, v56;
	v43 =	vld.idx.msk [tilespmem:v43+s15+$0x0], $0xffff;
	v58 =	vand.u32 $0x7, v63  }
0x22e: {  	v12 =	vld.idx.msk [tilespmem:v12+s14+$0x0], $0xffff;
	v48 =	vor.u32 v58, v50;
	v16 =	vmul.f32 v41, v16;
	v0 =	vadd.f32 $0.0e+00, v0  }
0x22f: {  	v30 =	vadd.s32 $0x14, v10;
	v45 =	vld.idx.msk [tilespmem:v45+s15+$0x0], $0xffff;
	v63 =	vadd.s32 $0xA, v10;
	v41 =	vor.u32 v61, v62  }
0x230: {  	v14 =	vld.idx.msk [tilespmem:v14+s14+$0x0], $0xffff;
	v59 =	vand.u32 $0xFFFFFFF8, v63;
	v0 =	vadd.f32 v16, v0;
	v16 =	vmul.f32 v42, v18  }
0x231: {  	v61 =	vand.u32 $0x7, v63;
	v18 =	vadd.s32 $0x9, v10;
	v42 =	vld.idx.msk [tilespmem:v47+s15+$0x0], $0xffff;
	v47 =	vadd.s32 $0x8, v22  }
0x232: {  	v11 =	vld.idx.msk [tilespmem:v11+s14+$0x0], $0xffff;
	v56 =	vand.u32 $0xFFFFFFF8, v18;
	v0 =	vadd.f32 v16, v0;
	v16 =	vmul.f32 v43, v39  }
0x233: {  	v18 =	vand.u32 $0x7, v18;
	v57 =	vadd.s32 v1, v56;
	v58 =	vld.idx.msk [tilespmem:v48+s15+$0x0], $0xffff;
	v39 =	vadd.s32 v1, v59  }
0x234: {  	v9 =	vld.idx.msk [tilespmem:v9+s14+$0x0], $0xffff;
	v18 =	vor.u32 v18, v57;
	v0 =	vadd.f32 v16, v0;
	v16 =	vmul.f32 v45, v40  }
0x235: {  	v52 =	vadd.s32 $0xB, v10;
	v53 =	vand.u32 $0x7, v51;
	v62 =	vld.idx.msk [tilespmem:v41+s15+$0x0], $0xffff;
	v39 =	vor.u32 v61, v39  }
0x236: {  	v7 =	vld.idx.msk [tilespmem:v7+s14+$0x0], $0xffff;
	v63 =	vand.u32 $0xFFFFFFF8, v52;
	v12 =	vmul.f32 v42, v12;
	v0 =	vadd.f32 v16, v0  }
0x237: {  	v48 =	vand.u32 $0x7, v52;
	v52 =	vand.u32 $0xFFFFFFF8, v51;
	v50 =	vld.idx.msk [tilespmem:v47+s15+$0x0], $0xffff;
	v16 =	vadd.s32 v1, v63  }
0x238: {  	v3 =	vld.idx.msk [tilespmem:v3+s14+$0x0], $0xffff;
	v16 =	vor.u32 v48, v16;
	v0 =	vadd.f32 v12, v0;
	v12 =	vmul.f32 v58, v14  }
0x239: {  	v54 =	vand.u32 $0xFFFFFFF8, v49;
	v56 =	vand.u32 $0xFFFFFFF8, v46;
	v14 =	vadd.s32 v1, v52;
	v18 =	vld.idx.msk [tilespmem:v18+s15+$0x0], $0xffff  }
0x23a: {  	v11 =	vmul.f32 v62, v11;
	v39 =	vld.idx.msk [tilespmem:v39+s15+$0x0], $0xffff;
	v14 =	vor.u32 v53, v14;
	v0 =	vadd.f32 v12, v0  }
0x23b: {  	v59 =	vand.u32 $0x7, v44;
	v57 =	vand.u32 $0x7, v46;
	v12 =	vadd.s32 v1, v54  }
0x23c: {  	v2 =	vld.idx.msk [tilespmem:v2+s14+$0x0], $0xffff;
	v7 =	vmul.f32 v50, v7;
	v12 =	vor.u32 v55, v12;
	v0 =	vadd.f32 v11, v0  }
0x23d: {  	v61 =	vadd.s32 $0x13, v10;
	v58 =	vand.u32 $0xFFFFFFF8, v44;
	v11 =	vadd.s32 v1, v56;
	v16 =	vld.idx.msk [tilespmem:v16+s15+$0x0], $0xffff  }
0x23e: {  	v32 =	vld.idx.msk [tilespmem:v32+s14+$0x0], $0xffff;
	v11 =	vor.u32 v57, v11;
	v0 =	vadd.f32 v7, v0;
	v7 =	vmul.f32 v18, v9  }
0x23f: {  	v62 =	vadd.s32 $0x10, v22;
	v3 =	vmul.f32 v39, v3;
	v9 =	vadd.s32 v1, v58;
	v14 =	vld.idx.msk [tilespmem:v14+s15+$0x0], $0xffff  }
0x240: {  	v31 =	vld.idx.msk [tilespmem:v31+s14+$0x0], $0xffff;
	v9 =	vor.u32 v59, v9;
	v0 =	vadd.f32 v7, v0;
	v7 =	vadd.s32 $0x11, v10  }
0x241: {  	v18 =	vadd.s32 $0x12, v10;
	v12 =	vld.idx.msk [tilespmem:v12+s15+$0x0], $0xffff;
	v63 =	vand.u32 $0xFFFFFFF8, v7;
	v7 =	vand.u32 $0x7, v7  }
0x242: {  	v29 =	vld.idx.msk [tilespmem:v29+s14+$0x0], $0xffff;
	v2 =	vmul.f32 v16, v2;
	v0 =	vadd.f32 v3, v0;
	v3 =	vadd.s32 v1, v63  }
0x243: {  	v16 =	vand.u32 $0x7, v18;
	v11 =	vld.idx.msk [tilespmem:v11+s15+$0x0], $0xffff;
	v3 =	vor.u32 v7, v3;
	v7 =	vand.u32 $0xFFFFFFF8, v18  }
0x244: {  	v18 =	vld.idx.msk [tilespmem:v28+s14+$0x0], $0xffff;
	v0 =	vadd.f32 v2, v0;
	v2 =	vmul.f32 v14, v32;
	v7 =	vadd.s32 v1, v7  }
0x245: {  	v9 =	vld.idx.msk [tilespmem:v9+s15+$0x0], $0xffff;
	v14 =	vand.u32 $0xFFFFFFF8, v61;
	v7 =	vor.u32 v16, v7;
	v16 =	vand.u32 $0x7, v61  }
0x246: {  	v26 =	vld.idx.msk [tilespmem:v26+s14+$0x0], $0xffff;
	v0 =	vadd.f32 v2, v0;
	v2 =	vmul.f32 v12, v31;
	v12 =	vadd.s32 v1, v14  }
0x247: {  	v28 =	vand.u32 $0x7, v30;
	v14 =	vld.idx.msk [tilespmem:v62+s15+$0x0], $0xffff;
	v12 =	vor.u32 v16, v12;
	v16 =	vand.u32 $0xFFFFFFF8, v30  }
0x248: {  	v24 =	vld.idx.msk [tilespmem:v24+s14+$0x0], $0xffff;
	v0 =	vadd.f32 v2, v0;
	v2 =	vmul.f32 v11, v29;
	v11 =	vadd.s32 v1, v16  }
0x249: {  	v3 =	vld.idx.msk [tilespmem:v3+s15+$0x0], $0xffff;
	v16 =	vand.u32 $0xFFFFFFF8, v27;
	v27 =	vand.u32 $0x7, v27;
	v11 =	vor.u32 v28, v11  }
0x24a: {  	v21 =	vld.idx.msk [tilespmem:v21+s14+$0x0], $0xffff;
	v0 =	vadd.f32 v2, v0;
	v2 =	vmul.f32 v9, v18;
	v9 =	vadd.s32 v1, v16  }
0x24b: {  	v7 =	vld.idx.msk [tilespmem:v7+s15+$0x0], $0xffff;
	v16 =	vand.u32 $0xFFFFFFF8, v25;
	v18 =	vand.u32 $0x7, v25;
	v9 =	vor.u32 v27, v9  }
0x24c: {  	v20 =	vld.idx.msk [tilespmem:v20+s14+$0x0], $0xffff;
	v0 =	vadd.f32 v2, v0;
	v2 =	vmul.f32 v14, v26;
	v14 =	vadd.s32 v1, v16  }
0x24d: {  	v12 =	vld.idx.msk [tilespmem:v12+s15+$0x0], $0xffff;
	v16 =	vand.u32 $0xFFFFFFF8, v23;
	v14 =	vor.u32 v18, v14;
	v18 =	vand.u32 $0x7, v23  }
0x24e: {  	v19 =	vld.idx.msk [tilespmem:v19+s14+$0x0], $0xffff;
	v0 =	vadd.f32 v2, v0;
	v2 =	vmul.f32 v3, v24;
	v3 =	vadd.s32 v1, v16  }
0x24f: {  	v11 =	vld.idx.msk [tilespmem:v11+s15+$0x0], $0xffff;
	v16 =	vadd.s32 $0x1A, v10;
	v3 =	vor.u32 v18, v3;
	v18 =	vadd.s32 $0x1B, v10  }
0x250: {  	v23 =	vld.idx.msk [tilespmem:v37+s14+$0x0], $0xffff;
	v0 =	vadd.f32 v2, v0;
	v2 =	vmul.f32 v7, v21;
	v7 =	vadd.s32 $0x19, v10  }
0x251: {  	v9 =	vld.idx.msk [tilespmem:v9+s15+$0x0], $0xffff;
	v21 =	vadd.s32 $0x18, v22;
	v22 =	vand.u32 $0xFFFFFFF8, v7;
	v7 =	vand.u32 $0x7, v7  }
0x252: {  	v24 =	vld.idx.msk [tilespmem:v34+s14+$0x0], $0xffff;
	v0 =	vadd.f32 v2, v0;
	v2 =	vmul.f32 v12, v20;
	v12 =	vadd.s32 v1, v22  }
0x253: {  	v14 =	vld.idx.msk [tilespmem:v14+s15+$0x0], $0xffff;
	v7 =	vor.u32 v7, v12;
	v12 =	vand.u32 $0xFFFFFFF8, v16;
	v16 =	vand.u32 $0x7, v16  }
0x254: {  	v20 =	vld.idx.msk [tilespmem:v38+s14+$0x0], $0xffff;
	v0 =	vadd.f32 v2, v0;
	v2 =	vmul.f32 v11, v19;
	v11 =	vadd.s32 v1, v12  }
0x255: {  	v3 =	vld.idx.msk [tilespmem:v3+s15+$0x0], $0xffff;
	v12 =	vand.u32 $0xFFFFFFF8, v18;
	v11 =	vor.u32 v16, v11;
	v16 =	vand.u32 $0x7, v18  }
0x256: {  	v18 =	vld.idx.msk [tilespmem:v35+s14+$0x0], $0xffff;
	v0 =	vadd.f32 v2, v0;
	v2 =	vmul.f32 v9, v23;
	v9 =	vadd.s32 v1, v12  }
0x257: {  	v15 =	vadd.s32 $0x1D, v10;
	v12 =	vld.idx.msk [tilespmem:v21+s15+$0x0], $0xffff;
	v9 =	vor.u32 v16, v9;
	v16 =	vand.u32 $0xFFFFFFF8, v17  }
0x258: {  	v19 =	vld.idx.msk [tilespmem:v33+s14+$0x0], $0xffff;
	v17 =	vand.u32 $0x7, v17;
	v0 =	vadd.f32 v2, v0;
	v2 =	vmul.f32 v14, v24  }
0x259: {  	v14 =	vadd.s32 v1, v16;
	v7 =	vld.idx.msk [tilespmem:v7+s15+$0x0], $0xffff;
	v16 =	vand.u32 $0xFFFFFFF8, v15;
	v15 =	vand.u32 $0x7, v15  }
0x25a: {  	v0 =	vadd.f32 v2, v0;
	v2 =	vmul.f32 v3, v20;
	v3 =	vadd.s32 v1, v16  }
0x25b: {  	v13 =	vadd.s32 $0x1E, v10;
	v14 =	vor.u32 v17, v14;
	v3 =	vor.u32 v15, v3  }
0x25c: {  	v17 =	vld.idx.msk [tilespmem:v36+s14+$0x0], $0xffff;
	v15 =	vand.u32 $0xFFFFFFF8, v13;
	v0 =	vadd.f32 v2, v0;
	v2 =	vmul.f32 v12, v18  }
0x25d: {  	v12 =	vadd.s32 v1, v15;
	v15 =	vld [tilespmem:$0x1FEB0]  }
0x25e: {  	v0 =	vadd.f32 v2, v0;
	v2 =	vmul.f32 v7, v19;
	v7 =	vld [tilespmem:$0x1FEC0]  }
0x25f: {  	v11 =	vld.idx.msk [tilespmem:v11+s15+$0x0], $0xffff  }
0x260: {  	v8 =	vld.idx.msk [tilespmem:v8+s14+$0x0], $0xffff;
	v13 =	vand.u32 $0x7, v13  }
0x261: {  	v10 =	vadd.s32 $0x1F, v10;
	v9 =	vld.idx.msk [tilespmem:v9+s15+$0x0], $0xffff;
	v12 =	vor.u32 v13, v12  }
0x262: {  	v13 =	vld.idx.msk [tilespmem:v60+s14+$0x0], $0xffff;
	v5 =	vor.u32 v15, v5;
	v15 =	vand.u32 $0xFFFFFFF8, v10  }
0x263: {  	v1 =	vadd.s32 v1, v15;
	v4 =	vor.u32 v7, v4;
	v7 =	vand.u32 $0x7, v10;
	v10 =	vld.idx.msk [tilespmem:v14+s15+$0x0], $0xffff  }
0x264: {  	v6 =	vld.idx.msk [tilespmem:v6+s14+$0x0], $0xffff;
	v0 =	vadd.f32 v2, v0;
	v2 =	vmul.f32 v11, v17;
	v1 =	vor.u32 v7, v1  }
0x265: {  	v3 =	vld.idx.msk [tilespmem:v3+s15+$0x0], $0xffff  }
0x266: {  	v0 =	vadd.f32 v2, v0;
	v2 =	vmul.f32 v9, v8;
	v7 =	vld.idx.msk [tilespmem:v12+s15+$0x0], $0xffff  }
0x267: {  	v5 =	vld.idx.msk [tilespmem:v5+s14+$0x0], $0xffff  }
0x268: {  	v0 =	vadd.f32 v2, v0;
	v4 =	vld.idx.msk [tilespmem:v4+s14+$0x0], $0xffff;
	v2 =	vmul.f32 v10, v13  }
0x269: {  	v1 =	vld.idx.msk [tilespmem:v1+s15+$0x0], $0xffff  }
0x26a: {  	v0 =	vadd.f32 v2, v0;
	v2 =	vmul.f32 v3, v6;
	_ =	sdelay $0x1  }
0x26b: {  	v0 =	vadd.f32 v2, v0;
	v2 =	vmul.f32 v7, v5;
	_ =	sdelay $0x1  }
0x26c: {  	v0 =	vadd.f32 v2, v0;
	v1 =	vmul.f32 v1, v4;
	_ =	sdelay $0x1  }
0x26d: {  	v0 =	vadd.f32 v1, v0;
	_ =	sdelay $0x1  }
0x26e: {  	v0 =	vsub.f32 $0.0e+00, v0;
	_ =	sdelay $0x1  }
0x26f: {  	v0 =	vmul.f32 $1.442695020e+00, v0;
	_ =	sdelay $0x1  }
0x270: {  	(erf) = vpow2.f32 v0;
	_ =	sdelay $0x8  }
0x271: {  	v0 =	vpop (erf)  }
0x272: {  	v0 =	vadd.f32 $1.000000000e+00, v0;
	_ =	sdelay $0x1  }
0x273: {  	(erf) = vrcp.f32 v0;
	_ =	sdelay $0x8  }
0x274: {  	s26 =	simm.s32 $0x10900;
	v0 =	vpop (erf)  }
0x275: {  	s28 =	simm.s32 $0x510;
	v2 =	vld [tilespmem:$0x1FFF0];
	[tilespmem:s26+$0x0] =	vst v0  }
0x276: {  	v0 =	vld [tilespmem:s28+$0x0];
	_ =	sdelay $0x1  }
0x277: {  	s29 =	simm.s32 $0x10  }
0x278: {  	v1 =	vmov s29  }
0x279: {  	v1 =	vshll.u32 v1, $0x7  }
0x27a: {  	v1 =	vor.u32 v2, v1;
	v2 =	vadd.s32 $0x1E, v0;
	v3 =	vadd.s32 $0x1F, v0  }
0x27b: {  	v4 =	vadd.s32 $0x1B, v0;
	v5 =	vadd.s32 $0x1C, v0;
	v6 =	vadd.s32 $0x1D, v0  }
0x27c: {  	v7 =	vadd.s32 $0x17, v0;
	v8 =	vadd.s32 $0x19, v0;
	v9 =	vadd.s32 $0x1A, v0  }
0x27d: {  	v10 =	vadd.s32 $0x14, v0;
	v11 =	vadd.s32 $0x15, v0;
	v12 =	vadd.s32 $0x16, v0  }
0x27e: {  	v13 =	vadd.s32 $0x11, v0;
	v14 =	vadd.s32 $0x12, v0;
	v15 =	vadd.s32 $0x13, v0  }
0x27f: {  	v16 =	vadd.s32 $0xD, v0;
	v17 =	vadd.s32 $0xE, v0;
	v18 =	vadd.s32 $0xF, v0  }
0x280: {  	v19 =	vadd.s32 $0xA, v0;
	v20 =	vadd.s32 $0xB, v0;
	v21 =	vadd.s32 $0xC, v0  }
0x281: {  	v23 =	vadd.s32 $0x6, v0;
	v22 =	vadd.s32 $0x7, v0;
	v24 =	vadd.s32 $0x9, v0  }
0x282: {  	v25 =	vadd.s32 $0x3, v0;
	v28 =	vadd.s32 $0x4, v0;
	v29 =	vadd.s32 $0x5, v0  }
0x283: {  	v26 =	vand.u32 $0x7, v0;
	v33 =	vadd.s32 $0x1, v0;
	v34 =	vadd.s32 $0x2, v0  }
0x284: {  	v0 =	vand.u32 $0xFFFFFFF8, v0;
	v61 =	vand.u32 $0xFFFFFFF8, v3;
	v3 =	vand.u32 $0x7, v3  }
0x285: {  	v60 =	vand.u32 $0xFFFFFFF8, v2;
	v2 =	vand.u32 $0x7, v2;
	v62 =	vand.u32 $0xFFFFFFF8, v4  }
0x286: {  	[tilespmem:$0x1FED0] =	vst v26;
	v44 =	vand.u32 $0x7, v4;
	v42 =	vand.u32 $0xFFFFFFF8, v11;
	v43 =	vand.u32 $0x7, v11  }
0x287: {  	v11 =	vand.u32 $0xFFFFFFF8, v15;
	v35 =	vand.u32 $0xFFFFFFF8, v17;
	[tilespmem:$0x1FEF0] =	vst v2;
	v2 =	vand.u32 $0x7, v5  }
0x288: {  	v53 =	vand.u32 $0x7, v21;
	v4 =	vand.u32 $0xFFFFFFF8, v21;
	[tilespmem:$0x1FF10] =	vst v2;
	v2 =	vand.u32 $0x7, v12  }
0x289: {  	v21 =	vand.u32 $0xFFFFFFF8, v19;
	v57 =	vand.u32 $0x7, v19;
	[tilespmem:$0x1FF20] =	vst v2;
	v2 =	vand.u32 $0xFFFFFFF8, v22  }
0x28a: {  	v19 =	vadd.s32 v1, v11;
	v11 =	vadd.s32 v1, v35;
	v35 =	vadd.s32 v1, v2;
	v2 =	vld [tilespmem:$0x1FED0]  }
0x28b: {  	v63 =	vand.u32 $0xFFFFFFF8, v5;
	v32 =	vand.u32 $0xFFFFFFF8, v8;
	v45 =	vand.u32 $0x7, v8  }
0x28c: {  	v39 =	vand.u32 $0xFFFFFFF8, v7;
	v46 =	vand.u32 $0x7, v7;
	v47 =	vand.u32 $0x7, v15  }
0x28d: {  	v40 =	vand.u32 $0xFFFFFFF8, v10;
	v36 =	vand.u32 $0xFFFFFFF8, v20;
	[tilespmem:$0x1FF00] =	vst v3;
	v3 =	vand.u32 $0x7, v6  }
0x28e: {  	v0 =	vadd.s32 v1, v0;
	[tilespmem:$0x1FEE0] =	vst v3;
	v3 =	vand.u32 $0xFFFFFFF8, v12;
	v12 =	vadd.s32 v1, v42  }
0x28f: {  	v42 =	vadd.s32 v1, v21;
	v21 =	vadd.s32 v1, v36;
	v36 =	vor.u32 v2, v0;
	v0 =	vld [tilespmem:$0x1FEE0]  }
0x290: {  	v48 =	vand.u32 $0x7, v10;
	v10 =	vand.u32 $0xFFFFFFF8, v14;
	v49 =	vand.u32 $0x7, v14  }
0x291: {  	v50 =	vand.u32 $0x7, v18;
	v37 =	vand.u32 $0xFFFFFFF8, v13;
	v52 =	vand.u32 $0x7, v17  }
0x292: {  	v17 =	vand.u32 $0xFFFFFFF8, v18;
	v41 =	vand.u32 $0xFFFFFFF8, v24;
	v6 =	vand.u32 $0xFFFFFFF8, v6  }
0x293: {  	v59 =	vand.u32 $0xFFFFFFF8, v34;
	v18 =	vadd.s32 v1, v17;
	v6 =	vadd.s32 v1, v6  }
0x294: {  	v17 =	vadd.s32 v1, v41;
	v41 =	vadd.s32 v1, v59;
	v59 =	vor.u32 v0, v6;
	v0 =	vld [tilespmem:$0x1FEF0]  }
0x295: {  	v51 =	vand.u32 $0x7, v13;
	v38 =	vand.u32 $0xFFFFFFF8, v16;
	v54 =	vand.u32 $0x7, v16  }
0x296: {  	v55 =	vand.u32 $0x7, v20;
	v56 =	vand.u32 $0x7, v24;
	v26 =	vand.u32 $0x7, v29  }
0x297: {  	v58 =	vand.u32 $0xFFFFFFF8, v23;
	v27 =	vand.u32 $0x7, v23;
	v7 =	vand.u32 $0xFFFFFFF8, v28  }
0x298: {  	v24 =	vand.u32 $0x7, v28;
	v28 =	vand.u32 $0xFFFFFFF8, v29;
	v60 =	vadd.s32 v1, v60  }
0x299: {  	v30 =	vand.u32 $0x7, v34;
	v29 =	vand.u32 $0xFFFFFFF8, v25;
	v60 =	vor.u32 v0, v60;
	v0 =	vld [tilespmem:$0x1FF00]  }
0x29a: {  	v31 =	vand.u32 $0x7, v25;
	v25 =	vand.u32 $0xFFFFFFF8, v33;
	v33 =	vand.u32 $0x7, v33  }
0x29b: {  	v5 =	vand.u32 $0x7, v9;
	v9 =	vand.u32 $0xFFFFFFF8, v9;
	v61 =	vadd.s32 v1, v61  }
0x29c: {  	v62 =	vadd.s32 v1, v62;
	v63 =	vadd.s32 v1, v63;
	v8 =	vadd.s32 v1, v39  }
0x29d: {  	v13 =	vadd.s32 v1, v32;
	v14 =	vadd.s32 v1, v40;
	v16 =	vadd.s32 v1, v37  }
0x29e: {  	v20 =	vadd.s32 v1, v10;
	v34 =	vadd.s32 v1, v58;
	v58 =	vor.u32 v0, v61;
	v0 =	vld [tilespmem:$0x1FF10]  }
0x29f: {  	v32 =	vadd.s32 v1, v38;
	v23 =	vadd.s32 v1, v4;
	v37 =	vadd.s32 v1, v29  }
0x2a0: {  	v38 =	vadd.s32 v1, v7;
	v40 =	vadd.s32 v1, v28;
	v39 =	vadd.s32 v1, v25  }
0x2a1: {  	v9 =	vadd.s32 v1, v9;
	v23 =	vor.u32 v53, v23;
	v10 =	vor.u32 v54, v32  }
0x2a2: {  	v29 =	vor.u32 v56, v17;
	v22 =	vand.u32 $0x7, v22;
	v15 =	vadd.s32 v1, v3  }
0x2a3: {  	v3 =	vor.u32 v48, v14;
	v61 =	vor.u32 v5, v9;
	v5 =	vor.u32 v0, v63;
	v0 =	vld [tilespmem:$0x1FF20]  }
0x2a4: {  	v7 =	vor.u32 v43, v12;
	v25 =	vor.u32 v55, v21;
	v28 =	vor.u32 v57, v42  }
0x2a5: {  	v2 =	vor.u32 v49, v20;
	v4 =	vadd.s32 $0x10, v36;
	v32 =	vadd.s32 $0x8, v36  }
0x2a6: {  	v6 =	vor.u32 v44, v62;
	v62 =	vor.u32 v46, v8;
	v8 =	vor.u32 v45, v13  }
0x2a7: {  	s29 =	simm.s32 $0x710;
	v13 =	vor.u32 v52, v11;
	v9 =	vadd.s32 $0x18, v36;
	v63 =	vor.u32 v51, v16  }
0x2a8: {  	s30 =	simm.s32 $0x20;
	v11 =	vld [tilespmem:s29+$0x0];
	v12 =	vor.u32 v0, v15;
	v15 =	vor.u32 v47, v19;
	v19 =	vor.u32 v50, v18  }
.LBB2_4:
0x2a9: {  	_ =	sdelay $0x1  }
0x2aa: {  	v0 =	vor.u32 v26, v40;
	v40 =	vor.u32 v27, v34;
	v42 =	vor.u32 v22, v35  }
0x2ab: {  	v41 =	vor.u32 v30, v41;
	v43 =	vor.u32 v31, v37;
	v38 =	vor.u32 v24, v38  }
0x2ac: {  	v39 =	vor.u32 v33, v39;
	v24 =	vadd.s32 $0x1E, v11;
	v22 =	vadd.s32 $0x1F, v11  }
0x2ad: {  	v31 =	vadd.s32 $0x17, v11;
	v27 =	vadd.s32 $0x1C, v11;
	v26 =	vadd.s32 $0x1D, v11  }
0x2ae: {  	v30 =	vand.u32 $0xFFFFFFF8, v11;
	v34 =	vadd.s32 $0x15, v11;
	v33 =	vadd.s32 $0x16, v11  }
0x2af: {  	v52 =	vand.u32 $0x7, v11;
	v53 =	vadd.s32 $0x1, v11;
	v35 =	vadd.s32 $0x14, v11  }
0x2b0: {  	v45 =	vadd.s32 $0x2, v11;
	v47 =	vadd.s32 $0x3, v11;
	v30 =	vadd.s32 v1, v30  }
0x2b1: {  	v48 =	vadd.s32 $0xE, v11;
	v44 =	vand.u32 $0xFFFFFFF8, v53;
	v30 =	vor.u32 v52, v30  }
0x2b2: {  	v50 =	vadd.s32 $0x4, v11;
	v37 =	vand.u32 $0x7, v53;
	v44 =	vadd.s32 v1, v44  }
0x2b3: {  	v51 =	vadd.s32 $0xD, v11;
	v46 =	vand.u32 $0xFFFFFFF8, v45;
	v44 =	vor.u32 v37, v44  }
0x2b4: {  	v36 =	vld.idx.msk [tilespmem:v36+s14+$0x0], $0xffff;
	v45 =	vand.u32 $0x7, v45;
	v54 =	vand.u32 $0xFFFFFFF8, v47;
	v46 =	vadd.s32 v1, v46  }
0x2b5: {  	v47 =	vand.u32 $0x7, v47;
	v39 =	vld.idx.msk [tilespmem:v39+s14+$0x0], $0xffff;
	v55 =	vand.u32 $0xFFFFFFF8, v50;
	v45 =	vor.u32 v45, v46  }
0x2b6: {  	v50 =	vand.u32 $0x7, v50;
	v53 =	vadd.s32 $0xC, v11;
	v46 =	vadd.s32 v1, v54;
	v49 =	vld.idx.msk [tilespmem:v30+s15+$0x0], $0xffff  }
0x2b7: {  	v41 =	vld.idx.msk [tilespmem:v41+s14+$0x0], $0xffff;
	v52 =	vadd.s32 $0x5, v11;
	v46 =	vor.u32 v47, v46;
	v47 =	vadd.s32 v1, v55  }
0x2b8: {  	v37 =	vadd.s32 $0xF, v11;
	v54 =	vadd.s32 $0x6, v11;
	v47 =	vor.u32 v50, v47;
	v44 =	vld.idx.msk [tilespmem:v44+s15+$0x0], $0xffff  }
0x2b9: {  	v43 =	vld.idx.msk [tilespmem:v43+s14+$0x0], $0xffff;
	v56 =	vand.u32 $0xFFFFFFF8, v52;
	v52 =	vand.u32 $0x7, v52;
	v57 =	vand.u32 $0xFFFFFFF8, v54  }
0x2ba: {  	v55 =	vadd.s32 $0x7, v11;
	v50 =	vadd.s32 v1, v56;
	v56 =	vand.u32 $0x7, v54;
	v45 =	vld.idx.msk [tilespmem:v45+s15+$0x0], $0xffff  }
0x2bb: {  	v38 =	vld.idx.msk [tilespmem:v38+s14+$0x0], $0xffff;
	v50 =	vor.u32 v52, v50;
	v52 =	vadd.s32 v1, v57;
	v36 =	vmul.f32 v49, v36  }
0x2bc: {  	v57 =	vand.u32 $0x7, v55;
	v46 =	vld.idx.msk [tilespmem:v46+s15+$0x0], $0xffff;
	v49 =	vor.u32 v56, v52;
	v52 =	vand.u32 $0xFFFFFFF8, v55  }
0x2bd: {  	v39 =	vmul.f32 v44, v39;
	v44 =	vld.idx.msk [tilespmem:v47+s15+$0x0], $0xffff;
	v56 =	vadd.s32 v1, v52;
	v36 =	vadd.f32 $0.0e+00, v36  }
0x2be: {  	v54 =	vadd.s32 $0xB, v11;
	v52 =	vadd.s32 $0xA, v11;
	v47 =	vor.u32 v57, v56  }
0x2bf: {  	v0 =	vld.idx.msk [tilespmem:v0+s14+$0x0], $0xffff;
	v36 =	vadd.f32 v39, v36;
	v39 =	vmul.f32 v45, v41;
	v45 =	vadd.s32 $0x9, v11  }
0x2c0: {  	v41 =	vld.idx.msk [tilespmem:v50+s15+$0x0], $0xffff;
	v50 =	vadd.s32 $0x8, v30;
	v57 =	vand.u32 $0xFFFFFFF8, v45;
	v45 =	vand.u32 $0x7, v45  }
0x2c1: {  	v40 =	vld.idx.msk [tilespmem:v40+s14+$0x0], $0xffff;
	v36 =	vadd.f32 v39, v36;
	v39 =	vmul.f32 v46, v43;
	v56 =	vadd.s32 v1, v57  }
0x2c2: {  	v43 =	vld.idx.msk [tilespmem:v49+s15+$0x0], $0xffff;
	v57 =	vand.u32 $0xFFFFFFF8, v52;
	v52 =	vand.u32 $0x7, v52;
	v38 =	vmul.f32 v44, v38  }
0x2c3: {  	v42 =	vld.idx.msk [tilespmem:v42+s14+$0x0], $0xffff;
	v45 =	vor.u32 v45, v56;
	v55 =	vadd.s32 v1, v57;
	v36 =	vadd.f32 v39, v36  }
0x2c4: {  	v56 =	vand.u32 $0xFFFFFFF8, v54;
	v57 =	vand.u32 $0x7, v54;
	v39 =	vld.idx.msk [tilespmem:v47+s15+$0x0], $0xffff;
	v44 =	vor.u32 v52, v55  }
0x2c5: {  	v32 =	vld.idx.msk [tilespmem:v32+s14+$0x0], $0xffff;
	v49 =	vadd.s32 v1, v56;
	v0 =	vmul.f32 v41, v0;
	v36 =	vadd.f32 v38, v36  }
0x2c6: {  	v46 =	vadd.s32 $0x11, v11;
	v52 =	vand.u32 $0x7, v53;
	v41 =	vor.u32 v57, v49;
	v38 =	vld.idx.msk [tilespmem:v50+s15+$0x0], $0xffff  }
0x2c7: {  	v29 =	vld.idx.msk [tilespmem:v29+s14+$0x0], $0xffff;
	v50 =	vand.u32 $0xFFFFFFF8, v53;
	v53 =	vmul.f32 v43, v40;
	v0 =	vadd.f32 v0, v36  }
0x2c8: {  	v55 =	vand.u32 $0xFFFFFFF8, v51;
	v56 =	vand.u32 $0x7, v51;
	v54 =	vadd.s32 v1, v50;
	v40 =	vld.idx.msk [tilespmem:v45+s15+$0x0], $0xffff  }
0x2c9: {  	v28 =	vld.idx.msk [tilespmem:v28+s14+$0x0], $0xffff;
	v43 =	vor.u32 v52, v54;
	v57 =	vmul.f32 v39, v42;
	v0 =	vadd.f32 v53, v0  }
0x2ca: {  	v51 =	vand.u32 $0x7, v48;
	v49 =	vadd.s32 v1, v55;
	v50 =	vand.u32 $0xFFFFFFF8, v48;
	v39 =	vld.idx.msk [tilespmem:v44+s15+$0x0], $0xffff  }
0x2cb: {  	v25 =	vld.idx.msk [tilespmem:v25+s14+$0x0], $0xffff;
	v42 =	vor.u32 v56, v49;
	v32 =	vmul.f32 v38, v32;
	v0 =	vadd.f32 v57, v0  }
0x2cc: {  	v47 =	vadd.s32 $0x10, v30;
	v54 =	vand.u32 $0xFFFFFFF8, v37;
	v52 =	vld.idx.msk [tilespmem:v41+s15+$0x0], $0xffff;
	v53 =	vadd.s32 v1, v50  }
0x2cd: {  	v23 =	vld.idx.msk [tilespmem:v23+s14+$0x0], $0xffff;
	v38 =	vor.u32 v51, v53;
	v29 =	vmul.f32 v40, v29;
	v0 =	vadd.f32 v32, v0  }
0x2ce: {  	v48 =	vand.u32 $0xFFFFFFF8, v46;
	v37 =	vand.u32 $0x7, v37;
	v56 =	vadd.s32 v1, v54;
	v55 =	vld.idx.msk [tilespmem:v43+s15+$0x0], $0xffff  }
0x2cf: {  	v21 =	vld.idx.msk [tilespmem:v10+s14+$0x0], $0xffff;
	v37 =	vor.u32 v37, v56;
	v28 =	vmul.f32 v39, v28;
	v0 =	vadd.f32 v29, v0  }
0x2d0: {  	v45 =	vadd.s32 $0x13, v11;
	v49 =	vadd.s32 v1, v48;
	v57 =	vadd.s32 $0x12, v11;
	v29 =	vld.idx.msk [tilespmem:v42+s15+$0x0], $0xffff  }
0x2d1: {  	v20 =	vld.idx.msk [tilespmem:v13+s14+$0x0], $0xffff;
	v39 =	vand.u32 $0x7, v46;
	v25 =	vmul.f32 v52, v25;
	v0 =	vadd.f32 v28, v0  }
0x2d2: {  	v50 =	vand.u32 $0xFFFFFFF8, v57;
	v51 =	vand.u32 $0x7, v57;
	v36 =	vor.u32 v39, v49;
	v28 =	vld.idx.msk [tilespmem:v38+s15+$0x0], $0xffff  }
0x2d3: {  	v19 =	vld.idx.msk [tilespmem:v19+s14+$0x0], $0xffff;
	v52 =	vadd.s32 v1, v50;
	v23 =	vmul.f32 v55, v23;
	v0 =	vadd.f32 v25, v0  }
0x2d4: {  	v54 =	vand.u32 $0x7, v45;
	v53 =	vand.u32 $0xFFFFFFF8, v45;
	v32 =	vor.u32 v51, v52;
	v25 =	vld.idx.msk [tilespmem:v37+s15+$0x0], $0xffff  }
0x2d5: {  	v18 =	vld.idx.msk [tilespmem:v4+s14+$0x0], $0xffff;
	v21 =	vmul.f32 v29, v21;
	v29 =	vadd.s32 v1, v53;
	v0 =	vadd.f32 v23, v0  }
0x2d6: {  	v55 =	vand.u32 $0xFFFFFFF8, v35;
	v35 =	vand.u32 $0x7, v35;
	v23 =	vld.idx.msk [tilespmem:v47+s15+$0x0], $0xffff;
	v29 =	vor.u32 v54, v29  }
0x2d7: {  	v17 =	vld.idx.msk [tilespmem:v63+s14+$0x0], $0xffff;
	v20 =	vmul.f32 v28, v20;
	v28 =	vadd.s32 v1, v55;
	v0 =	vadd.f32 v21, v0  }
0x2d8: {  	v56 =	vand.u32 $0xFFFFFFF8, v34;
	v34 =	vand.u32 $0x7, v34;
	v21 =	vld.idx.msk [tilespmem:v36+s15+$0x0], $0xffff;
	v28 =	vor.u32 v35, v28  }
0x2d9: {  	v16 =	vld.idx.msk [tilespmem:v2+s14+$0x0], $0xffff;
	v19 =	vmul.f32 v25, v19;
	v25 =	vadd.s32 v1, v56;
	v0 =	vadd.f32 v20, v0  }
0x2da: {  	v57 =	vand.u32 $0xFFFFFFF8, v33;
	v33 =	vand.u32 $0x7, v33;
	v20 =	vld.idx.msk [tilespmem:v32+s15+$0x0], $0xffff;
	v25 =	vor.u32 v34, v25  }
0x2db: {  	v15 =	vld.idx.msk [tilespmem:v15+s14+$0x0], $0xffff;
	v18 =	vmul.f32 v23, v18;
	v23 =	vadd.s32 v1, v57;
	v0 =	vadd.f32 v19, v0  }
0x2dc: {  	v19 =	vld.idx.msk [tilespmem:v29+s15+$0x0], $0xffff;
	v23 =	vor.u32 v33, v23;
	v29 =	vand.u32 $0xFFFFFFF8, v31;
	v31 =	vand.u32 $0x7, v31  }
0x2dd: {  	v14 =	vld.idx.msk [tilespmem:v3+s14+$0x0], $0xffff;
	v17 =	vmul.f32 v21, v17;
	v21 =	vadd.s32 v1, v29;
	v0 =	vadd.f32 v18, v0  }
0x2de: {  	v29 =	vadd.s32 $0x1B, v11;
	v18 =	vld.idx.msk [tilespmem:v28+s15+$0x0], $0xffff;
	v21 =	vor.u32 v31, v21;
	v28 =	vadd.s32 $0x1A, v11  }
0x2df: {  	v13 =	vld.idx.msk [tilespmem:v7+s14+$0x0], $0xffff;
	v11 =	vadd.s32 $0x19, v11;
	v16 =	vmul.f32 v20, v16;
	v0 =	vadd.f32 v17, v0  }
0x2e0: {  	v20 =	vadd.s32 $0x18, v30;
	v17 =	vld.idx.msk [tilespmem:v25+s15+$0x0], $0xffff;
	v25 =	vand.u32 $0xFFFFFFF8, v11;
	v11 =	vand.u32 $0x7, v11  }
0x2e1: {  	v12 =	vld.idx.msk [tilespmem:v12+s14+$0x0], $0xffff;
	v15 =	vmul.f32 v19, v15;
	v19 =	vadd.s32 v1, v25;
	v0 =	vadd.f32 v16, v0  }
0x2e2: {  	v16 =	vld.idx.msk [tilespmem:v23+s15+$0x0], $0xffff;
	v11 =	vor.u32 v11, v19  }
0x2e3: {  	v10 =	vld.idx.msk [tilespmem:v62+s14+$0x0], $0xffff;
	v19 =	vand.u32 $0xFFFFFFF8, v28;
	v14 =	vmul.f32 v18, v14;
	v0 =	vadd.f32 v15, v0  }
0x2e4: {  	v23 =	vand.u32 $0x7, v28;
	v18 =	vadd.s32 v1, v19;
	v19 =	vand.u32 $0xFFFFFFF8, v29;
	v15 =	vld.idx.msk [tilespmem:v21+s15+$0x0], $0xffff  }
0x2e5: {  	v9 =	vld.idx.msk [tilespmem:v9+s14+$0x0], $0xffff;
	v18 =	vor.u32 v23, v18;
	v13 =	vmul.f32 v17, v13;
	v0 =	vadd.f32 v14, v0  }
0x2e6: {  	v21 =	vand.u32 $0x7, v29;
	v17 =	vadd.s32 v1, v19;
	v19 =	vand.u32 $0xFFFFFFF8, v27;
	v14 =	vld.idx.msk [tilespmem:v20+s15+$0x0], $0xffff  }
0x2e7: {  	v8 =	vld.idx.msk [tilespmem:v8+s14+$0x0], $0xffff;
	v17 =	vor.u32 v21, v17;
	v12 =	vmul.f32 v16, v12;
	v0 =	vadd.f32 v13, v0  }
0x2e8: {  	v20 =	vand.u32 $0x7, v27;
	v11 =	vld.idx.msk [tilespmem:v11+s15+$0x0], $0xffff;
	v16 =	vand.u32 $0xFFFFFFF8, v26;
	v13 =	vadd.s32 v1, v19  }
0x2e9: {  	v7 =	vld.idx.msk [tilespmem:v61+s14+$0x0], $0xffff;
	v13 =	vor.u32 v20, v13;
	v10 =	vmul.f32 v15, v10;
	v0 =	vadd.f32 v12, v0  }
0x2ea: {  	v19 =	vand.u32 $0x7, v26;
	v15 =	vadd.s32 v1, v16;
	v16 =	vand.u32 $0xFFFFFFF8, v24;
	v12 =	vld.idx.msk [tilespmem:v18+s15+$0x0], $0xffff  }
0x2eb: {  	v6 =	vld.idx.msk [tilespmem:v6+s14+$0x0], $0xffff;
	v15 =	vor.u32 v19, v15;
	v9 =	vmul.f32 v14, v9;
	v0 =	vadd.f32 v10, v0  }
0x2ec: {  	v18 =	vand.u32 $0x7, v24;
	v14 =	vadd.s32 v1, v16;
	v16 =	vand.u32 $0xFFFFFFF8, v22;
	v10 =	vld.idx.msk [tilespmem:v17+s15+$0x0], $0xffff  }
0x2ed: {  	v5 =	vld.idx.msk [tilespmem:v5+s14+$0x0], $0xffff;
	v14 =	vor.u32 v18, v14;
	v8 =	vmul.f32 v11, v8;
	v0 =	vadd.f32 v9, v0  }
0x2ee: {  	v17 =	vand.u32 $0x7, v22;
	v1 =	vadd.s32 v1, v16;
	v9 =	vld.idx.msk [tilespmem:v13+s15+$0x0], $0xffff  }
0x2ef: {  	v4 =	vld.idx.msk [tilespmem:v59+s14+$0x0], $0xffff;
	v1 =	vor.u32 v17, v1;
	v7 =	vmul.f32 v12, v7;
	v0 =	vadd.f32 v8, v0  }
0x2f0: {  	v8 =	vld.idx.msk [tilespmem:v15+s15+$0x0], $0xffff  }
0x2f1: {  	v3 =	vld.idx.msk [tilespmem:v60+s14+$0x0], $0xffff;
	v6 =	vmul.f32 v10, v6;
	v0 =	vadd.f32 v7, v0  }
0x2f2: {  	v7 =	vld.idx.msk [tilespmem:v14+s15+$0x0], $0xffff  }
0x2f3: {  	v2 =	vld.idx.msk [tilespmem:v58+s14+$0x0], $0xffff;
	v5 =	vmul.f32 v9, v5;
	v0 =	vadd.f32 v6, v0  }
0x2f4: {  	v1 =	vld.idx.msk [tilespmem:v1+s15+$0x0], $0xffff  }
0x2f5: {  	v4 =	vmul.f32 v8, v4;
	v0 =	vadd.f32 v5, v0;
	_ =	sdelay $0x1  }
0x2f6: {  	v3 =	vmul.f32 v7, v3;
	v0 =	vadd.f32 v4, v0;
	_ =	sdelay $0x1  }
0x2f7: {  	v1 =	vmul.f32 v1, v2;
	v0 =	vadd.f32 v3, v0;
	_ =	sdelay $0x1  }
0x2f8: {  	v0 =	vadd.f32 v1, v0;
	_ =	sdelay $0x1  }
0x2f9: {  	v0 =	vsub.f32 $0.0e+00, v0;
	_ =	sdelay $0x1  }
0x2fa: {  	v0 =	vmul.f32 $1.442695020e+00, v0;
	_ =	sdelay $0x1  }
0x2fb: {  	(erf) = vpow2.f32 v0;
	_ =	sdelay $0x8  }
0x2fc: {  	v0 =	vpop (erf)  }
0x2fd: {  	v0 =	vadd.f32 $1.000000000e+00, v0;
	_ =	sdelay $0x1  }
0x2fe: {  	(erf) = vrcp.f32 v0;
	_ =	sdelay $0x8  }
0x2ff: {  	s26 =	sadd.s32 $0x10, s26;
	v0 =	vpop (erf)  }
0x300: {  	s28 =	sadd.s32 $0x10, s28;
	v2 =	vld [tilespmem:$0x1FFF0];
	[tilespmem:s26+$0x0] =	vst v0  }
0x301: {  	v0 =	vld [tilespmem:s28+$0x0];
	_ =	sdelay $0x2  }
0x302: {  	v1 =	vmov s30  }
0x303: {  	v1 =	vshll.u32 v1, $0x7  }
0x304: {  	v1 =	vor.u32 v2, v1;
	v2 =	vadd.s32 $0x1E, v0;
	v3 =	vadd.s32 $0x1F, v0  }
0x305: {  	v4 =	vadd.s32 $0x1B, v0;
	v5 =	vadd.s32 $0x1C, v0;
	v6 =	vadd.s32 $0x1D, v0  }
0x306: {  	v7 =	vadd.s32 $0x17, v0;
	v8 =	vadd.s32 $0x19, v0;
	v9 =	vadd.s32 $0x1A, v0  }
0x307: {  	v10 =	vadd.s32 $0x14, v0;
	v11 =	vadd.s32 $0x15, v0;
	v12 =	vadd.s32 $0x16, v0  }
0x308: {  	v13 =	vadd.s32 $0x11, v0;
	v14 =	vadd.s32 $0x12, v0;
	v15 =	vadd.s32 $0x13, v0  }
0x309: {  	v16 =	vadd.s32 $0xD, v0;
	v17 =	vadd.s32 $0xE, v0;
	v18 =	vadd.s32 $0xF, v0  }
0x30a: {  	v19 =	vadd.s32 $0xA, v0;
	v20 =	vadd.s32 $0xB, v0;
	v21 =	vadd.s32 $0xC, v0  }
0x30b: {  	v23 =	vadd.s32 $0x6, v0;
	v22 =	vadd.s32 $0x7, v0;
	v24 =	vadd.s32 $0x9, v0  }
0x30c: {  	v25 =	vadd.s32 $0x3, v0;
	v28 =	vadd.s32 $0x4, v0;
	v29 =	vadd.s32 $0x5, v0  }
0x30d: {  	v26 =	vand.u32 $0x7, v0;
	v61 =	vadd.s32 $0x1, v0;
	v62 =	vadd.s32 $0x2, v0  }
0x30e: {  	v0 =	vand.u32 $0xFFFFFFF8, v0;
	v35 =	vand.u32 $0xFFFFFFF8, v3;
	v3 =	vand.u32 $0x7, v3  }
0x30f: {  	v42 =	vand.u32 $0x7, v6;
	v63 =	vand.u32 $0xFFFFFFF8, v2;
	v32 =	vand.u32 $0x7, v2  }
0x310: {  	v37 =	vand.u32 $0xFFFFFFF8, v5;
	v5 =	vand.u32 $0x7, v5;
	v6 =	vand.u32 $0xFFFFFFF8, v6  }
0x311: {  	v43 =	vand.u32 $0x7, v9;
	v38 =	vand.u32 $0xFFFFFFF8, v4;
	v44 =	vand.u32 $0x7, v4  }
0x312: {  	v4 =	vand.u32 $0xFFFFFFF8, v8;
	v8 =	vand.u32 $0x7, v8;
	v9 =	vand.u32 $0xFFFFFFF8, v9  }
0x313: {  	v45 =	vand.u32 $0x7, v12;
	v39 =	vand.u32 $0xFFFFFFF8, v7;
	v46 =	vand.u32 $0x7, v7  }
0x314: {  	v7 =	vand.u32 $0xFFFFFFF8, v11;
	v11 =	vand.u32 $0x7, v11;
	v12 =	vand.u32 $0xFFFFFFF8, v12  }
0x315: {  	v47 =	vand.u32 $0x7, v15;
	v40 =	vand.u32 $0xFFFFFFF8, v10;
	v48 =	vand.u32 $0x7, v10  }
0x316: {  	v10 =	vand.u32 $0xFFFFFFF8, v14;
	v49 =	vand.u32 $0x7, v14;
	v14 =	vand.u32 $0xFFFFFFF8, v15  }
0x317: {  	v50 =	vand.u32 $0x7, v18;
	v15 =	vand.u32 $0xFFFFFFF8, v13;
	v51 =	vand.u32 $0x7, v13  }
0x318: {  	v13 =	vand.u32 $0xFFFFFFF8, v17;
	v52 =	vand.u32 $0x7, v17;
	v17 =	vand.u32 $0xFFFFFFF8, v18  }
0x319: {  	v53 =	vand.u32 $0x7, v21;
	v18 =	vand.u32 $0xFFFFFFF8, v16;
	v54 =	vand.u32 $0x7, v16  }
0x31a: {  	v16 =	vand.u32 $0xFFFFFFF8, v20;
	v55 =	vand.u32 $0x7, v20;
	v20 =	vand.u32 $0xFFFFFFF8, v21  }
0x31b: {  	v56 =	vand.u32 $0x7, v24;
	v21 =	vand.u32 $0xFFFFFFF8, v19;
	v57 =	vand.u32 $0x7, v19  }
0x31c: {  	v19 =	vand.u32 $0xFFFFFFF8, v22;
	v22 =	vand.u32 $0x7, v22;
	v41 =	vand.u32 $0xFFFFFFF8, v24  }
0x31d: {  	[tilespmem:$0x1FE90] =	vst v26;
	v26 =	vand.u32 $0x7, v29;
	v58 =	vand.u32 $0xFFFFFFF8, v23;
	v27 =	vand.u32 $0x7, v23  }
0x31e: {  	v23 =	vand.u32 $0xFFFFFFF8, v28;
	v24 =	vand.u32 $0x7, v28;
	v28 =	vand.u32 $0xFFFFFFF8, v29  }
0x31f: {  	v30 =	vand.u32 $0x7, v62;
	v29 =	vand.u32 $0xFFFFFFF8, v25;
	v31 =	vand.u32 $0x7, v25  }
0x320: {  	v25 =	vand.u32 $0xFFFFFFF8, v61;
	v33 =	vand.u32 $0x7, v61;
	v59 =	vand.u32 $0xFFFFFFF8, v62  }
0x321: {  	v0 =	vadd.s32 v1, v0;
	v60 =	vadd.s32 v1, v63;
	v61 =	vadd.s32 v1, v35  }
0x322: {  	v62 =	vadd.s32 v1, v38;
	v63 =	vadd.s32 v1, v37;
	v6 =	vadd.s32 v1, v6  }
0x323: {  	v2 =	vadd.s32 v1, v39;
	v4 =	vadd.s32 v1, v4;
	v9 =	vadd.s32 v1, v9  }
0x324: {  	[tilespmem:$0x1FEA0] =	vst v3;
	v3 =	vadd.s32 v1, v40;
	v7 =	vadd.s32 v1, v7;
	v12 =	vadd.s32 v1, v12  }
0x325: {  	v15 =	vadd.s32 v1, v15;
	v10 =	vadd.s32 v1, v10;
	v14 =	vadd.s32 v1, v14  }
0x326: {  	v18 =	vadd.s32 v1, v18;
	v13 =	vadd.s32 v1, v13;
	v17 =	vadd.s32 v1, v17  }
0x327: {  	v21 =	vadd.s32 v1, v21;
	v16 =	vadd.s32 v1, v16;
	v35 =	vadd.s32 v1, v19;
	v19 =	vld [tilespmem:$0x1FE90]  }
0x328: {  	v20 =	vadd.s32 v1, v20;
	v34 =	vadd.s32 v1, v58;
	v58 =	vadd.s32 v1, v41  }
0x329: {  	v37 =	vadd.s32 v1, v29;
	v38 =	vadd.s32 v1, v23;
	v40 =	vadd.s32 v1, v28  }
0x32a: {  	v39 =	vadd.s32 v1, v25;
	v41 =	vadd.s32 v1, v59;
	v59 =	vor.u32 v42, v6  }
0x32b: {  	v60 =	vor.u32 v32, v60;
	v6 =	vor.u32 v44, v62;
	v5 =	vor.u32 v5, v63  }
0x32c: {  	v62 =	vor.u32 v46, v2;
	v8 =	vor.u32 v8, v4;
	v36 =	vor.u32 v19, v0;
	v0 =	vld [tilespmem:$0x1FEA0]  }
0x32d: {  	p0 =	sne.s32 s30, $0xF0;
	v3 =	vor.u32 v48, v3;
	v7 =	vor.u32 v11, v7;
	v12 =	vor.u32 v45, v12  }
.Ltmp1:
0x32e: {  	v63 =	vor.u32 v51, v15;
	v2 =	vor.u32 v49, v10;
	v15 =	vor.u32 v47, v14;
	(pc) =	sbr.rel @p0 .LBB2_4-.Ltmp1, $4  }
0x32f: {  	v13 =	vor.u32 v52, v13;
	v25 =	vor.u32 v55, v16;
	v23 =	vor.u32 v53, v20  }
0x330: {  	v10 =	vor.u32 v54, v18;
	v29 =	vor.u32 v56, v58;
	v28 =	vor.u32 v57, v21  }
0x331: {  	s29 =	sadd.s32 $0x10, s29;
	v19 =	vor.u32 v50, v17;
	v4 =	vadd.s32 $0x10, v36;
	v0 =	vor.u32 v0, v61  }
0x332: {  	s30 =	sadd.s32 $0x10, s30;
	v11 =	vld [tilespmem:s29+$0x0];
	v32 =	vadd.s32 $0x8, v36;
	v61 =	vor.u32 v43, v9;
	v9 =	vadd.s32 $0x18, v36;
	v58 =	vmovc v0  }
0x333: {  	_ = 	snop  }
0x334: {  	v0 =	vor.u32 v26, v40  }
0x335: {  	v14 =	vor.u32 v27, v34;
	v16 =	vor.u32 v22, v35;
	v17 =	vor.u32 v30, v41  }
0x336: {  	v18 =	vor.u32 v31, v37;
	v20 =	vor.u32 v24, v38;
	v21 =	vor.u32 v33, v39  }
0x337: {  	v22 =	vadd.s32 $0x1E, v11;
	v30 =	vadd.s32 $0x17, v11;
	v26 =	vadd.s32 $0x1C, v11  }
0x338: {  	v24 =	vadd.s32 $0x1D, v11;
	v42 =	vand.u32 $0xFFFFFFF8, v11;
	v33 =	vadd.s32 $0x15, v11  }
0x339: {  	v31 =	vadd.s32 $0x16, v11;
	v43 =	vand.u32 $0x7, v11;
	v44 =	vadd.s32 $0x1, v11  }
0x33a: {  	v34 =	vadd.s32 $0x14, v11;
	v46 =	vadd.s32 $0x2, v11;
	v27 =	vadd.s32 v1, v42  }
0x33b: {  	v39 =	vadd.s32 $0xF, v11;
	v45 =	vand.u32 $0xFFFFFFF8, v44;
	v27 =	vor.u32 v43, v27  }
0x33c: {  	v48 =	vadd.s32 $0x3, v11;
	v35 =	vand.u32 $0x7, v44;
	v37 =	vadd.s32 v1, v45  }
0x33d: {  	v41 =	vadd.s32 $0xE, v11;
	v47 =	vand.u32 $0xFFFFFFF8, v46;
	v35 =	vor.u32 v35, v37  }
0x33e: {  	v57 =	vadd.s32 $0x9, v11;
	v38 =	vand.u32 $0x7, v46;
	v37 =	vadd.s32 v1, v47  }
0x33f: {  	v36 =	vld.idx.msk [tilespmem:v36+s14+$0x0], $0xffff;
	v49 =	vand.u32 $0xFFFFFFF8, v48;
	v40 =	vand.u32 $0x7, v48;
	v37 =	vor.u32 v38, v37  }
0x340: {  	v42 =	vadd.s32 $0x4, v11;
	v44 =	vadd.s32 $0xD, v11;
	v38 =	vadd.s32 v1, v49;
	v43 =	vld.idx.msk [tilespmem:v27+s15+$0x0], $0xffff  }
0x341: {  	v21 =	vld.idx.msk [tilespmem:v21+s14+$0x0], $0xffff;
	v46 =	vadd.s32 $0xC, v11;
	v50 =	vand.u32 $0xFFFFFFF8, v42;
	v38 =	vor.u32 v40, v38  }
0x342: {  	v42 =	vand.u32 $0x7, v42;
	v45 =	vadd.s32 $0x5, v11;
	v40 =	vadd.s32 v1, v50;
	v35 =	vld.idx.msk [tilespmem:v35+s15+$0x0], $0xffff  }
0x343: {  	v17 =	vld.idx.msk [tilespmem:v17+s14+$0x0], $0xffff;
	v48 =	vadd.s32 $0x7, v11;
	v51 =	vand.u32 $0xFFFFFFF8, v45;
	v40 =	vor.u32 v42, v40  }
0x344: {  	v45 =	vand.u32 $0x7, v45;
	v47 =	vadd.s32 $0x6, v11;
	v42 =	vadd.s32 v1, v51;
	v37 =	vld.idx.msk [tilespmem:v37+s15+$0x0], $0xffff  }
0x345: {  	v18 =	vld.idx.msk [tilespmem:v18+s14+$0x0], $0xffff;
	v52 =	vand.u32 $0xFFFFFFF8, v47;
	v42 =	vor.u32 v45, v42;
	v36 =	vmul.f32 v43, v36  }
0x346: {  	v54 =	vand.u32 $0xFFFFFFF8, v48;
	v53 =	vand.u32 $0x7, v47;
	v45 =	vadd.s32 v1, v52;
	v38 =	vld.idx.msk [tilespmem:v38+s15+$0x0], $0xffff  }
0x347: {  	v20 =	vld.idx.msk [tilespmem:v20+s14+$0x0], $0xffff;
	v43 =	vor.u32 v53, v45;
	v21 =	vmul.f32 v35, v21;
	v36 =	vadd.f32 $0.0e+00, v36  }
0x348: {  	v55 =	vand.u32 $0x7, v48;
	v56 =	vadd.s32 v1, v54;
	v47 =	vadd.s32 $0xB, v11;
	v40 =	vld.idx.msk [tilespmem:v40+s15+$0x0], $0xffff  }
0x349: {  	v0 =	vld.idx.msk [tilespmem:v0+s14+$0x0], $0xffff;
	v35 =	vor.u32 v55, v56;
	v17 =	vmul.f32 v37, v17;
	v21 =	vadd.f32 v21, v36  }
0x34a: {  	v52 =	vadd.s32 $0x8, v27;
	v45 =	vadd.s32 $0xA, v11;
	v53 =	vand.u32 $0xFFFFFFF8, v57;
	v37 =	vld.idx.msk [tilespmem:v42+s15+$0x0], $0xffff  }
0x34b: {  	v14 =	vld.idx.msk [tilespmem:v14+s14+$0x0], $0xffff;
	v54 =	vadd.s32 v1, v53;
	v18 =	vmul.f32 v38, v18;
	v17 =	vadd.f32 v17, v21  }
0x34c: {  	v56 =	vand.u32 $0xFFFFFFF8, v45;
	v36 =	vand.u32 $0x7, v57;
	v57 =	vand.u32 $0x7, v45;
	v55 =	vld.idx.msk [tilespmem:v43+s15+$0x0], $0xffff  }
0x34d: {  	v16 =	vld.idx.msk [tilespmem:v16+s14+$0x0], $0xffff;
	v45 =	vmul.f32 v40, v20;
	v21 =	vor.u32 v36, v54;
	v17 =	vadd.f32 v18, v17  }
0x34e: {  	v49 =	vand.u32 $0xFFFFFFF8, v47;
	v50 =	vand.u32 $0x7, v47;
	v48 =	vadd.s32 v1, v56;
	v35 =	vld.idx.msk [tilespmem:v35+s15+$0x0], $0xffff  }
0x34f: {  	v32 =	vld.idx.msk [tilespmem:v32+s14+$0x0], $0xffff;
	v20 =	vor.u32 v57, v48;
	v0 =	vmul.f32 v37, v0;
	v17 =	vadd.f32 v45, v17  }
0x350: {  	v47 =	vand.u32 $0xFFFFFFF8, v39;
	v51 =	vadd.s32 v1, v49;
	v52 =	vld.idx.msk [tilespmem:v52+s15+$0x0], $0xffff;
	v53 =	vand.u32 $0xFFFFFFF8, v46  }
0x351: {  	v29 =	vld.idx.msk [tilespmem:v29+s14+$0x0], $0xffff;
	v18 =	vor.u32 v50, v51;
	v14 =	vmul.f32 v55, v14;
	v0 =	vadd.f32 v0, v17  }
0x352: {  	v56 =	vand.u32 $0xFFFFFFF8, v44;
	v54 =	vand.u32 $0x7, v46;
	v55 =	vadd.s32 v1, v53;
	v21 =	vld.idx.msk [tilespmem:v21+s15+$0x0], $0xffff  }
0x353: {  	v28 =	vld.idx.msk [tilespmem:v28+s14+$0x0], $0xffff;
	v40 =	vmul.f32 v35, v16;
	v17 =	vor.u32 v54, v55;
	v0 =	vadd.f32 v14, v0  }
0x354: {  	v42 =	vadd.s32 v1, v56;
	v57 =	vand.u32 $0x7, v44;
	v43 =	vand.u32 $0xFFFFFFF8, v41;
	v20 =	vld.idx.msk [tilespmem:v20+s15+$0x0], $0xffff  }
0x355: {  	v25 =	vld.idx.msk [tilespmem:v25+s14+$0x0], $0xffff;
	v45 =	vmul.f32 v52, v32;
	v16 =	vor.u32 v57, v42;
	v0 =	vadd.f32 v40, v0  }
0x356: {  	v44 =	vand.u32 $0x7, v41;
	v48 =	vand.u32 $0x7, v39;
	v46 =	vadd.s32 v1, v43;
	v18 =	vld.idx.msk [tilespmem:v18+s15+$0x0], $0xffff  }
0x357: {  	v23 =	vld.idx.msk [tilespmem:v23+s14+$0x0], $0xffff;
	v32 =	vor.u32 v44, v46;
	v49 =	vmul.f32 v21, v29;
	v0 =	vadd.f32 v45, v0  }
0x358: {  	v50 =	vadd.s32 v1, v47;
	v51 =	vadd.s32 $0x12, v11;
	v47 =	vand.u32 $0x7, v34;
	v17 =	vld.idx.msk [tilespmem:v17+s15+$0x0], $0xffff  }
0x359: {  	v10 =	vld.idx.msk [tilespmem:v10+s14+$0x0], $0xffff;
	v53 =	vmul.f32 v20, v28;
	v21 =	vor.u32 v48, v50;
	v0 =	vadd.f32 v49, v0  }
0x35a: {  	v38 =	vand.u32 $0xFFFFFFF8, v51;
	v54 =	vadd.s32 $0x11, v11;
	v55 =	vadd.s32 $0x10, v27;
	v16 =	vld.idx.msk [tilespmem:v16+s15+$0x0], $0xffff  }
0x35b: {  	v13 =	vld.idx.msk [tilespmem:v13+s14+$0x0], $0xffff;
	v56 =	vand.u32 $0xFFFFFFF8, v54;
	v57 =	vmul.f32 v18, v25;
	v0 =	vadd.f32 v53, v0  }
0x35c: {  	v52 =	vadd.s32 $0x13, v11;
	v36 =	vadd.s32 v1, v56;
	v20 =	vand.u32 $0x7, v54;
	v37 =	vld.idx.msk [tilespmem:v32+s15+$0x0], $0xffff  }
0x35d: {  	v19 =	vld.idx.msk [tilespmem:v19+s14+$0x0], $0xffff;
	v18 =	vor.u32 v20, v36;
	v39 =	vmul.f32 v17, v23;
	v0 =	vadd.f32 v57, v0  }
0x35e: {  	v42 =	vand.u32 $0xFFFFFFF8, v52;
	v29 =	vand.u32 $0x7, v51;
	v40 =	vadd.s32 v1, v38;
	v41 =	vld.idx.msk [tilespmem:v21+s15+$0x0], $0xffff  }
0x35f: {  	v4 =	vld.idx.msk [tilespmem:v4+s14+$0x0], $0xffff;
	v10 =	vmul.f32 v16, v10;
	v17 =	vor.u32 v29, v40;
	v0 =	vadd.f32 v39, v0  }
0x360: {  	v46 =	vand.u32 $0xFFFFFFF8, v34;
	v43 =	vand.u32 $0x7, v52;
	v44 =	vadd.s32 v1, v42;
	v45 =	vld.idx.msk [tilespmem:v55+s15+$0x0], $0xffff  }
0x361: {  	v14 =	vor.u32 v43, v44;
	v48 =	vld.idx.msk [tilespmem:v63+s14+$0x0], $0xffff;
	v49 =	vmul.f32 v37, v13;
	v0 =	vadd.f32 v10, v0  }
0x362: {  	v34 =	vadd.s32 $0x18, v27;
	v50 =	vadd.s32 v1, v46;
	v51 =	vand.u32 $0xFFFFFFF8, v33;
	v18 =	vld.idx.msk [tilespmem:v18+s15+$0x0], $0xffff  }
0x363: {  	v2 =	vld.idx.msk [tilespmem:v2+s14+$0x0], $0xffff;
	v13 =	vor.u32 v47, v50;
	v53 =	vmul.f32 v41, v19;
	v0 =	vadd.f32 v49, v0  }
0x364: {  	v52 =	vand.u32 $0x7, v33;
	v54 =	vadd.s32 v1, v51;
	v55 =	vand.u32 $0xFFFFFFF8, v31;
	v17 =	vld.idx.msk [tilespmem:v17+s15+$0x0], $0xffff  }
0x365: {  	v15 =	vld.idx.msk [tilespmem:v15+s14+$0x0], $0xffff;
	v4 =	vmul.f32 v45, v4;
	v19 =	vor.u32 v52, v54;
	v0 =	vadd.f32 v53, v0  }
0x366: {  	v56 =	vand.u32 $0x7, v31;
	v63 =	vand.u32 $0xFFFFFFF8, v30;
	v14 =	vld.idx.msk [tilespmem:v14+s15+$0x0], $0xffff;
	v57 =	vadd.s32 v1, v55  }
0x367: {  	v3 =	vld.idx.msk [tilespmem:v3+s14+$0x0], $0xffff;
	v10 =	vor.u32 v56, v57;
	v29 =	vmul.f32 v18, v48;
	v0 =	vadd.f32 v4, v0  }
0x368: {  	v32 =	vadd.s32 $0x19, v11;
	v25 =	vand.u32 $0x7, v30;
	v16 =	vadd.s32 v1, v63;
	v13 =	vld.idx.msk [tilespmem:v13+s15+$0x0], $0xffff  }
0x369: {  	v7 =	vld.idx.msk [tilespmem:v7+s14+$0x0], $0xffff;
	v16 =	vor.u32 v25, v16;
	v2 =	vmul.f32 v17, v2;
	v0 =	vadd.f32 v29, v0  }
0x36a: {  	v35 =	vand.u32 $0xFFFFFFF8, v32;
	v46 =	vand.u32 $0x7, v26;
	v30 =	vadd.s32 $0x1A, v11;
	v33 =	vld.idx.msk [tilespmem:v19+s15+$0x0], $0xffff  }
0x36b: {  	v12 =	vld.idx.msk [tilespmem:v12+s14+$0x0], $0xffff;
	v31 =	vadd.s32 $0x1B, v11;
	v0 =	vadd.f32 v2, v0;
	v2 =	vmul.f32 v14, v15  }
0x36c: {  	v36 =	vadd.s32 v1, v35;
	v37 =	vand.u32 $0xFFFFFFF8, v30;
	v10 =	vld.idx.msk [tilespmem:v10+s15+$0x0], $0xffff;
	v4 =	vand.u32 $0x7, v32  }
0x36d: {  	v39 =	vld.idx.msk [tilespmem:v62+s14+$0x0], $0xffff;
	v4 =	vor.u32 v4, v36;
	v0 =	vadd.f32 v2, v0;
	v2 =	vmul.f32 v13, v3  }
0x36e: {  	v38 =	vand.u32 $0x7, v30;
	v41 =	vand.u32 $0xFFFFFFF8, v31;
	v40 =	vld.idx.msk [tilespmem:v16+s15+$0x0], $0xffff;
	v3 =	vadd.s32 v1, v37  }
0x36f: {  	v9 =	vld.idx.msk [tilespmem:v9+s14+$0x0], $0xffff;
	v3 =	vor.u32 v38, v3;
	v0 =	vadd.f32 v2, v0;
	v2 =	vmul.f32 v33, v7  }
0x370: {  	v44 =	vld.idx.msk [tilespmem:v34+s15+$0x0], $0xffff;
	v42 =	vand.u32 $0x7, v31;
	v45 =	vand.u32 $0xFFFFFFF8, v26;
	v43 =	vadd.s32 v1, v41  }
0x371: {  	v8 =	vld.idx.msk [tilespmem:v8+s14+$0x0], $0xffff;
	v7 =	vor.u32 v42, v43;
	v0 =	vadd.f32 v2, v0;
	v2 =	vmul.f32 v10, v12  }
0x372: {  	v51 =	vand.u32 $0xFFFFFFF8, v22;
	v47 =	vadd.s32 v1, v45;
	v48 =	vand.u32 $0xFFFFFFF8, v24;
	v4 =	vld.idx.msk [tilespmem:v4+s15+$0x0], $0xffff  }
0x373: {  	v50 =	vld.idx.msk [tilespmem:v61+s14+$0x0], $0xffff;
	v10 =	vor.u32 v46, v47;
	v0 =	vadd.f32 v2, v0;
	v2 =	vmul.f32 v40, v39  }
0x374: {  	v54 =	vadd.s32 $0x1F, v11;
	v49 =	vand.u32 $0x7, v24;
	v12 =	vadd.s32 v1, v48;
	v3 =	vld.idx.msk [tilespmem:v3+s15+$0x0], $0xffff  }
0x375: {  	v6 =	vld.idx.msk [tilespmem:v6+s14+$0x0], $0xffff;
	v12 =	vor.u32 v49, v12;
	v0 =	vadd.f32 v2, v0;
	v2 =	vmul.f32 v44, v9  }
0x376: {  	v52 =	vand.u32 $0x7, v22;
	v55 =	vand.u32 $0xFFFFFFF8, v54;
	v53 =	vadd.s32 v1, v51;
	v7 =	vld.idx.msk [tilespmem:v7+s15+$0x0], $0xffff  }
0x377: {  	v5 =	vld.idx.msk [tilespmem:v5+s14+$0x0], $0xffff;
	v9 =	vor.u32 v52, v53;
	v0 =	vadd.f32 v2, v0;
	v2 =	vmul.f32 v4, v8  }
0x378: {  	v56 =	vand.u32 $0x7, v54;
	v1 =	vadd.s32 v1, v55;
	v57 =	vld.idx.msk [tilespmem:v10+s15+$0x0], $0xffff  }
0x379: {  	v59 =	vld.idx.msk [tilespmem:v59+s14+$0x0], $0xffff;
	v1 =	vor.u32 v56, v1;
	v0 =	vadd.f32 v2, v0;
	v2 =	vmul.f32 v3, v50  }
0x37a: {  	v3 =	vld.idx.msk [tilespmem:v12+s15+$0x0], $0xffff  }
0x37b: {  	v61 =	vld.idx.msk [tilespmem:v60+s14+$0x0], $0xffff;
	v0 =	vadd.f32 v2, v0;
	v2 =	vmul.f32 v7, v6  }
0x37c: {  	v62 =	vld.idx.msk [tilespmem:v9+s15+$0x0], $0xffff  }
0x37d: {  	v63 =	vld.idx.msk [tilespmem:v58+s14+$0x0], $0xffff;
	v0 =	vadd.f32 v2, v0;
	v2 =	vmul.f32 v57, v5  }
0x37e: {  	v1 =	vld.idx.msk [tilespmem:v1+s15+$0x0], $0xffff  }
0x37f: {  	v0 =	vadd.f32 v2, v0;
	v2 =	vmul.f32 v3, v59;
	_ =	sdelay $0x1  }
0x380: {  	v0 =	vadd.f32 v2, v0;
	v2 =	vmul.f32 v62, v61;
	_ =	sdelay $0x1  }
0x381: {  	v1 =	vmul.f32 v1, v63;
	v0 =	vadd.f32 v2, v0;
	_ =	sdelay $0x1  }
0x382: {  	v0 =	vadd.f32 v1, v0;
	_ =	sdelay $0x1  }
0x383: {  	v0 =	vsub.f32 $0.0e+00, v0;
	_ =	sdelay $0x1  }
0x384: {  	v0 =	vmul.f32 $1.442695020e+00, v0;
	_ =	sdelay $0x1  }
0x385: {  	(erf) = vpow2.f32 v0;
	_ =	sdelay $0x8  }
0x386: {  	v0 =	vpop (erf)  }
0x387: {  	v0 =	vadd.f32 $1.000000000e+00, v0;
	_ =	sdelay $0x1  }
0x388: {  	(erf) = vrcp.f32 v0;
	_ =	sdelay $0x7  }
0x389: {  	s25 =	sadd.s32 $0x1, s25  }
0x38a: {  	s26 =	sadd.s32 $0x10, s26;
	p0 =	sne.s32 s25, s10;
	v0 =	vpop (erf)  }
.Ltmp2:
0x38b: {  	[tilespmem:s26+$0x0] =	vst v0;
	(pc) =	sbr.rel @p0 .LBB2_1-.Ltmp2, $4  }
0x38c: {  	[hbm4b:s9+s4] =	stream.linear.scatter [tilespmem:s24], [sflag:$0x2], $0x200, $0x38;
	[tilespmem:$0x10A00] =	vst v63  }
0x38d: {  	_ =	swait.ge [sflag:s11], $0x200  }
0x38e: {  	[sflag:s11] =	ssyncset.done $0x0  }
0x38f: {  	v0 =	vld [tilespmem:$0x1FFF0];
	[sflag:s11] =	ssyncadd.s32 $0xFFFFFE00  }
0x390: {  	_ =	sfence.sel $0x180000  }
0x391: {  	[bflag:$0x0] =	sbarrier.arrive $0xFFFF  }
0x392: {  	p0 =	sne.s32 s2, $0x0;
	_ =	strace $0x90000047  }
0x393: {  	s0 =	sadd.s32 @!p0 $0x100000, s0;
	[bflag:$0x2] =	sbarrier.arrive $0xFFFF  }
0x394: {  	[sflag:s0] =	ssyncadd.tile.s32 @!p0 $0x1;
	_ =	shalt  }
.Lfunc_end2:
_tile_overlayer_lowered:
.L_overlay_start_2:
0x395: {  	(tag) =	ssettag $0x2  }
0x396: {  	s0 =	rddreg [dreg:$0x0];
	s2 =	stileid.u32  }
0x397: {  	s1 =	rddreg [dreg:$0x1];
	p0 =	sne.s32 s2, $0x0  }
0x398: {  	s3 =	rddreg [dreg:$0x2];
	[bflag:$0x3] =	sbarrier.arrive $0xFFFF;
	s2 =	simm.s32 @!p0 $0x1C02  }
0x399: {  	[timem:s3], [sflag:s2] =	dma.local @!p0 [hbm:s0], s1  }
0x39a: {  	s0 =	simm.s32 @!p0 $0x2  }
0x39b: {  	_ =	swait.ge @!p0 [sflag:s0], s1  }
0x39c: {  	s1 =	ssub.s32 @!p0 $0x0, s1;
	[sflag:s0] =	ssyncset.done @!p0 $0x0  }
0x39d: {  	[sflag:s0] =	ssyncadd.s32 @!p0 s1  }
0x39e: {  	[bflag:$0x3] =	sbarrier.arrive $0xFFFF  }
0x39f: {  	_ =	shalt  }

</sc_bundles>
